<compile_context>
chip_gen: v7x
topology: tpu7x:2x2x1
jax: 0.10.2.dev20260603
libtpu: 0.0.44.dev20260713+nightly
codegen_flags: <defaults>
</compile_context>

<pallas_src>
import jax
import jax.numpy as jnp
from jax import lax
from jax.experimental import pallas as pl
from jax.experimental.pallas import tpu as pltpu
from jax.experimental.pallas import tpu_sc as plsc

BATCH = 1024
MAX_LEN = 200
EMBED_DIM = 128
FEATURE_LEN = 64
OUT_DIM = EMBED_DIM + FEATURE_LEN

NUM_CORES = 2
NUM_SUBCORES = 16
NUM_WORKERS = NUM_CORES * NUM_SUBCORES

TOTAL_ROWS = BATCH * MAX_LEN
ROWS_PER_WORKER = TOTAL_ROWS // NUM_WORKERS
CHUNK = 64
NUM_CHUNKS = ROWS_PER_WORKER // CHUNK
NBUF = 5
LOOK = NBUF - 2
STEADY_LO = 2
STEADY_HI = NUM_CHUNKS - LOOK


def _make_sc_kernel():
    mesh = plsc.VectorSubcoreMesh(core_axis_name="c", subcore_axis_name="s")

    @pl.kernel(
        out_type=jax.ShapeDtypeStruct((TOTAL_ROWS, OUT_DIM), jnp.float32),
        mesh=mesh,
        scratch_types=[
            pltpu.VMEM((ROWS_PER_WORKER,), jnp.int32),
            pltpu.VMEM((NBUF, CHUNK, OUT_DIM), jnp.float32),
            pltpu.SemaphoreType.DMA((NBUF,)),
            pltpu.SemaphoreType.DMA((NBUF,)),
            pltpu.SemaphoreType.DMA((NBUF,)),
        ],
    )
    def k(idx_hbm, feat_hbm, table_hbm, out_hbm, idx_v, row_v, gsem, fsem, wsem):
        wid = lax.axis_index("s") * NUM_CORES + lax.axis_index("c")
        base = wid * ROWS_PER_WORKER

        pltpu.sync_copy(idx_hbm.at[pl.ds(base, ROWS_PER_WORKER)], idx_v)

        def fire(c, b):
            pltpu.async_copy(
                table_hbm.at[idx_v.at[pl.ds(c * CHUNK, CHUNK)]],
                row_v.at[b, :, pl.ds(0, EMBED_DIM)],
                gsem.at[b],
            )
            pltpu.async_copy(
                feat_hbm.at[pl.ds(base + c * CHUNK, CHUNK), :],
                row_v.at[b, :, pl.ds(EMBED_DIM, FEATURE_LEN)],
                fsem.at[b],
            )

        def wait_fire(b):
            pltpu.make_async_copy(
                table_hbm.at[idx_v.at[pl.ds(0, CHUNK)]],
                row_v.at[b, :, pl.ds(0, EMBED_DIM)],
                gsem.at[b],
            ).wait()
            pltpu.make_async_copy(
                feat_hbm.at[pl.ds(base, CHUNK), :],
                row_v.at[b, :, pl.ds(EMBED_DIM, FEATURE_LEN)],
                fsem.at[b],
            ).wait()

        def out_slice(c):
            return out_hbm.at[pl.ds(base + c * CHUNK, CHUNK), :]

        def fire_write(c, b):
            pltpu.async_copy(row_v.at[b], out_slice(c), wsem.at[b])

        def wait_write(b):
            pltpu.make_async_copy(row_v.at[b], out_slice(0), wsem.at[b]).wait()

        for c in range(LOOK):
            fire(c, c)

        for c in range(STEADY_LO):
            b, bf = c % NBUF, (c + LOOK) % NBUF
            wait_fire(b)
            fire_write(c, b)
            fire(c + LOOK, bf)

        @pl.loop(STEADY_LO, STEADY_HI, step=NBUF)
        def _(i):
            for j in range(NBUF):
                b, bf = (STEADY_LO + j) % NBUF, (STEADY_LO + j + LOOK) % NBUF
                c = i + j
                wait_fire(b)
                fire_write(c, b)
                wait_write(bf)
                fire(c + LOOK, bf)

        for c in range(STEADY_HI, NUM_CHUNKS):
            b = c % NBUF
            wait_fire(b)
            fire_write(c, b)
            wait_write((c + LOOK) % NBUF)

        for c in range(NUM_CHUNKS - 2, NUM_CHUNKS):
            wait_write(c % NBUF)

    return k


_sc_kernel = _make_sc_kernel()


def kernel(indices, other_features, table):
    idx_flat = indices.reshape(TOTAL_ROWS).astype(jnp.int32)
    feat_flat = other_features.reshape(TOTAL_ROWS, FEATURE_LEN)
    out = _sc_kernel(idx_flat, feat_flat, table)
    return out.reshape(BATCH, MAX_LEN, OUT_DIM)

# --- scband reference (transcript-rebuilt; emitter-appended) ---
"""Pipeline reference for scband-lstmhybrid-input-mixin-730144440378 (READ-ONLY COPY).

The authoritative reference and input builder live on the scoring server;
editing this copy changes nothing except your own understanding.
"""

import jax, jax.numpy as jnp
import numpy as np

VOCAB_LEN = 100000
MAX_LEN = 200
FEATURE_LEN = 64
EMBED_DIM = 128
BATCH = 1024


def setup_inputs(seed: int = 0) -> dict:
    key = jax.random.key(seed)
    k1, k2, k3 = jax.random.split(key, 3)
    indices = jax.random.randint(k1, (BATCH, MAX_LEN), 0, VOCAB_LEN, dtype=jnp.int64 if jax.config.jax_enable_x64 else jnp.int32)
    other_features = jax.random.normal(k2, (BATCH, MAX_LEN, FEATURE_LEN), dtype=jnp.float32)
    # learned embedding table (vocab_len x embed_dim), keras default uniform init
    table = jax.random.uniform(k3, (VOCAB_LEN, EMBED_DIM), dtype=jnp.float32, minval=-0.05, maxval=0.05)
    return {"indices": indices, "other_features": other_features, "table": table}


def reference(indices, other_features, table):
    # HybridEmbedderLayer.call: embed indices then concat with dense features
    embeddings = jnp.take(table, indices, axis=0)  # [B, L, embed_dim]
    features = jnp.concatenate([embeddings, other_features], axis=-1)  # [B, L, embed_dim + feature_len]
    return features

if __name__ == "__main__":
    import jax
    _d = setup_inputs()
    print(jax.jit(kernel)(*tuple(_d.values())))

</pallas_src>

<mosaic_0001>
#map = affine_map<(d0, d1) -> (0)>
#map1 = affine_map<(d0, d1) -> (0, 0)>
module attributes {stable_mosaic.version = 14 : i64} {
  func.func @k(%arg0: i32, %arg1: i32, %arg2: memref<204800xi32, #tpu.memory_space<hbm>>, %arg3: memref<204800x64xf32, #tpu.memory_space<hbm>>, %arg4: memref<100000x128xf32, #tpu.memory_space<hbm>>, %arg5: memref<204800x192xf32, #tpu.memory_space<hbm>>, %arg6: memref<6400xi32, #tpu.memory_space<vmem>>, %arg7: memref<5x64x192xf32, #tpu.memory_space<vmem>>, %arg8: memref<5x!tpu.dma_semaphore, #tpu.memory_space<semaphore_mem>>, %arg9: memref<5x!tpu.dma_semaphore, #tpu.memory_space<semaphore_mem>>, %arg10: memref<5x!tpu.dma_semaphore, #tpu.memory_space<semaphore_mem>>) attributes {dimension_semantics = [#tpu.dimension_semantics<core_parallel>, #tpu.dimension_semantics<subcore_parallel>], iteration_bounds = array<i64: 2, 16>, scalar_prefetch = 0 : i64, scratch_operands = 5 : i64, tpu.core_type = #tpu.core_type<sc_vector_subcore>, window_params = [{transform_indices = #map}, {transform_indices = #map1}, {transform_indices = #map1}, {transform_indices = #map1}]} {
    %mul3A = arith.constant 2 : i32
    %mul3A_0 = arith.muli %arg1, %mul3A : i32
    %add3A = arith.addi %mul3A_0, %arg0 : i32
    %mul3A_1 = arith.constant 6400 : i32
    %mul3A_2 = arith.muli %add3A, %mul3A_1 : i32
    "tpu.region"() ({
      %run_scoped3A = tpu.sem_alloc : memref<!tpu.dma_semaphore, #tpu.memory_space<semaphore_mem>>
      %dma_start3A_485 = tpu.memref_slice %arg2[%mul3A_2] : memref<204800xi32, #tpu.memory_space<hbm>> -> memref<6400xi32, #tpu.memory_space<hbm>>
      %dma_start3A_486 = tpu.memref_slice %arg2[%mul3A_2] : memref<204800xi32, #tpu.memory_space<hbm>> -> memref<6400xi32, #tpu.memory_space<hbm>>
      tpu.enqueue_dma source(%dma_start3A_486 : memref<6400xi32, #tpu.memory_space<hbm>>) target(%arg6 : memref<6400xi32, #tpu.memory_space<vmem>>) target_semaphore(%run_scoped3A : memref<!tpu.dma_semaphore, #tpu.memory_space<semaphore_mem>>)
      %dma_wait3A_487 = tpu.memref_slice %arg2[%mul3A_2] : memref<204800xi32, #tpu.memory_space<hbm>> -> memref<6400xi32, #tpu.memory_space<hbm>>
      %dma_wait3A_488 = tpu.memref_slice %arg2[%mul3A_2] : memref<204800xi32, #tpu.memory_space<hbm>> -> memref<6400xi32, #tpu.memory_space<hbm>>
      tpu.wait_dma2 semaphore(%run_scoped3A : memref<!tpu.dma_semaphore, #tpu.memory_space<semaphore_mem>>) src(%dma_wait3A_488 : memref<6400xi32, #tpu.memory_space<hbm>>) dst(%arg6 : memref<6400xi32, #tpu.memory_space<vmem>>)
      tpu.yield
    }) : () -> ()
    %dma_start3A = arith.constant 0 : i32
    %dma_start3A_3 = arith.constant 0 : i32
    %dma_start3A_4 = arith.constant 0 : i32
    %dma_start3A_5 = arith.constant 0 : i32
    %dma_start3A_6 = tpu.memref_slice %arg7[%dma_start3A, %dma_start3A_4, %dma_start3A_5] : memref<5x64x192xf32, #tpu.memory_space<vmem>> -> memref<1x64x128xf32, #tpu.memory_space<vmem>>
    %dma_start3A_7 = tpu.memref_squeeze %dma_start3A_6 : memref<1x64x128xf32, #tpu.memory_space<vmem>> -> memref<64x128xf32, #tpu.memory_space<vmem>>
    %dma_start3A_8 = arith.constant 0 : i32
    %dma_start3A_9 = tpu.memref_slice %arg6[%dma_start3A_8] : memref<6400xi32, #tpu.memory_space<vmem>> -> memref<64xi32, #tpu.memory_space<vmem>>
    %dma_start3A_10 = arith.constant 0 : i32
    %dma_start3A_11 = arith.constant 0 : i32
    %dma_start3A_12 = tpu.memref_slice %arg4[%dma_start3A_10, %dma_start3A_11] : memref<100000x128xf32, #tpu.memory_space<hbm>> -> memref<100000x128xf32, #tpu.memory_space<hbm>>
    %dma_start3A_13 = tpu.memref_slice %arg8[%dma_start3A_3] : memref<5x!tpu.dma_semaphore, #tpu.memory_space<semaphore_mem>> -> memref<1x!tpu.dma_semaphore, #tpu.memory_space<semaphore_mem>>
    %dma_start3A_14 = tpu.memref_squeeze %dma_start3A_13 : memref<1x!tpu.dma_semaphore, #tpu.memory_space<semaphore_mem>> -> memref<!tpu.dma_semaphore, #tpu.memory_space<semaphore_mem>>
    tpu.enqueue_indirect_dma source(%dma_start3A_12 : memref<100000x128xf32, #tpu.memory_space<hbm>>) target(%dma_start3A_7 : memref<64x128xf32, #tpu.memory_space<vmem>>) offsets(%dma_start3A_9 : memref<64xi32, #tpu.memory_space<vmem>>) semaphore(%dma_start3A_14 : memref<!tpu.dma_semaphore, #tpu.memory_space<semaphore_mem>>)
    %add3A_15 = arith.constant 0 : i32
    %add3A_16 = arith.addi %mul3A_2, %add3A_15 : i32
    %dma_start3A_17 = arith.constant 0 : i32
    %dma_start3A_18 = arith.constant 0 : i32
    %dma_start3A_19 = arith.constant 0 : i32
    %dma_start3A_20 = arith.constant 128 : i32
    %dma_start3A_21 = tpu.memref_slice %arg7[%dma_start3A_17, %dma_start3A_19, %dma_start3A_20] : memref<5x64x192xf32, #tpu.memory_space<vmem>> -> memref<1x64x64xf32, #tpu.memory_space<vmem>>
    %dma_start3A_22 = tpu.memref_squeeze %dma_start3A_21 : memref<1x64x64xf32, #tpu.memory_space<vmem>> -> memref<64x64xf32, #tpu.memory_space<vmem>>
    %dma_start3A_23 = arith.constant 0 : i32
    %dma_start3A_24 = tpu.memref_slice %arg3[%add3A_16, %dma_start3A_23] : memref<204800x64xf32, #tpu.memory_space<hbm>> -> memref<64x64xf32, #tpu.memory_space<hbm>>
    %dma_start3A_25 = tpu.memref_slice %arg9[%dma_start3A_18] : memref<5x!tpu.dma_semaphore, #tpu.memory_space<semaphore_mem>> -> memref<1x!tpu.dma_semaphore, #tpu.memory_space<semaphore_mem>>
    %dma_start3A_26 = tpu.memref_squeeze %dma_start3A_25 : memref<1x!tpu.dma_semaphore, #tpu.memory_space<semaphore_mem>> -> memref<!tpu.dma_semaphore, #tpu.memory_space<semaphore_mem>>
    %dma_start3A_27 = arith.constant 0 : i32
    %dma_start3A_28 = arith.constant 128 : i32
    %dma_start3A_29 = tpu.memref_slice %arg7[%dma_start3A_17, %dma_start3A_27, %dma_start3A_28] : memref<5x64x192xf32, #tpu.memory_space<vmem>> -> memref<1x64x64xf32, #tpu.memory_space<vmem>>
    %dma_start3A_30 = tpu.memref_squeeze %dma_start3A_29 : memref<1x64x64xf32, #tpu.memory_space<vmem>> -> memref<64x64xf32, #tpu.memory_space<vmem>>
    %dma_start3A_31 = arith.constant 0 : i32
    %dma_start3A_32 = tpu.memref_slice %arg3[%add3A_16, %dma_start3A_31] : memref<204800x64xf32, #tpu.memory_space<hbm>> -> memref<64x64xf32, #tpu.memory_space<hbm>>
    tpu.enqueue_dma source(%dma_start3A_32 : memref<64x64xf32, #tpu.memory_space<hbm>>) target(%dma_start3A_30 : memref<64x64xf32, #tpu.memory_space<vmem>>) target_semaphore(%dma_start3A_26 : memref<!tpu.dma_semaphore, #tpu.memory_space<semaphore_mem>>)
    %dma_start3A_33 = arith.constant 1 : i32
    %dma_start3A_34 = arith.constant 1 : i32
    %dma_start3A_35 = arith.constant 0 : i32
    %dma_start3A_36 = arith.constant 0 : i32
    %dma_start3A_37 = tpu.memref_slice %arg7[%dma_start3A_33, %dma_start3A_35, %dma_start3A_36] : memref<5x64x192xf32, #tpu.memory_space<vmem>> -> memref<1x64x128xf32, #tpu.memory_space<vmem>>
    %dma_start3A_38 = tpu.memref_squeeze %dma_start3A_37 : memref<1x64x128xf32, #tpu.memory_space<vmem>> -> memref<64x128xf32, #tpu.memory_space<vmem>>
    %dma_start3A_39 = arith.constant 64 : i32
    %dma_start3A_40 = tpu.memref_slice %arg6[%dma_start3A_39] : memref<6400xi32, #tpu.memory_space<vmem>> -> memref<64xi32, #tpu.memory_space<vmem>>
    %dma_start3A_41 = arith.constant 0 : i32
    %dma_start3A_42 = arith.constant 0 : i32
    %dma_start3A_43 = tpu.memref_slice %arg4[%dma_start3A_41, %dma_start3A_42] : memref<100000x128xf32, #tpu.memory_space<hbm>> -> memref<100000x128xf32, #tpu.memory_space<hbm>>
    %dma_start3A_44 = tpu.memref_slice %arg8[%dma_start3A_34] : memref<5x!tpu.dma_semaphore, #tpu.memory_space<semaphore_mem>> -> memref<1x!tpu.dma_semaphore, #tpu.memory_space<semaphore_mem>>
    %dma_start3A_45 = tpu.memref_squeeze %dma_start3A_44 : memref<1x!tpu.dma_semaphore, #tpu.memory_space<semaphore_mem>> -> memref<!tpu.dma_semaphore, #tpu.memory_space<semaphore_mem>>
    tpu.enqueue_indirect_dma source(%dma_start3A_43 : memref<100000x128xf32, #tpu.memory_space<hbm>>) target(%dma_start3A_38 : memref<64x128xf32, #tpu.memory_space<vmem>>) offsets(%dma_start3A_40 : memref<64xi32, #tpu.memory_space<vmem>>) semaphore(%dma_start3A_45 : memref<!tpu.dma_semaphore, #tpu.memory_space<semaphore_mem>>)
    %add3A_46 = arith.constant 64 : i32
    %add3A_47 = arith.addi %mul3A_2, %add3A_46 : i32
    %dma_start3A_48 = arith.constant 1 : i32
    %dma_start3A_49 = arith.constant 1 : i32
    %dma_start3A_50 = arith.constant 0 : i32
    %dma_start3A_51 = arith.constant 128 : i32
    %dma_start3A_52 = tpu.memref_slice %arg7[%dma_start3A_48, %dma_start3A_50, %dma_start3A_51] : memref<5x64x192xf32, #tpu.memory_space<vmem>> -> memref<1x64x64xf32, #tpu.memory_space<vmem>>
    %dma_start3A_53 = tpu.memref_squeeze %dma_start3A_52 : memref<1x64x64xf32, #tpu.memory_space<vmem>> -> memref<64x64xf32, #tpu.memory_space<vmem>>
    %dma_start3A_54 = arith.constant 0 : i32
    %dma_start3A_55 = tpu.memref_slice %arg3[%add3A_47, %dma_start3A_54] : memref<204800x64xf32, #tpu.memory_space<hbm>> -> memref<64x64xf32, #tpu.memory_space<hbm>>
    %dma_start3A_56 = tpu.memref_slice %arg9[%dma_start3A_49] : memref<5x!tpu.dma_semaphore, #tpu.memory_space<semaphore_mem>> -> memref<1x!tpu.dma_semaphore, #tpu.memory_space<semaphore_mem>>
    %dma_start3A_57 = tpu.memref_squeeze %dma_start3A_56 : memref<1x!tpu.dma_semaphore, #tpu.memory_space<semaphore_mem>> -> memref<!tpu.dma_semaphore, #tpu.memory_space<semaphore_mem>>
    %dma_start3A_58 = arith.constant 0 : i32
    %dma_start3A_59 = arith.constant 128 : i32
    %dma_start3A_60 = tpu.memref_slice %arg7[%dma_start3A_48, %dma_start3A_58, %dma_start3A_59] : memref<5x64x192xf32, #tpu.memory_space<vmem>> -> memref<1x64x64xf32, #tpu.memory_space<vmem>>
    %dma_start3A_61 = tpu.memref_squeeze %dma_start3A_60 : memref<1x64x64xf32, #tpu.memory_space<vmem>> -> memref<64x64xf32, #tpu.memory_space<vmem>>
    %dma_start3A_62 = arith.constant 0 : i32
    %dma_start3A_63 = tpu.memref_slice %arg3[%add3A_47, %dma_start3A_62] : memref<204800x64xf32, #tpu.memory_space<hbm>> -> memref<64x64xf32, #tpu.memory_space<hbm>>
    tpu.enqueue_dma source(%dma_start3A_63 : memref<64x64xf32, #tpu.memory_space<hbm>>) target(%dma_start3A_61 : memref<64x64xf32, #tpu.memory_space<vmem>>) target_semaphore(%dma_start3A_57 : memref<!tpu.dma_semaphore, #tpu.memory_space<semaphore_mem>>)
    %dma_start3A_64 = arith.constant 2 : i32
    %dma_start3A_65 = arith.constant 2 : i32
    %dma_start3A_66 = arith.constant 0 : i32
    %dma_start3A_67 = arith.constant 0 : i32
    %dma_start3A_68 = tpu.memref_slice %arg7[%dma_start3A_64, %dma_start3A_66, %dma_start3A_67] : memref<5x64x192xf32, #tpu.memory_space<vmem>> -> memref<1x64x128xf32, #tpu.memory_space<vmem>>
    %dma_start3A_69 = tpu.memref_squeeze %dma_start3A_68 : memref<1x64x128xf32, #tpu.memory_space<vmem>> -> memref<64x128xf32, #tpu.memory_space<vmem>>
    %dma_start3A_70 = arith.constant 128 : i32
    %dma_start3A_71 = tpu.memref_slice %arg6[%dma_start3A_70] : memref<6400xi32, #tpu.memory_space<vmem>> -> memref<64xi32, #tpu.memory_space<vmem>>
    %dma_start3A_72 = arith.constant 0 : i32
    %dma_start3A_73 = arith.constant 0 : i32
    %dma_start3A_74 = tpu.memref_slice %arg4[%dma_start3A_72, %dma_start3A_73] : memref<100000x128xf32, #tpu.memory_space<hbm>> -> memref<100000x128xf32, #tpu.memory_space<hbm>>
    %dma_start3A_75 = tpu.memref_slice %arg8[%dma_start3A_65] : memref<5x!tpu.dma_semaphore, #tpu.memory_space<semaphore_mem>> -> memref<1x!tpu.dma_semaphore, #tpu.memory_space<semaphore_mem>>
    %dma_start3A_76 = tpu.memref_squeeze %dma_start3A_75 : memref<1x!tpu.dma_semaphore, #tpu.memory_space<semaphore_mem>> -> memref<!tpu.dma_semaphore, #tpu.memory_space<semaphore_mem>>
    tpu.enqueue_indirect_dma source(%dma_start3A_74 : memref<100000x128xf32, #tpu.memory_space<hbm>>) target(%dma_start3A_69 : memref<64x128xf32, #tpu.memory_space<vmem>>) offsets(%dma_start3A_71 : memref<64xi32, #tpu.memory_space<vmem>>) semaphore(%dma_start3A_76 : memref<!tpu.dma_semaphore, #tpu.memory_space<semaphore_mem>>)
    %add3A_77 = arith.constant 128 : i32
    %add3A_78 = arith.addi %mul3A_2, %add3A_77 : i32
    %dma_start3A_79 = arith.constant 2 : i32
    %dma_start3A_80 = arith.constant 2 : i32
    %dma_start3A_81 = arith.constant 0 : i32
    %dma_start3A_82 = arith.constant 128 : i32
    %dma_start3A_83 = tpu.memref_slice %arg7[%dma_start3A_79, %dma_start3A_81, %dma_start3A_82] : memref<5x64x192xf32, #tpu.memory_space<vmem>> -> memref<1x64x64xf32, #tpu.memory_space<vmem>>
    %dma_start3A_84 = tpu.memref_squeeze %dma_start3A_83 : memref<1x64x64xf32, #tpu.memory_space<vmem>> -> memref<64x64xf32, #tpu.memory_space<vmem>>
    %dma_start3A_85 = arith.constant 0 : i32
    %dma_start3A_86 = tpu.memref_slice %arg3[%add3A_78, %dma_start3A_85] : memref<204800x64xf32, #tpu.memory_space<hbm>> -> memref<64x64xf32, #tpu.memory_space<hbm>>
    %dma_start3A_87 = tpu.memref_slice %arg9[%dma_start3A_80] : memref<5x!tpu.dma_semaphore, #tpu.memory_space<semaphore_mem>> -> memref<1x!tpu.dma_semaphore, #tpu.memory_space<semaphore_mem>>
    %dma_start3A_88 = tpu.memref_squeeze %dma_start3A_87 : memref<1x!tpu.dma_semaphore, #tpu.memory_space<semaphore_mem>> -> memref<!tpu.dma_semaphore, #tpu.memory_space<semaphore_mem>>
    %dma_start3A_89 = arith.constant 0 : i32
    %dma_start3A_90 = arith.constant 128 : i32
    %dma_start3A_91 = tpu.memref_slice %arg7[%dma_start3A_79, %dma_start3A_89, %dma_start3A_90] : memref<5x64x192xf32, #tpu.memory_space<vmem>> -> memref<1x64x64xf32, #tpu.memory_space<vmem>>
    %dma_start3A_92 = tpu.memref_squeeze %dma_start3A_91 : memref<1x64x64xf32, #tpu.memory_space<vmem>> -> memref<64x64xf32, #tpu.memory_space<vmem>>
    %dma_start3A_93 = arith.constant 0 : i32
    %dma_start3A_94 = tpu.memref_slice %arg3[%add3A_78, %dma_start3A_93] : memref<204800x64xf32, #tpu.memory_space<hbm>> -> memref<64x64xf32, #tpu.memory_space<hbm>>
    tpu.enqueue_dma source(%dma_start3A_94 : memref<64x64xf32, #tpu.memory_space<hbm>>) target(%dma_start3A_92 : memref<64x64xf32, #tpu.memory_space<vmem>>) target_semaphore(%dma_start3A_88 : memref<!tpu.dma_semaphore, #tpu.memory_space<semaphore_mem>>)
    %dma_wait3A = arith.constant 0 : i32
    %dma_wait3A_95 = arith.constant 0 : i32
    %dma_wait3A_96 = arith.constant 0 : i32
    %dma_wait3A_97 = arith.constant 0 : i32
    %dma_wait3A_98 = tpu.memref_slice %arg7[%dma_wait3A, %dma_wait3A_96, %dma_wait3A_97] : memref<5x64x192xf32, #tpu.memory_space<vmem>> -> memref<1x64x128xf32, #tpu.memory_space<vmem>>
    %dma_wait3A_99 = tpu.memref_squeeze %dma_wait3A_98 : memref<1x64x128xf32, #tpu.memory_space<vmem>> -> memref<64x128xf32, #tpu.memory_space<vmem>>
    %dma_wait3A_100 = arith.constant 0 : i32
    %dma_wait3A_101 = tpu.memref_slice %arg6[%dma_wait3A_100] : memref<6400xi32, #tpu.memory_space<vmem>> -> memref<64xi32, #tpu.memory_space<vmem>>
    %dma_wait3A_102 = arith.constant 0 : i32
    %dma_wait3A_103 = arith.constant 0 : i32
    %dma_wait3A_104 = tpu.memref_slice %arg4[%dma_wait3A_102, %dma_wait3A_103] : memref<100000x128xf32, #tpu.memory_space<hbm>> -> memref<100000x128xf32, #tpu.memory_space<hbm>>
    %dma_wait3A_105 = tpu.memref_slice %arg8[%dma_wait3A_95] : memref<5x!tpu.dma_semaphore, #tpu.memory_space<semaphore_mem>> -> memref<1x!tpu.dma_semaphore, #tpu.memory_space<semaphore_mem>>
    %dma_wait3A_106 = tpu.memref_squeeze %dma_wait3A_105 : memref<1x!tpu.dma_semaphore, #tpu.memory_space<semaphore_mem>> -> memref<!tpu.dma_semaphore, #tpu.memory_space<semaphore_mem>>
    tpu.wait_indirect_dma semaphore(%dma_wait3A_106 : memref<!tpu.dma_semaphore, #tpu.memory_space<semaphore_mem>>) src(%dma_wait3A_104 : memref<100000x128xf32, #tpu.memory_space<hbm>>) dst(%dma_wait3A_99 : memref<64x128xf32, #tpu.memory_space<vmem>>)
    %dma_wait3A_107 = arith.constant 0 : i32
    %dma_wait3A_108 = arith.constant 0 : i32
    %dma_wait3A_109 = arith.constant 0 : i32
    %dma_wait3A_110 = arith.constant 128 : i32
    %dma_wait3A_111 = tpu.memref_slice %arg7[%dma_wait3A_107, %dma_wait3A_109, %dma_wait3A_110] : memref<5x64x192xf32, #tpu.memory_space<vmem>> -> memref<1x64x64xf32, #tpu.memory_space<vmem>>
    %dma_wait3A_112 = tpu.memref_squeeze %dma_wait3A_111 : memref<1x64x64xf32, #tpu.memory_space<vmem>> -> memref<64x64xf32, #tpu.memory_space<vmem>>
    %dma_wait3A_113 = arith.constant 0 : i32
    %dma_wait3A_114 = tpu.memref_slice %arg3[%mul3A_2, %dma_wait3A_113] : memref<204800x64xf32, #tpu.memory_space<hbm>> -> memref<64x64xf32, #tpu.memory_space<hbm>>
    %dma_wait3A_115 = tpu.memref_slice %arg9[%dma_wait3A_108] : memref<5x!tpu.dma_semaphore, #tpu.memory_space<semaphore_mem>> -> memref<1x!tpu.dma_semaphore, #tpu.memory_space<semaphore_mem>>
    %dma_wait3A_116 = tpu.memref_squeeze %dma_wait3A_115 : memref<1x!tpu.dma_semaphore, #tpu.memory_space<semaphore_mem>> -> memref<!tpu.dma_semaphore, #tpu.memory_space<semaphore_mem>>
    %dma_wait3A_117 = arith.constant 0 : i32
    %dma_wait3A_118 = arith.constant 128 : i32
    %dma_wait3A_119 = tpu.memref_slice %arg7[%dma_wait3A_107, %dma_wait3A_117, %dma_wait3A_118] : memref<5x64x192xf32, #tpu.memory_space<vmem>> -> memref<1x64x64xf32, #tpu.memory_space<vmem>>
    %dma_wait3A_120 = tpu.memref_squeeze %dma_wait3A_119 : memref<1x64x64xf32, #tpu.memory_space<vmem>> -> memref<64x64xf32, #tpu.memory_space<vmem>>
    %dma_wait3A_121 = arith.constant 0 : i32
    %dma_wait3A_122 = tpu.memref_slice %arg3[%mul3A_2, %dma_wait3A_121] : memref<204800x64xf32, #tpu.memory_space<hbm>> -> memref<64x64xf32, #tpu.memory_space<hbm>>
    tpu.wait_dma2 semaphore(%dma_wait3A_116 : memref<!tpu.dma_semaphore, #tpu.memory_space<semaphore_mem>>) src(%dma_wait3A_122 : memref<64x64xf32, #tpu.memory_space<hbm>>) dst(%dma_wait3A_120 : memref<64x64xf32, #tpu.memory_space<vmem>>)
    %add3A_123 = arith.constant 0 : i32
    %add3A_124 = arith.addi %mul3A_2, %add3A_123 : i32
    %dma_start3A_125 = arith.constant 0 : i32
    %dma_start3A_126 = arith.constant 0 : i32
    %dma_start3A_127 = arith.constant 0 : i32
    %dma_start3A_128 = arith.constant 0 : i32
    %dma_start3A_129 = tpu.memref_slice %arg7[%dma_start3A_125, %dma_start3A_127, %dma_start3A_128] : memref<5x64x192xf32, #tpu.memory_space<vmem>> -> memref<1x64x192xf32, #tpu.memory_space<vmem>>
    %dma_start3A_130 = tpu.memref_squeeze %dma_start3A_129 : memref<1x64x192xf32, #tpu.memory_space<vmem>> -> memref<64x192xf32, #tpu.memory_space<vmem>>
    %dma_start3A_131 = arith.constant 0 : i32
    %dma_start3A_132 = tpu.memref_slice %arg5[%add3A_124, %dma_start3A_131] : memref<204800x192xf32, #tpu.memory_space<hbm>> -> memref<64x192xf32, #tpu.memory_space<hbm>>
    %dma_start3A_133 = tpu.memref_slice %arg10[%dma_start3A_126] : memref<5x!tpu.dma_semaphore, #tpu.memory_space<semaphore_mem>> -> memref<1x!tpu.dma_semaphore, #tpu.memory_space<semaphore_mem>>
    %dma_start3A_134 = tpu.memref_squeeze %dma_start3A_133 : memref<1x!tpu.dma_semaphore, #tpu.memory_space<semaphore_mem>> -> memref<!tpu.dma_semaphore, #tpu.memory_space<semaphore_mem>>
    %dma_start3A_135 = arith.constant 0 : i32
    %dma_start3A_136 = tpu.memref_slice %arg5[%add3A_124, %dma_start3A_135] : memref<204800x192xf32, #tpu.memory_space<hbm>> -> memref<64x192xf32, #tpu.memory_space<hbm>>
    %dma_start3A_137 = arith.constant 0 : i32
    %dma_start3A_138 = arith.constant 0 : i32
    %dma_start3A_139 = tpu.memref_slice %arg7[%dma_start3A_125, %dma_start3A_137, %dma_start3A_138] : memref<5x64x192xf32, #tpu.memory_space<vmem>> -> memref<1x64x192xf32, #tpu.memory_space<vmem>>
    %dma_start3A_140 = tpu.memref_squeeze %dma_start3A_139 : memref<1x64x192xf32, #tpu.memory_space<vmem>> -> memref<64x192xf32, #tpu.memory_space<vmem>>
    tpu.enqueue_dma source(%dma_start3A_140 : memref<64x192xf32, #tpu.memory_space<vmem>>) target(%dma_start3A_136 : memref<64x192xf32, #tpu.memory_space<hbm>>) target_semaphore(%dma_start3A_134 : memref<!tpu.dma_semaphore, #tpu.memory_space<semaphore_mem>>)
    %dma_start3A_141 = arith.constant 3 : i32
    %dma_start3A_142 = arith.constant 3 : i32
    %dma_start3A_143 = arith.constant 0 : i32
    %dma_start3A_144 = arith.constant 0 : i32
    %dma_start3A_145 = tpu.memref_slice %arg7[%dma_start3A_141, %dma_start3A_143, %dma_start3A_144] : memref<5x64x192xf32, #tpu.memory_space<vmem>> -> memref<1x64x128xf32, #tpu.memory_space<vmem>>
    %dma_start3A_146 = tpu.memref_squeeze %dma_start3A_145 : memref<1x64x128xf32, #tpu.memory_space<vmem>> -> memref<64x128xf32, #tpu.memory_space<vmem>>
    %dma_start3A_147 = arith.constant 192 : i32
    %dma_start3A_148 = tpu.memref_slice %arg6[%dma_start3A_147] : memref<6400xi32, #tpu.memory_space<vmem>> -> memref<64xi32, #tpu.memory_space<vmem>>
    %dma_start3A_149 = arith.constant 0 : i32
    %dma_start3A_150 = arith.constant 0 : i32
    %dma_start3A_151 = tpu.memref_slice %arg4[%dma_start3A_149, %dma_start3A_150] : memref<100000x128xf32, #tpu.memory_space<hbm>> -> memref<100000x128xf32, #tpu.memory_space<hbm>>
    %dma_start3A_152 = tpu.memref_slice %arg8[%dma_start3A_142] : memref<5x!tpu.dma_semaphore, #tpu.memory_space<semaphore_mem>> -> memref<1x!tpu.dma_semaphore, #tpu.memory_space<semaphore_mem>>
    %dma_start3A_153 = tpu.memref_squeeze %dma_start3A_152 : memref<1x!tpu.dma_semaphore, #tpu.memory_space<semaphore_mem>> -> memref<!tpu.dma_semaphore, #tpu.memory_space<semaphore_mem>>
    tpu.enqueue_indirect_dma source(%dma_start3A_151 : memref<100000x128xf32, #tpu.memory_space<hbm>>) target(%dma_start3A_146 : memref<64x128xf32, #tpu.memory_space<vmem>>) offsets(%dma_start3A_148 : memref<64xi32, #tpu.memory_space<vmem>>) semaphore(%dma_start3A_153 : memref<!tpu.dma_semaphore, #tpu.memory_space<semaphore_mem>>)
    %add3A_154 = arith.constant 192 : i32
    %add3A_155 = arith.addi %mul3A_2, %add3A_154 : i32
    %dma_start3A_156 = arith.constant 3 : i32
    %dma_start3A_157 = arith.constant 3 : i32
    %dma_start3A_158 = arith.constant 0 : i32
    %dma_start3A_159 = arith.constant 128 : i32
    %dma_start3A_160 = tpu.memref_slice %arg7[%dma_start3A_156, %dma_start3A_158, %dma_start3A_159] : memref<5x64x192xf32, #tpu.memory_space<vmem>> -> memref<1x64x64xf32, #tpu.memory_space<vmem>>
    %dma_start3A_161 = tpu.memref_squeeze %dma_start3A_160 : memref<1x64x64xf32, #tpu.memory_space<vmem>> -> memref<64x64xf32, #tpu.memory_space<vmem>>
    %dma_start3A_162 = arith.constant 0 : i32
    %dma_start3A_163 = tpu.memref_slice %arg3[%add3A_155, %dma_start3A_162] : memref<204800x64xf32, #tpu.memory_space<hbm>> -> memref<64x64xf32, #tpu.memory_space<hbm>>
    %dma_start3A_164 = tpu.memref_slice %arg9[%dma_start3A_157] : memref<5x!tpu.dma_semaphore, #tpu.memory_space<semaphore_mem>> -> memref<1x!tpu.dma_semaphore, #tpu.memory_space<semaphore_mem>>
    %dma_start3A_165 = tpu.memref_squeeze %dma_start3A_164 : memref<1x!tpu.dma_semaphore, #tpu.memory_space<semaphore_mem>> -> memref<!tpu.dma_semaphore, #tpu.memory_space<semaphore_mem>>
    %dma_start3A_166 = arith.constant 0 : i32
    %dma_start3A_167 = arith.constant 128 : i32
    %dma_start3A_168 = tpu.memref_slice %arg7[%dma_start3A_156, %dma_start3A_166, %dma_start3A_167] : memref<5x64x192xf32, #tpu.memory_space<vmem>> -> memref<1x64x64xf32, #tpu.memory_space<vmem>>
    %dma_start3A_169 = tpu.memref_squeeze %dma_start3A_168 : memref<1x64x64xf32, #tpu.memory_space<vmem>> -> memref<64x64xf32, #tpu.memory_space<vmem>>
    %dma_start3A_170 = arith.constant 0 : i32
    %dma_start3A_171 = tpu.memref_slice %arg3[%add3A_155, %dma_start3A_170] : memref<204800x64xf32, #tpu.memory_space<hbm>> -> memref<64x64xf32, #tpu.memory_space<hbm>>
    tpu.enqueue_dma source(%dma_start3A_171 : memref<64x64xf32, #tpu.memory_space<hbm>>) target(%dma_start3A_169 : memref<64x64xf32, #tpu.memory_space<vmem>>) target_semaphore(%dma_start3A_165 : memref<!tpu.dma_semaphore, #tpu.memory_space<semaphore_mem>>)
    %dma_wait3A_172 = arith.constant 1 : i32
    %dma_wait3A_173 = arith.constant 1 : i32
    %dma_wait3A_174 = arith.constant 0 : i32
    %dma_wait3A_175 = arith.constant 0 : i32
    %dma_wait3A_176 = tpu.memref_slice %arg7[%dma_wait3A_172, %dma_wait3A_174, %dma_wait3A_175] : memref<5x64x192xf32, #tpu.memory_space<vmem>> -> memref<1x64x128xf32, #tpu.memory_space<vmem>>
    %dma_wait3A_177 = tpu.memref_squeeze %dma_wait3A_176 : memref<1x64x128xf32, #tpu.memory_space<vmem>> -> memref<64x128xf32, #tpu.memory_space<vmem>>
    %dma_wait3A_178 = arith.constant 0 : i32
    %dma_wait3A_179 = tpu.memref_slice %arg6[%dma_wait3A_178] : memref<6400xi32, #tpu.memory_space<vmem>> -> memref<64xi32, #tpu.memory_space<vmem>>
    %dma_wait3A_180 = arith.constant 0 : i32
    %dma_wait3A_181 = arith.constant 0 : i32
    %dma_wait3A_182 = tpu.memref_slice %arg4[%dma_wait3A_180, %dma_wait3A_181] : memref<100000x128xf32, #tpu.memory_space<hbm>> -> memref<100000x128xf32, #tpu.memory_space<hbm>>
    %dma_wait3A_183 = tpu.memref_slice %arg8[%dma_wait3A_173] : memref<5x!tpu.dma_semaphore, #tpu.memory_space<semaphore_mem>> -> memref<1x!tpu.dma_semaphore, #tpu.memory_space<semaphore_mem>>
    %dma_wait3A_184 = tpu.memref_squeeze %dma_wait3A_183 : memref<1x!tpu.dma_semaphore, #tpu.memory_space<semaphore_mem>> -> memref<!tpu.dma_semaphore, #tpu.memory_space<semaphore_mem>>
    tpu.wait_indirect_dma semaphore(%dma_wait3A_184 : memref<!tpu.dma_semaphore, #tpu.memory_space<semaphore_mem>>) src(%dma_wait3A_182 : memref<100000x128xf32, #tpu.memory_space<hbm>>) dst(%dma_wait3A_177 : memref<64x128xf32, #tpu.memory_space<vmem>>)
    %dma_wait3A_185 = arith.constant 1 : i32
    %dma_wait3A_186 = arith.constant 1 : i32
    %dma_wait3A_187 = arith.constant 0 : i32
    %dma_wait3A_188 = arith.constant 128 : i32
    %dma_wait3A_189 = tpu.memref_slice %arg7[%dma_wait3A_185, %dma_wait3A_187, %dma_wait3A_188] : memref<5x64x192xf32, #tpu.memory_space<vmem>> -> memref<1x64x64xf32, #tpu.memory_space<vmem>>
    %dma_wait3A_190 = tpu.memref_squeeze %dma_wait3A_189 : memref<1x64x64xf32, #tpu.memory_space<vmem>> -> memref<64x64xf32, #tpu.memory_space<vmem>>
    %dma_wait3A_191 = arith.constant 0 : i32
    %dma_wait3A_192 = tpu.memref_slice %arg3[%mul3A_2, %dma_wait3A_191] : memref<204800x64xf32, #tpu.memory_space<hbm>> -> memref<64x64xf32, #tpu.memory_space<hbm>>
    %dma_wait3A_193 = tpu.memref_slice %arg9[%dma_wait3A_186] : memref<5x!tpu.dma_semaphore, #tpu.memory_space<semaphore_mem>> -> memref<1x!tpu.dma_semaphore, #tpu.memory_space<semaphore_mem>>
    %dma_wait3A_194 = tpu.memref_squeeze %dma_wait3A_193 : memref<1x!tpu.dma_semaphore, #tpu.memory_space<semaphore_mem>> -> memref<!tpu.dma_semaphore, #tpu.memory_space<semaphore_mem>>
    %dma_wait3A_195 = arith.constant 0 : i32
    %dma_wait3A_196 = arith.constant 128 : i32
    %dma_wait3A_197 = tpu.memref_slice %arg7[%dma_wait3A_185, %dma_wait3A_195, %dma_wait3A_196] : memref<5x64x192xf32, #tpu.memory_space<vmem>> -> memref<1x64x64xf32, #tpu.memory_space<vmem>>
    %dma_wait3A_198 = tpu.memref_squeeze %dma_wait3A_197 : memref<1x64x64xf32, #tpu.memory_space<vmem>> -> memref<64x64xf32, #tpu.memory_space<vmem>>
    %dma_wait3A_199 = arith.constant 0 : i32
    %dma_wait3A_200 = tpu.memref_slice %arg3[%mul3A_2, %dma_wait3A_199] : memref<204800x64xf32, #tpu.memory_space<hbm>> -> memref<64x64xf32, #tpu.memory_space<hbm>>
    tpu.wait_dma2 semaphore(%dma_wait3A_194 : memref<!tpu.dma_semaphore, #tpu.memory_space<semaphore_mem>>) src(%dma_wait3A_200 : memref<64x64xf32, #tpu.memory_space<hbm>>) dst(%dma_wait3A_198 : memref<64x64xf32, #tpu.memory_space<vmem>>)
    %add3A_201 = arith.constant 64 : i32
    %add3A_202 = arith.addi %mul3A_2, %add3A_201 : i32
    %dma_start3A_203 = arith.constant 1 : i32
    %dma_start3A_204 = arith.constant 1 : i32
    %dma_start3A_205 = arith.constant 0 : i32
    %dma_start3A_206 = arith.constant 0 : i32
    %dma_start3A_207 = tpu.memref_slice %arg7[%dma_start3A_203, %dma_start3A_205, %dma_start3A_206] : memref<5x64x192xf32, #tpu.memory_space<vmem>> -> memref<1x64x192xf32, #tpu.memory_space<vmem>>
    %dma_start3A_208 = tpu.memref_squeeze %dma_start3A_207 : memref<1x64x192xf32, #tpu.memory_space<vmem>> -> memref<64x192xf32, #tpu.memory_space<vmem>>
    %dma_start3A_209 = arith.constant 0 : i32
    %dma_start3A_210 = tpu.memref_slice %arg5[%add3A_202, %dma_start3A_209] : memref<204800x192xf32, #tpu.memory_space<hbm>> -> memref<64x192xf32, #tpu.memory_space<hbm>>
    %dma_start3A_211 = tpu.memref_slice %arg10[%dma_start3A_204] : memref<5x!tpu.dma_semaphore, #tpu.memory_space<semaphore_mem>> -> memref<1x!tpu.dma_semaphore, #tpu.memory_space<semaphore_mem>>
    %dma_start3A_212 = tpu.memref_squeeze %dma_start3A_211 : memref<1x!tpu.dma_semaphore, #tpu.memory_space<semaphore_mem>> -> memref<!tpu.dma_semaphore, #tpu.memory_space<semaphore_mem>>
    %dma_start3A_213 = arith.constant 0 : i32
    %dma_start3A_214 = tpu.memref_slice %arg5[%add3A_202, %dma_start3A_213] : memref<204800x192xf32, #tpu.memory_space<hbm>> -> memref<64x192xf32, #tpu.memory_space<hbm>>
    %dma_start3A_215 = arith.constant 0 : i32
    %dma_start3A_216 = arith.constant 0 : i32
    %dma_start3A_217 = tpu.memref_slice %arg7[%dma_start3A_203, %dma_start3A_215, %dma_start3A_216] : memref<5x64x192xf32, #tpu.memory_space<vmem>> -> memref<1x64x192xf32, #tpu.memory_space<vmem>>
    %dma_start3A_218 = tpu.memref_squeeze %dma_start3A_217 : memref<1x64x192xf32, #tpu.memory_space<vmem>> -> memref<64x192xf32, #tpu.memory_space<vmem>>
    tpu.enqueue_dma source(%dma_start3A_218 : memref<64x192xf32, #tpu.memory_space<vmem>>) target(%dma_start3A_214 : memref<64x192xf32, #tpu.memory_space<hbm>>) target_semaphore(%dma_start3A_212 : memref<!tpu.dma_semaphore, #tpu.memory_space<semaphore_mem>>)
    %dma_start3A_219 = arith.constant 4 : i32
    %dma_start3A_220 = arith.constant 4 : i32
    %dma_start3A_221 = arith.constant 0 : i32
    %dma_start3A_222 = arith.constant 0 : i32
    %dma_start3A_223 = tpu.memref_slice %arg7[%dma_start3A_219, %dma_start3A_221, %dma_start3A_222] : memref<5x64x192xf32, #tpu.memory_space<vmem>> -> memref<1x64x128xf32, #tpu.memory_space<vmem>>
    %dma_start3A_224 = tpu.memref_squeeze %dma_start3A_223 : memref<1x64x128xf32, #tpu.memory_space<vmem>> -> memref<64x128xf32, #tpu.memory_space<vmem>>
    %dma_start3A_225 = arith.constant 256 : i32
    %dma_start3A_226 = tpu.memref_slice %arg6[%dma_start3A_225] : memref<6400xi32, #tpu.memory_space<vmem>> -> memref<64xi32, #tpu.memory_space<vmem>>
    %dma_start3A_227 = arith.constant 0 : i32
    %dma_start3A_228 = arith.constant 0 : i32
    %dma_start3A_229 = tpu.memref_slice %arg4[%dma_start3A_227, %dma_start3A_228] : memref<100000x128xf32, #tpu.memory_space<hbm>> -> memref<100000x128xf32, #tpu.memory_space<hbm>>
    %dma_start3A_230 = tpu.memref_slice %arg8[%dma_start3A_220] : memref<5x!tpu.dma_semaphore, #tpu.memory_space<semaphore_mem>> -> memref<1x!tpu.dma_semaphore, #tpu.memory_space<semaphore_mem>>
    %dma_start3A_231 = tpu.memref_squeeze %dma_start3A_230 : memref<1x!tpu.dma_semaphore, #tpu.memory_space<semaphore_mem>> -> memref<!tpu.dma_semaphore, #tpu.memory_space<semaphore_mem>>
    tpu.enqueue_indirect_dma source(%dma_start3A_229 : memref<100000x128xf32, #tpu.memory_space<hbm>>) target(%dma_start3A_224 : memref<64x128xf32, #tpu.memory_space<vmem>>) offsets(%dma_start3A_226 : memref<64xi32, #tpu.memory_space<vmem>>) semaphore(%dma_start3A_231 : memref<!tpu.dma_semaphore, #tpu.memory_space<semaphore_mem>>)
    %add3A_232 = arith.constant 256 : i32
    %add3A_233 = arith.addi %mul3A_2, %add3A_232 : i32
    %dma_start3A_234 = arith.constant 4 : i32
    %dma_start3A_235 = arith.constant 4 : i32
    %dma_start3A_236 = arith.constant 0 : i32
    %dma_start3A_237 = arith.constant 128 : i32
    %dma_start3A_238 = tpu.memref_slice %arg7[%dma_start3A_234, %dma_start3A_236, %dma_start3A_237] : memref<5x64x192xf32, #tpu.memory_space<vmem>> -> memref<1x64x64xf32, #tpu.memory_space<vmem>>
    %dma_start3A_239 = tpu.memref_squeeze %dma_start3A_238 : memref<1x64x64xf32, #tpu.memory_space<vmem>> -> memref<64x64xf32, #tpu.memory_space<vmem>>
    %dma_start3A_240 = arith.constant 0 : i32
    %dma_start3A_241 = tpu.memref_slice %arg3[%add3A_233, %dma_start3A_240] : memref<204800x64xf32, #tpu.memory_space<hbm>> -> memref<64x64xf32, #tpu.memory_space<hbm>>
    %dma_start3A_242 = tpu.memref_slice %arg9[%dma_start3A_235] : memref<5x!tpu.dma_semaphore, #tpu.memory_space<semaphore_mem>> -> memref<1x!tpu.dma_semaphore, #tpu.memory_space<semaphore_mem>>
    %dma_start3A_243 = tpu.memref_squeeze %dma_start3A_242 : memref<1x!tpu.dma_semaphore, #tpu.memory_space<semaphore_mem>> -> memref<!tpu.dma_semaphore, #tpu.memory_space<semaphore_mem>>
    %dma_start3A_244 = arith.constant 0 : i32
    %dma_start3A_245 = arith.constant 128 : i32
    %dma_start3A_246 = tpu.memref_slice %arg7[%dma_start3A_234, %dma_start3A_244, %dma_start3A_245] : memref<5x64x192xf32, #tpu.memory_space<vmem>> -> memref<1x64x64xf32, #tpu.memory_space<vmem>>
    %dma_start3A_247 = tpu.memref_squeeze %dma_start3A_246 : memref<1x64x64xf32, #tpu.memory_space<vmem>> -> memref<64x64xf32, #tpu.memory_space<vmem>>
    %dma_start3A_248 = arith.constant 0 : i32
    %dma_start3A_249 = tpu.memref_slice %arg3[%add3A_233, %dma_start3A_248] : memref<204800x64xf32, #tpu.memory_space<hbm>> -> memref<64x64xf32, #tpu.memory_space<hbm>>
    tpu.enqueue_dma source(%dma_start3A_249 : memref<64x64xf32, #tpu.memory_space<hbm>>) target(%dma_start3A_247 : memref<64x64xf32, #tpu.memory_space<vmem>>) target_semaphore(%dma_start3A_243 : memref<!tpu.dma_semaphore, #tpu.memory_space<semaphore_mem>>)
    %scan3A = arith.constant 0 : i32
    %scan3A_250 = arith.constant 19 : i32
    %scan3A_251 = arith.addi %scan3A, %scan3A_250 : i32
    %scan3A_252 = arith.constant 1 : i32
    scf.for %scan3A_485 = %scan3A to %scan3A_251 step %scan3A_252  : i32 {
      %mul3A_486 = arith.constant 5 : i32
      %mul3A_487 = arith.muli %scan3A_485, %mul3A_486 : i32
      %add3A_488 = arith.constant 2 : i32
      %add3A_489 = arith.addi %add3A_488, %mul3A_487 : i32
      %add3A_490 = arith.constant 0 : i32
      %add3A_491 = arith.addi %add3A_489, %add3A_490 : i32
      %dma_wait3A_492 = arith.constant 2 : i32
      %dma_wait3A_493 = arith.constant 2 : i32
      %dma_wait3A_494 = arith.constant 0 : i32
      %dma_wait3A_495 = arith.constant 0 : i32
      %dma_wait3A_496 = tpu.memref_slice %arg7[%dma_wait3A_492, %dma_wait3A_494, %dma_wait3A_495] : memref<5x64x192xf32, #tpu.memory_space<vmem>> -> memref<1x64x128xf32, #tpu.memory_space<vmem>>
      %dma_wait3A_497 = tpu.memref_squeeze %dma_wait3A_496 : memref<1x64x128xf32, #tpu.memory_space<vmem>> -> memref<64x128xf32, #tpu.memory_space<vmem>>
      %dma_wait3A_498 = arith.constant 0 : i32
      %dma_wait3A_499 = tpu.memref_slice %arg6[%dma_wait3A_498] : memref<6400xi32, #tpu.memory_space<vmem>> -> memref<64xi32, #tpu.memory_space<vmem>>
      %dma_wait3A_500 = arith.constant 0 : i32
      %dma_wait3A_501 = arith.constant 0 : i32
      %dma_wait3A_502 = tpu.memref_slice %arg4[%dma_wait3A_500, %dma_wait3A_501] : memref<100000x128xf32, #tpu.memory_space<hbm>> -> memref<100000x128xf32, #tpu.memory_space<hbm>>
      %dma_wait3A_503 = tpu.memref_slice %arg8[%dma_wait3A_493] : memref<5x!tpu.dma_semaphore, #tpu.memory_space<semaphore_mem>> -> memref<1x!tpu.dma_semaphore, #tpu.memory_space<semaphore_mem>>
      %dma_wait3A_504 = tpu.memref_squeeze %dma_wait3A_503 : memref<1x!tpu.dma_semaphore, #tpu.memory_space<semaphore_mem>> -> memref<!tpu.dma_semaphore, #tpu.memory_space<semaphore_mem>>
      tpu.wait_indirect_dma semaphore(%dma_wait3A_504 : memref<!tpu.dma_semaphore, #tpu.memory_space<semaphore_mem>>) src(%dma_wait3A_502 : memref<100000x128xf32, #tpu.memory_space<hbm>>) dst(%dma_wait3A_497 : memref<64x128xf32, #tpu.memory_space<vmem>>)
      %dma_wait3A_505 = arith.constant 2 : i32
      %dma_wait3A_506 = arith.constant 2 : i32
      %dma_wait3A_507 = arith.constant 0 : i32
      %dma_wait3A_508 = arith.constant 128 : i32
      %dma_wait3A_509 = tpu.memref_slice %arg7[%dma_wait3A_505, %dma_wait3A_507, %dma_wait3A_508] : memref<5x64x192xf32, #tpu.memory_space<vmem>> -> memref<1x64x64xf32, #tpu.memory_space<vmem>>
      %dma_wait3A_510 = tpu.memref_squeeze %dma_wait3A_509 : memref<1x64x64xf32, #tpu.memory_space<vmem>> -> memref<64x64xf32, #tpu.memory_space<vmem>>
      %dma_wait3A_511 = arith.constant 0 : i32
      %dma_wait3A_512 = tpu.memref_slice %arg3[%mul3A_2, %dma_wait3A_511] : memref<204800x64xf32, #tpu.memory_space<hbm>> -> memref<64x64xf32, #tpu.memory_space<hbm>>
      %dma_wait3A_513 = tpu.memref_slice %arg9[%dma_wait3A_506] : memref<5x!tpu.dma_semaphore, #tpu.memory_space<semaphore_mem>> -> memref<1x!tpu.dma_semaphore, #tpu.memory_space<semaphore_mem>>
      %dma_wait3A_514 = tpu.memref_squeeze %dma_wait3A_513 : memref<1x!tpu.dma_semaphore, #tpu.memory_space<semaphore_mem>> -> memref<!tpu.dma_semaphore, #tpu.memory_space<semaphore_mem>>
      %dma_wait3A_515 = arith.constant 0 : i32
      %dma_wait3A_516 = arith.constant 128 : i32
      %dma_wait3A_517 = tpu.memref_slice %arg7[%dma_wait3A_505, %dma_wait3A_515, %dma_wait3A_516] : memref<5x64x192xf32, #tpu.memory_space<vmem>> -> memref<1x64x64xf32, #tpu.memory_space<vmem>>
      %dma_wait3A_518 = tpu.memref_squeeze %dma_wait3A_517 : memref<1x64x64xf32, #tpu.memory_space<vmem>> -> memref<64x64xf32, #tpu.memory_space<vmem>>
      %dma_wait3A_519 = arith.constant 0 : i32
      %dma_wait3A_520 = tpu.memref_slice %arg3[%mul3A_2, %dma_wait3A_519] : memref<204800x64xf32, #tpu.memory_space<hbm>> -> memref<64x64xf32, #tpu.memory_space<hbm>>
      tpu.wait_dma2 semaphore(%dma_wait3A_514 : memref<!tpu.dma_semaphore, #tpu.memory_space<semaphore_mem>>) src(%dma_wait3A_520 : memref<64x64xf32, #tpu.memory_space<hbm>>) dst(%dma_wait3A_518 : memref<64x64xf32, #tpu.memory_space<vmem>>)
      %mul3A_521 = arith.constant 64 : i32
      %mul3A_522 = arith.muli %add3A_491, %mul3A_521 : i32
      %add3A_523 = arith.addi %mul3A_2, %mul3A_522 : i32
      %dma_start3A_524 = arith.constant 2 : i32
      %dma_start3A_525 = arith.constant 2 : i32
      %dma_start3A_526 = arith.constant 0 : i32
      %dma_start3A_527 = arith.constant 0 : i32
      %dma_start3A_528 = tpu.memref_slice %arg7[%dma_start3A_524, %dma_start3A_526, %dma_start3A_527] : memref<5x64x192xf32, #tpu.memory_space<vmem>> -> memref<1x64x192xf32, #tpu.memory_space<vmem>>
      %dma_start3A_529 = tpu.memref_squeeze %dma_start3A_528 : memref<1x64x192xf32, #tpu.memory_space<vmem>> -> memref<64x192xf32, #tpu.memory_space<vmem>>
      %dma_start3A_530 = arith.constant 0 : i32
      %dma_start3A_531 = tpu.memref_slice %arg5[%add3A_523, %dma_start3A_530] : memref<204800x192xf32, #tpu.memory_space<hbm>> -> memref<64x192xf32, #tpu.memory_space<hbm>>
      %dma_start3A_532 = tpu.memref_slice %arg10[%dma_start3A_525] : memref<5x!tpu.dma_semaphore, #tpu.memory_space<semaphore_mem>> -> memref<1x!tpu.dma_semaphore, #tpu.memory_space<semaphore_mem>>
      %dma_start3A_533 = tpu.memref_squeeze %dma_start3A_532 : memref<1x!tpu.dma_semaphore, #tpu.memory_space<semaphore_mem>> -> memref<!tpu.dma_semaphore, #tpu.memory_space<semaphore_mem>>
      %dma_start3A_534 = arith.constant 0 : i32
      %dma_start3A_535 = tpu.memref_slice %arg5[%add3A_523, %dma_start3A_534] : memref<204800x192xf32, #tpu.memory_space<hbm>> -> memref<64x192xf32, #tpu.memory_space<hbm>>
      %dma_start3A_536 = arith.constant 0 : i32
      %dma_start3A_537 = arith.constant 0 : i32
      %dma_start3A_538 = tpu.memref_slice %arg7[%dma_start3A_524, %dma_start3A_536, %dma_start3A_537] : memref<5x64x192xf32, #tpu.memory_space<vmem>> -> memref<1x64x192xf32, #tpu.memory_space<vmem>>
      %dma_start3A_539 = tpu.memref_squeeze %dma_start3A_538 : memref<1x64x192xf32, #tpu.memory_space<vmem>> -> memref<64x192xf32, #tpu.memory_space<vmem>>
      tpu.enqueue_dma source(%dma_start3A_539 : memref<64x192xf32, #tpu.memory_space<vmem>>) target(%dma_start3A_535 : memref<64x192xf32, #tpu.memory_space<hbm>>) target_semaphore(%dma_start3A_533 : memref<!tpu.dma_semaphore, #tpu.memory_space<semaphore_mem>>)
      %add3A_540 = arith.constant 0 : i32
      %add3A_541 = arith.addi %mul3A_2, %add3A_540 : i32
      %dma_wait3A_542 = arith.constant 0 : i32
      %dma_wait3A_543 = arith.constant 0 : i32
      %dma_wait3A_544 = arith.constant 0 : i32
      %dma_wait3A_545 = arith.constant 0 : i32
      %dma_wait3A_546 = tpu.memref_slice %arg7[%dma_wait3A_542, %dma_wait3A_544, %dma_wait3A_545] : memref<5x64x192xf32, #tpu.memory_space<vmem>> -> memref<1x64x192xf32, #tpu.memory_space<vmem>>
      %dma_wait3A_547 = tpu.memref_squeeze %dma_wait3A_546 : memref<1x64x192xf32, #tpu.memory_space<vmem>> -> memref<64x192xf32, #tpu.memory_space<vmem>>
      %dma_wait3A_548 = arith.constant 0 : i32
      %dma_wait3A_549 = tpu.memref_slice %arg5[%add3A_541, %dma_wait3A_548] : memref<204800x192xf32, #tpu.memory_space<hbm>> -> memref<64x192xf32, #tpu.memory_space<hbm>>
      %dma_wait3A_550 = tpu.memref_slice %arg10[%dma_wait3A_543] : memref<5x!tpu.dma_semaphore, #tpu.memory_space<semaphore_mem>> -> memref<1x!tpu.dma_semaphore, #tpu.memory_space<semaphore_mem>>
      %dma_wait3A_551 = tpu.memref_squeeze %dma_wait3A_550 : memref<1x!tpu.dma_semaphore, #tpu.memory_space<semaphore_mem>> -> memref<!tpu.dma_semaphore, #tpu.memory_space<semaphore_mem>>
      %dma_wait3A_552 = arith.constant 0 : i32
      %dma_wait3A_553 = tpu.memref_slice %arg5[%add3A_541, %dma_wait3A_552] : memref<204800x192xf32, #tpu.memory_space<hbm>> -> memref<64x192xf32, #tpu.memory_space<hbm>>
      %dma_wait3A_554 = arith.constant 0 : i32
      %dma_wait3A_555 = arith.constant 0 : i32
      %dma_wait3A_556 = tpu.memref_slice %arg7[%dma_wait3A_542, %dma_wait3A_554, %dma_wait3A_555] : memref<5x64x192xf32, #tpu.memory_space<vmem>> -> memref<1x64x192xf32, #tpu.memory_space<vmem>>
      %dma_wait3A_557 = tpu.memref_squeeze %dma_wait3A_556 : memref<1x64x192xf32, #tpu.memory_space<vmem>> -> memref<64x192xf32, #tpu.memory_space<vmem>>
      tpu.wait_dma2 semaphore(%dma_wait3A_551 : memref<!tpu.dma_semaphore, #tpu.memory_space<semaphore_mem>>) src(%dma_wait3A_557 : memref<64x192xf32, #tpu.memory_space<vmem>>) dst(%dma_wait3A_553 : memref<64x192xf32, #tpu.memory_space<hbm>>)
      %add3A_558 = arith.constant 3 : i32
      %add3A_559 = arith.addi %add3A_491, %add3A_558 : i32
      %mul3A_560 = arith.constant 64 : i32
      %mul3A_561 = arith.muli %add3A_559, %mul3A_560 : i32
      %dma_start3A_562 = arith.constant 0 : i32
      %dma_start3A_563 = arith.constant 0 : i32
      %dma_start3A_564 = arith.constant 0 : i32
      %dma_start3A_565 = arith.constant 0 : i32
      %dma_start3A_566 = tpu.memref_slice %arg7[%dma_start3A_562, %dma_start3A_564, %dma_start3A_565] : memref<5x64x192xf32, #tpu.memory_space<vmem>> -> memref<1x64x128xf32, #tpu.memory_space<vmem>>
      %dma_start3A_567 = tpu.memref_squeeze %dma_start3A_566 : memref<1x64x128xf32, #tpu.memory_space<vmem>> -> memref<64x128xf32, #tpu.memory_space<vmem>>
      %dma_start3A_568 = tpu.memref_slice %arg6[%mul3A_561] : memref<6400xi32, #tpu.memory_space<vmem>> -> memref<64xi32, #tpu.memory_space<vmem>>
      %dma_start3A_569 = arith.constant 0 : i32
      %dma_start3A_570 = arith.constant 0 : i32
      %dma_start3A_571 = tpu.memref_slice %arg4[%dma_start3A_569, %dma_start3A_570] : memref<100000x128xf32, #tpu.memory_space<hbm>> -> memref<100000x128xf32, #tpu.memory_space<hbm>>
      %dma_start3A_572 = tpu.memref_slice %arg8[%dma_start3A_563] : memref<5x!tpu.dma_semaphore, #tpu.memory_space<semaphore_mem>> -> memref<1x!tpu.dma_semaphore, #tpu.memory_space<semaphore_mem>>
      %dma_start3A_573 = tpu.memref_squeeze %dma_start3A_572 : memref<1x!tpu.dma_semaphore, #tpu.memory_space<semaphore_mem>> -> memref<!tpu.dma_semaphore, #tpu.memory_space<semaphore_mem>>
      tpu.enqueue_indirect_dma source(%dma_start3A_571 : memref<100000x128xf32, #tpu.memory_space<hbm>>) target(%dma_start3A_567 : memref<64x128xf32, #tpu.memory_space<vmem>>) offsets(%dma_start3A_568 : memref<64xi32, #tpu.memory_space<vmem>>) semaphore(%dma_start3A_573 : memref<!tpu.dma_semaphore, #tpu.memory_space<semaphore_mem>>)
      %mul3A_574 = arith.constant 64 : i32
      %mul3A_575 = arith.muli %add3A_559, %mul3A_574 : i32
      %add3A_576 = arith.addi %mul3A_2, %mul3A_575 : i32
      %dma_start3A_577 = arith.constant 0 : i32
      %dma_start3A_578 = arith.constant 0 : i32
      %dma_start3A_579 = arith.constant 0 : i32
      %dma_start3A_580 = arith.constant 128 : i32
      %dma_start3A_581 = tpu.memref_slice %arg7[%dma_start3A_577, %dma_start3A_579, %dma_start3A_580] : memref<5x64x192xf32, #tpu.memory_space<vmem>> -> memref<1x64x64xf32, #tpu.memory_space<vmem>>
      %dma_start3A_582 = tpu.memref_squeeze %dma_start3A_581 : memref<1x64x64xf32, #tpu.memory_space<vmem>> -> memref<64x64xf32, #tpu.memory_space<vmem>>
      %dma_start3A_583 = arith.constant 0 : i32
      %dma_start3A_584 = tpu.memref_slice %arg3[%add3A_576, %dma_start3A_583] : memref<204800x64xf32, #tpu.memory_space<hbm>> -> memref<64x64xf32, #tpu.memory_space<hbm>>
      %dma_start3A_585 = tpu.memref_slice %arg9[%dma_start3A_578] : memref<5x!tpu.dma_semaphore, #tpu.memory_space<semaphore_mem>> -> memref<1x!tpu.dma_semaphore, #tpu.memory_space<semaphore_mem>>
      %dma_start3A_586 = tpu.memref_squeeze %dma_start3A_585 : memref<1x!tpu.dma_semaphore, #tpu.memory_space<semaphore_mem>> -> memref<!tpu.dma_semaphore, #tpu.memory_space<semaphore_mem>>
      %dma_start3A_587 = arith.constant 0 : i32
      %dma_start3A_588 = arith.constant 128 : i32
      %dma_start3A_589 = tpu.memref_slice %arg7[%dma_start3A_577, %dma_start3A_587, %dma_start3A_588] : memref<5x64x192xf32, #tpu.memory_space<vmem>> -> memref<1x64x64xf32, #tpu.memory_space<vmem>>
      %dma_start3A_590 = tpu.memref_squeeze %dma_start3A_589 : memref<1x64x64xf32, #tpu.memory_space<vmem>> -> memref<64x64xf32, #tpu.memory_space<vmem>>
      %dma_start3A_591 = arith.constant 0 : i32
      %dma_start3A_592 = tpu.memref_slice %arg3[%add3A_576, %dma_start3A_591] : memref<204800x64xf32, #tpu.memory_space<hbm>> -> memref<64x64xf32, #tpu.memory_space<hbm>>
      tpu.enqueue_dma source(%dma_start3A_592 : memref<64x64xf32, #tpu.memory_space<hbm>>) target(%dma_start3A_590 : memref<64x64xf32, #tpu.memory_space<vmem>>) target_semaphore(%dma_start3A_586 : memref<!tpu.dma_semaphore, #tpu.memory_space<semaphore_mem>>)
      %add3A_593 = arith.constant 1 : i32
      %add3A_594 = arith.addi %add3A_489, %add3A_593 : i32
      %dma_wait3A_595 = arith.constant 3 : i32
      %dma_wait3A_596 = arith.constant 3 : i32
      %dma_wait3A_597 = arith.constant 0 : i32
      %dma_wait3A_598 = arith.constant 0 : i32
      %dma_wait3A_599 = tpu.memref_slice %arg7[%dma_wait3A_595, %dma_wait3A_597, %dma_wait3A_598] : memref<5x64x192xf32, #tpu.memory_space<vmem>> -> memref<1x64x128xf32, #tpu.memory_space<vmem>>
      %dma_wait3A_600 = tpu.memref_squeeze %dma_wait3A_599 : memref<1x64x128xf32, #tpu.memory_space<vmem>> -> memref<64x128xf32, #tpu.memory_space<vmem>>
      %dma_wait3A_601 = arith.constant 0 : i32
      %dma_wait3A_602 = tpu.memref_slice %arg6[%dma_wait3A_601] : memref<6400xi32, #tpu.memory_space<vmem>> -> memref<64xi32, #tpu.memory_space<vmem>>
      %dma_wait3A_603 = arith.constant 0 : i32
      %dma_wait3A_604 = arith.constant 0 : i32
      %dma_wait3A_605 = tpu.memref_slice %arg4[%dma_wait3A_603, %dma_wait3A_604] : memref<100000x128xf32, #tpu.memory_space<hbm>> -> memref<100000x128xf32, #tpu.memory_space<hbm>>
      %dma_wait3A_606 = tpu.memref_slice %arg8[%dma_wait3A_596] : memref<5x!tpu.dma_semaphore, #tpu.memory_space<semaphore_mem>> -> memref<1x!tpu.dma_semaphore, #tpu.memory_space<semaphore_mem>>
      %dma_wait3A_607 = tpu.memref_squeeze %dma_wait3A_606 : memref<1x!tpu.dma_semaphore, #tpu.memory_space<semaphore_mem>> -> memref<!tpu.dma_semaphore, #tpu.memory_space<semaphore_mem>>
      tpu.wait_indirect_dma semaphore(%dma_wait3A_607 : memref<!tpu.dma_semaphore, #tpu.memory_space<semaphore_mem>>) src(%dma_wait3A_605 : memref<100000x128xf32, #tpu.memory_space<hbm>>) dst(%dma_wait3A_600 : memref<64x128xf32, #tpu.memory_space<vmem>>)
      %dma_wait3A_608 = arith.constant 3 : i32
      %dma_wait3A_609 = arith.constant 3 : i32
      %dma_wait3A_610 = arith.constant 0 : i32
      %dma_wait3A_611 = arith.constant 128 : i32
      %dma_wait3A_612 = tpu.memref_slice %arg7[%dma_wait3A_608, %dma_wait3A_610, %dma_wait3A_611] : memref<5x64x192xf32, #tpu.memory_space<vmem>> -> memref<1x64x64xf32, #tpu.memory_space<vmem>>
      %dma_wait3A_613 = tpu.memref_squeeze %dma_wait3A_612 : memref<1x64x64xf32, #tpu.memory_space<vmem>> -> memref<64x64xf32, #tpu.memory_space<vmem>>
      %dma_wait3A_614 = arith.constant 0 : i32
      %dma_wait3A_615 = tpu.memref_slice %arg3[%mul3A_2, %dma_wait3A_614] : memref<204800x64xf32, #tpu.memory_space<hbm>> -> memref<64x64xf32, #tpu.memory_space<hbm>>
      %dma_wait3A_616 = tpu.memref_slice %arg9[%dma_wait3A_609] : memref<5x!tpu.dma_semaphore, #tpu.memory_space<semaphore_mem>> -> memref<1x!tpu.dma_semaphore, #tpu.memory_space<semaphore_mem>>
      %dma_wait3A_617 = tpu.memref_squeeze %dma_wait3A_616 : memref<1x!tpu.dma_semaphore, #tpu.memory_space<semaphore_mem>> -> memref<!tpu.dma_semaphore, #tpu.memory_space<semaphore_mem>>
      %dma_wait3A_618 = arith.constant 0 : i32
      %dma_wait3A_619 = arith.constant 128 : i32
      %dma_wait3A_620 = tpu.memref_slice %arg7[%dma_wait3A_608, %dma_wait3A_618, %dma_wait3A_619] : memref<5x64x192xf32, #tpu.memory_space<vmem>> -> memref<1x64x64xf32, #tpu.memory_space<vmem>>
      %dma_wait3A_621 = tpu.memref_squeeze %dma_wait3A_620 : memref<1x64x64xf32, #tpu.memory_space<vmem>> -> memref<64x64xf32, #tpu.memory_space<vmem>>
      %dma_wait3A_622 = arith.constant 0 : i32
      %dma_wait3A_623 = tpu.memref_slice %arg3[%mul3A_2, %dma_wait3A_622] : memref<204800x64xf32, #tpu.memory_space<hbm>> -> memref<64x64xf32, #tpu.memory_space<hbm>>
      tpu.wait_dma2 semaphore(%dma_wait3A_617 : memref<!tpu.dma_semaphore, #tpu.memory_space<semaphore_mem>>) src(%dma_wait3A_623 : memref<64x64xf32, #tpu.memory_space<hbm>>) dst(%dma_wait3A_621 : memref<64x64xf32, #tpu.memory_space<vmem>>)
      %mul3A_624 = arith.constant 64 : i32
      %mul3A_625 = arith.muli %add3A_594, %mul3A_624 : i32
      %add3A_626 = arith.addi %mul3A_2, %mul3A_625 : i32
      %dma_start3A_627 = arith.constant 3 : i32
      %dma_start3A_628 = arith.constant 3 : i32
      %dma_start3A_629 = arith.constant 0 : i32
      %dma_start3A_630 = arith.constant 0 : i32
      %dma_start3A_631 = tpu.memref_slice %arg7[%dma_start3A_627, %dma_start3A_629, %dma_start3A_630] : memref<5x64x192xf32, #tpu.memory_space<vmem>> -> memref<1x64x192xf32, #tpu.memory_space<vmem>>
      %dma_start3A_632 = tpu.memref_squeeze %dma_start3A_631 : memref<1x64x192xf32, #tpu.memory_space<vmem>> -> memref<64x192xf32, #tpu.memory_space<vmem>>
      %dma_start3A_633 = arith.constant 0 : i32
      %dma_start3A_634 = tpu.memref_slice %arg5[%add3A_626, %dma_start3A_633] : memref<204800x192xf32, #tpu.memory_space<hbm>> -> memref<64x192xf32, #tpu.memory_space<hbm>>
      %dma_start3A_635 = tpu.memref_slice %arg10[%dma_start3A_628] : memref<5x!tpu.dma_semaphore, #tpu.memory_space<semaphore_mem>> -> memref<1x!tpu.dma_semaphore, #tpu.memory_space<semaphore_mem>>
      %dma_start3A_636 = tpu.memref_squeeze %dma_start3A_635 : memref<1x!tpu.dma_semaphore, #tpu.memory_space<semaphore_mem>> -> memref<!tpu.dma_semaphore, #tpu.memory_space<semaphore_mem>>
      %dma_start3A_637 = arith.constant 0 : i32
      %dma_start3A_638 = tpu.memref_slice %arg5[%add3A_626, %dma_start3A_637] : memref<204800x192xf32, #tpu.memory_space<hbm>> -> memref<64x192xf32, #tpu.memory_space<hbm>>
      %dma_start3A_639 = arith.constant 0 : i32
      %dma_start3A_640 = arith.constant 0 : i32
      %dma_start3A_641 = tpu.memref_slice %arg7[%dma_start3A_627, %dma_start3A_639, %dma_start3A_640] : memref<5x64x192xf32, #tpu.memory_space<vmem>> -> memref<1x64x192xf32, #tpu.memory_space<vmem>>
      %dma_start3A_642 = tpu.memref_squeeze %dma_start3A_641 : memref<1x64x192xf32, #tpu.memory_space<vmem>> -> memref<64x192xf32, #tpu.memory_space<vmem>>
      tpu.enqueue_dma source(%dma_start3A_642 : memref<64x192xf32, #tpu.memory_space<vmem>>) target(%dma_start3A_638 : memref<64x192xf32, #tpu.memory_space<hbm>>) target_semaphore(%dma_start3A_636 : memref<!tpu.dma_semaphore, #tpu.memory_space<semaphore_mem>>)
      %add3A_643 = arith.constant 0 : i32
      %add3A_644 = arith.addi %mul3A_2, %add3A_643 : i32
      %dma_wait3A_645 = arith.constant 1 : i32
      %dma_wait3A_646 = arith.constant 1 : i32
      %dma_wait3A_647 = arith.constant 0 : i32
      %dma_wait3A_648 = arith.constant 0 : i32
      %dma_wait3A_649 = tpu.memref_slice %arg7[%dma_wait3A_645, %dma_wait3A_647, %dma_wait3A_648] : memref<5x64x192xf32, #tpu.memory_space<vmem>> -> memref<1x64x192xf32, #tpu.memory_space<vmem>>
      %dma_wait3A_650 = tpu.memref_squeeze %dma_wait3A_649 : memref<1x64x192xf32, #tpu.memory_space<vmem>> -> memref<64x192xf32, #tpu.memory_space<vmem>>
      %dma_wait3A_651 = arith.constant 0 : i32
      %dma_wait3A_652 = tpu.memref_slice %arg5[%add3A_644, %dma_wait3A_651] : memref<204800x192xf32, #tpu.memory_space<hbm>> -> memref<64x192xf32, #tpu.memory_space<hbm>>
      %dma_wait3A_653 = tpu.memref_slice %arg10[%dma_wait3A_646] : memref<5x!tpu.dma_semaphore, #tpu.memory_space<semaphore_mem>> -> memref<1x!tpu.dma_semaphore, #tpu.memory_space<semaphore_mem>>
      %dma_wait3A_654 = tpu.memref_squeeze %dma_wait3A_653 : memref<1x!tpu.dma_semaphore, #tpu.memory_space<semaphore_mem>> -> memref<!tpu.dma_semaphore, #tpu.memory_space<semaphore_mem>>
      %dma_wait3A_655 = arith.constant 0 : i32
      %dma_wait3A_656 = tpu.memref_slice %arg5[%add3A_644, %dma_wait3A_655] : memref<204800x192xf32, #tpu.memory_space<hbm>> -> memref<64x192xf32, #tpu.memory_space<hbm>>
      %dma_wait3A_657 = arith.constant 0 : i32
      %dma_wait3A_658 = arith.constant 0 : i32
      %dma_wait3A_659 = tpu.memref_slice %arg7[%dma_wait3A_645, %dma_wait3A_657, %dma_wait3A_658] : memref<5x64x192xf32, #tpu.memory_space<vmem>> -> memref<1x64x192xf32, #tpu.memory_space<vmem>>
      %dma_wait3A_660 = tpu.memref_squeeze %dma_wait3A_659 : memref<1x64x192xf32, #tpu.memory_space<vmem>> -> memref<64x192xf32, #tpu.memory_space<vmem>>
      tpu.wait_dma2 semaphore(%dma_wait3A_654 : memref<!tpu.dma_semaphore, #tpu.memory_space<semaphore_mem>>) src(%dma_wait3A_660 : memref<64x192xf32, #tpu.memory_space<vmem>>) dst(%dma_wait3A_656 : memref<64x192xf32, #tpu.memory_space<hbm>>)
      %add3A_661 = arith.constant 3 : i32
      %add3A_662 = arith.addi %add3A_594, %add3A_661 : i32
      %mul3A_663 = arith.constant 64 : i32
      %mul3A_664 = arith.muli %add3A_662, %mul3A_663 : i32
      %dma_start3A_665 = arith.constant 1 : i32
      %dma_start3A_666 = arith.constant 1 : i32
      %dma_start3A_667 = arith.constant 0 : i32
      %dma_start3A_668 = arith.constant 0 : i32
      %dma_start3A_669 = tpu.memref_slice %arg7[%dma_start3A_665, %dma_start3A_667, %dma_start3A_668] : memref<5x64x192xf32, #tpu.memory_space<vmem>> -> memref<1x64x128xf32, #tpu.memory_space<vmem>>
      %dma_start3A_670 = tpu.memref_squeeze %dma_start3A_669 : memref<1x64x128xf32, #tpu.memory_space<vmem>> -> memref<64x128xf32, #tpu.memory_space<vmem>>
      %dma_start3A_671 = tpu.memref_slice %arg6[%mul3A_664] : memref<6400xi32, #tpu.memory_space<vmem>> -> memref<64xi32, #tpu.memory_space<vmem>>
      %dma_start3A_672 = arith.constant 0 : i32
      %dma_start3A_673 = arith.constant 0 : i32
      %dma_start3A_674 = tpu.memref_slice %arg4[%dma_start3A_672, %dma_start3A_673] : memref<100000x128xf32, #tpu.memory_space<hbm>> -> memref<100000x128xf32, #tpu.memory_space<hbm>>
      %dma_start3A_675 = tpu.memref_slice %arg8[%dma_start3A_666] : memref<5x!tpu.dma_semaphore, #tpu.memory_space<semaphore_mem>> -> memref<1x!tpu.dma_semaphore, #tpu.memory_space<semaphore_mem>>
      %dma_start3A_676 = tpu.memref_squeeze %dma_start3A_675 : memref<1x!tpu.dma_semaphore, #tpu.memory_space<semaphore_mem>> -> memref<!tpu.dma_semaphore, #tpu.memory_space<semaphore_mem>>
      tpu.enqueue_indirect_dma source(%dma_start3A_674 : memref<100000x128xf32, #tpu.memory_space<hbm>>) target(%dma_start3A_670 : memref<64x128xf32, #tpu.memory_space<vmem>>) offsets(%dma_start3A_671 : memref<64xi32, #tpu.memory_space<vmem>>) semaphore(%dma_start3A_676 : memref<!tpu.dma_semaphore, #tpu.memory_space<semaphore_mem>>)
      %mul3A_677 = arith.constant 64 : i32
      %mul3A_678 = arith.muli %add3A_662, %mul3A_677 : i32
      %add3A_679 = arith.addi %mul3A_2, %mul3A_678 : i32
      %dma_start3A_680 = arith.constant 1 : i32
      %dma_start3A_681 = arith.constant 1 : i32
      %dma_start3A_682 = arith.constant 0 : i32
      %dma_start3A_683 = arith.constant 128 : i32
      %dma_start3A_684 = tpu.memref_slice %arg7[%dma_start3A_680, %dma_start3A_682, %dma_start3A_683] : memref<5x64x192xf32, #tpu.memory_space<vmem>> -> memref<1x64x64xf32, #tpu.memory_space<vmem>>
      %dma_start3A_685 = tpu.memref_squeeze %dma_start3A_684 : memref<1x64x64xf32, #tpu.memory_space<vmem>> -> memref<64x64xf32, #tpu.memory_space<vmem>>
      %dma_start3A_686 = arith.constant 0 : i32
      %dma_start3A_687 = tpu.memref_slice %arg3[%add3A_679, %dma_start3A_686] : memref<204800x64xf32, #tpu.memory_space<hbm>> -> memref<64x64xf32, #tpu.memory_space<hbm>>
      %dma_start3A_688 = tpu.memref_slice %arg9[%dma_start3A_681] : memref<5x!tpu.dma_semaphore, #tpu.memory_space<semaphore_mem>> -> memref<1x!tpu.dma_semaphore, #tpu.memory_space<semaphore_mem>>
      %dma_start3A_689 = tpu.memref_squeeze %dma_start3A_688 : memref<1x!tpu.dma_semaphore, #tpu.memory_space<semaphore_mem>> -> memref<!tpu.dma_semaphore, #tpu.memory_space<semaphore_mem>>
      %dma_start3A_690 = arith.constant 0 : i32
      %dma_start3A_691 = arith.constant 128 : i32
      %dma_start3A_692 = tpu.memref_slice %arg7[%dma_start3A_680, %dma_start3A_690, %dma_start3A_691] : memref<5x64x192xf32, #tpu.memory_space<vmem>> -> memref<1x64x64xf32, #tpu.memory_space<vmem>>
      %dma_start3A_693 = tpu.memref_squeeze %dma_start3A_692 : memref<1x64x64xf32, #tpu.memory_space<vmem>> -> memref<64x64xf32, #tpu.memory_space<vmem>>
      %dma_start3A_694 = arith.constant 0 : i32
      %dma_start3A_695 = tpu.memref_slice %arg3[%add3A_679, %dma_start3A_694] : memref<204800x64xf32, #tpu.memory_space<hbm>> -> memref<64x64xf32, #tpu.memory_space<hbm>>
      tpu.enqueue_dma source(%dma_start3A_695 : memref<64x64xf32, #tpu.memory_space<hbm>>) target(%dma_start3A_693 : memref<64x64xf32, #tpu.memory_space<vmem>>) target_semaphore(%dma_start3A_689 : memref<!tpu.dma_semaphore, #tpu.memory_space<semaphore_mem>>)
      %add3A_696 = arith.constant 2 : i32
      %add3A_697 = arith.addi %add3A_489, %add3A_696 : i32
      %dma_wait3A_698 = arith.constant 4 : i32
      %dma_wait3A_699 = arith.constant 4 : i32
      %dma_wait3A_700 = arith.constant 0 : i32
      %dma_wait3A_701 = arith.constant 0 : i32
      %dma_wait3A_702 = tpu.memref_slice %arg7[%dma_wait3A_698, %dma_wait3A_700, %dma_wait3A_701] : memref<5x64x192xf32, #tpu.memory_space<vmem>> -> memref<1x64x128xf32, #tpu.memory_space<vmem>>
      %dma_wait3A_703 = tpu.memref_squeeze %dma_wait3A_702 : memref<1x64x128xf32, #tpu.memory_space<vmem>> -> memref<64x128xf32, #tpu.memory_space<vmem>>
      %dma_wait3A_704 = arith.constant 0 : i32
      %dma_wait3A_705 = tpu.memref_slice %arg6[%dma_wait3A_704] : memref<6400xi32, #tpu.memory_space<vmem>> -> memref<64xi32, #tpu.memory_space<vmem>>
      %dma_wait3A_706 = arith.constant 0 : i32
      %dma_wait3A_707 = arith.constant 0 : i32
      %dma_wait3A_708 = tpu.memref_slice %arg4[%dma_wait3A_706, %dma_wait3A_707] : memref<100000x128xf32, #tpu.memory_space<hbm>> -> memref<100000x128xf32, #tpu.memory_space<hbm>>
      %dma_wait3A_709 = tpu.memref_slice %arg8[%dma_wait3A_699] : memref<5x!tpu.dma_semaphore, #tpu.memory_space<semaphore_mem>> -> memref<1x!tpu.dma_semaphore, #tpu.memory_space<semaphore_mem>>
      %dma_wait3A_710 = tpu.memref_squeeze %dma_wait3A_709 : memref<1x!tpu.dma_semaphore, #tpu.memory_space<semaphore_mem>> -> memref<!tpu.dma_semaphore, #tpu.memory_space<semaphore_mem>>
      tpu.wait_indirect_dma semaphore(%dma_wait3A_710 : memref<!tpu.dma_semaphore, #tpu.memory_space<semaphore_mem>>) src(%dma_wait3A_708 : memref<100000x128xf32, #tpu.memory_space<hbm>>) dst(%dma_wait3A_703 : memref<64x128xf32, #tpu.memory_space<vmem>>)
      %dma_wait3A_711 = arith.constant 4 : i32
      %dma_wait3A_712 = arith.constant 4 : i32
      %dma_wait3A_713 = arith.constant 0 : i32
      %dma_wait3A_714 = arith.constant 128 : i32
      %dma_wait3A_715 = tpu.memref_slice %arg7[%dma_wait3A_711, %dma_wait3A_713, %dma_wait3A_714] : memref<5x64x192xf32, #tpu.memory_space<vmem>> -> memref<1x64x64xf32, #tpu.memory_space<vmem>>
      %dma_wait3A_716 = tpu.memref_squeeze %dma_wait3A_715 : memref<1x64x64xf32, #tpu.memory_space<vmem>> -> memref<64x64xf32, #tpu.memory_space<vmem>>
      %dma_wait3A_717 = arith.constant 0 : i32
      %dma_wait3A_718 = tpu.memref_slice %arg3[%mul3A_2, %dma_wait3A_717] : memref<204800x64xf32, #tpu.memory_space<hbm>> -> memref<64x64xf32, #tpu.memory_space<hbm>>
      %dma_wait3A_719 = tpu.memref_slice %arg9[%dma_wait3A_712] : memref<5x!tpu.dma_semaphore, #tpu.memory_space<semaphore_mem>> -> memref<1x!tpu.dma_semaphore, #tpu.memory_space<semaphore_mem>>
      %dma_wait3A_720 = tpu.memref_squeeze %dma_wait3A_719 : memref<1x!tpu.dma_semaphore, #tpu.memory_space<semaphore_mem>> -> memref<!tpu.dma_semaphore, #tpu.memory_space<semaphore_mem>>
      %dma_wait3A_721 = arith.constant 0 : i32
      %dma_wait3A_722 = arith.constant 128 : i32
      %dma_wait3A_723 = tpu.memref_slice %arg7[%dma_wait3A_711, %dma_wait3A_721, %dma_wait3A_722] : memref<5x64x192xf32, #tpu.memory_space<vmem>> -> memref<1x64x64xf32, #tpu.memory_space<vmem>>
      %dma_wait3A_724 = tpu.memref_squeeze %dma_wait3A_723 : memref<1x64x64xf32, #tpu.memory_space<vmem>> -> memref<64x64xf32, #tpu.memory_space<vmem>>
      %dma_wait3A_725 = arith.constant 0 : i32
      %dma_wait3A_726 = tpu.memref_slice %arg3[%mul3A_2, %dma_wait3A_725] : memref<204800x64xf32, #tpu.memory_space<hbm>> -> memref<64x64xf32, #tpu.memory_space<hbm>>
      tpu.wait_dma2 semaphore(%dma_wait3A_720 : memref<!tpu.dma_semaphore, #tpu.memory_space<semaphore_mem>>) src(%dma_wait3A_726 : memref<64x64xf32, #tpu.memory_space<hbm>>) dst(%dma_wait3A_724 : memref<64x64xf32, #tpu.memory_space<vmem>>)
      %mul3A_727 = arith.constant 64 : i32
      %mul3A_728 = arith.muli %add3A_697, %mul3A_727 : i32
      %add3A_729 = arith.addi %mul3A_2, %mul3A_728 : i32
      %dma_start3A_730 = arith.constant 4 : i32
      %dma_start3A_731 = arith.constant 4 : i32
      %dma_start3A_732 = arith.constant 0 : i32
      %dma_start3A_733 = arith.constant 0 : i32
      %dma_start3A_734 = tpu.memref_slice %arg7[%dma_start3A_730, %dma_start3A_732, %dma_start3A_733] : memref<5x64x192xf32, #tpu.memory_space<vmem>> -> memref<1x64x192xf32, #tpu.memory_space<vmem>>
      %dma_start3A_735 = tpu.memref_squeeze %dma_start3A_734 : memref<1x64x192xf32, #tpu.memory_space<vmem>> -> memref<64x192xf32, #tpu.memory_space<vmem>>
      %dma_start3A_736 = arith.constant 0 : i32
      %dma_start3A_737 = tpu.memref_slice %arg5[%add3A_729, %dma_start3A_736] : memref<204800x192xf32, #tpu.memory_space<hbm>> -> memref<64x192xf32, #tpu.memory_space<hbm>>
      %dma_start3A_738 = tpu.memref_slice %arg10[%dma_start3A_731] : memref<5x!tpu.dma_semaphore, #tpu.memory_space<semaphore_mem>> -> memref<1x!tpu.dma_semaphore, #tpu.memory_space<semaphore_mem>>
      %dma_start3A_739 = tpu.memref_squeeze %dma_start3A_738 : memref<1x!tpu.dma_semaphore, #tpu.memory_space<semaphore_mem>> -> memref<!tpu.dma_semaphore, #tpu.memory_space<semaphore_mem>>
      %dma_start3A_740 = arith.constant 0 : i32
      %dma_start3A_741 = tpu.memref_slice %arg5[%add3A_729, %dma_start3A_740] : memref<204800x192xf32, #tpu.memory_space<hbm>> -> memref<64x192xf32, #tpu.memory_space<hbm>>
      %dma_start3A_742 = arith.constant 0 : i32
      %dma_start3A_743 = arith.constant 0 : i32
      %dma_start3A_744 = tpu.memref_slice %arg7[%dma_start3A_730, %dma_start3A_742, %dma_start3A_743] : memref<5x64x192xf32, #tpu.memory_space<vmem>> -> memref<1x64x192xf32, #tpu.memory_space<vmem>>
      %dma_start3A_745 = tpu.memref_squeeze %dma_start3A_744 : memref<1x64x192xf32, #tpu.memory_space<vmem>> -> memref<64x192xf32, #tpu.memory_space<vmem>>
      tpu.enqueue_dma source(%dma_start3A_745 : memref<64x192xf32, #tpu.memory_space<vmem>>) target(%dma_start3A_741 : memref<64x192xf32, #tpu.memory_space<hbm>>) target_semaphore(%dma_start3A_739 : memref<!tpu.dma_semaphore, #tpu.memory_space<semaphore_mem>>)
      %add3A_746 = arith.constant 0 : i32
      %add3A_747 = arith.addi %mul3A_2, %add3A_746 : i32
      %dma_wait3A_748 = arith.constant 2 : i32
      %dma_wait3A_749 = arith.constant 2 : i32
      %dma_wait3A_750 = arith.constant 0 : i32
      %dma_wait3A_751 = arith.constant 0 : i32
      %dma_wait3A_752 = tpu.memref_slice %arg7[%dma_wait3A_748, %dma_wait3A_750, %dma_wait3A_751] : memref<5x64x192xf32, #tpu.memory_space<vmem>> -> memref<1x64x192xf32, #tpu.memory_space<vmem>>
      %dma_wait3A_753 = tpu.memref_squeeze %dma_wait3A_752 : memref<1x64x192xf32, #tpu.memory_space<vmem>> -> memref<64x192xf32, #tpu.memory_space<vmem>>
      %dma_wait3A_754 = arith.constant 0 : i32
      %dma_wait3A_755 = tpu.memref_slice %arg5[%add3A_747, %dma_wait3A_754] : memref<204800x192xf32, #tpu.memory_space<hbm>> -> memref<64x192xf32, #tpu.memory_space<hbm>>
      %dma_wait3A_756 = tpu.memref_slice %arg10[%dma_wait3A_749] : memref<5x!tpu.dma_semaphore, #tpu.memory_space<semaphore_mem>> -> memref<1x!tpu.dma_semaphore, #tpu.memory_space<semaphore_mem>>
      %dma_wait3A_757 = tpu.memref_squeeze %dma_wait3A_756 : memref<1x!tpu.dma_semaphore, #tpu.memory_space<semaphore_mem>> -> memref<!tpu.dma_semaphore, #tpu.memory_space<semaphore_mem>>
      %dma_wait3A_758 = arith.constant 0 : i32
      %dma_wait3A_759 = tpu.memref_slice %arg5[%add3A_747, %dma_wait3A_758] : memref<204800x192xf32, #tpu.memory_space<hbm>> -> memref<64x192xf32, #tpu.memory_space<hbm>>
      %dma_wait3A_760 = arith.constant 0 : i32
      %dma_wait3A_761 = arith.constant 0 : i32
      %dma_wait3A_762 = tpu.memref_slice %arg7[%dma_wait3A_748, %dma_wait3A_760, %dma_wait3A_761] : memref<5x64x192xf32, #tpu.memory_space<vmem>> -> memref<1x64x192xf32, #tpu.memory_space<vmem>>
      %dma_wait3A_763 = tpu.memref_squeeze %dma_wait3A_762 : memref<1x64x192xf32, #tpu.memory_space<vmem>> -> memref<64x192xf32, #tpu.memory_space<vmem>>
      tpu.wait_dma2 semaphore(%dma_wait3A_757 : memref<!tpu.dma_semaphore, #tpu.memory_space<semaphore_mem>>) src(%dma_wait3A_763 : memref<64x192xf32, #tpu.memory_space<vmem>>) dst(%dma_wait3A_759 : memref<64x192xf32, #tpu.memory_space<hbm>>)
      %add3A_764 = arith.constant 3 : i32
      %add3A_765 = arith.addi %add3A_697, %add3A_764 : i32
      %mul3A_766 = arith.constant 64 : i32
      %mul3A_767 = arith.muli %add3A_765, %mul3A_766 : i32
      %dma_start3A_768 = arith.constant 2 : i32
      %dma_start3A_769 = arith.constant 2 : i32
      %dma_start3A_770 = arith.constant 0 : i32
      %dma_start3A_771 = arith.constant 0 : i32
      %dma_start3A_772 = tpu.memref_slice %arg7[%dma_start3A_768, %dma_start3A_770, %dma_start3A_771] : memref<5x64x192xf32, #tpu.memory_space<vmem>> -> memref<1x64x128xf32, #tpu.memory_space<vmem>>
      %dma_start3A_773 = tpu.memref_squeeze %dma_start3A_772 : memref<1x64x128xf32, #tpu.memory_space<vmem>> -> memref<64x128xf32, #tpu.memory_space<vmem>>
      %dma_start3A_774 = tpu.memref_slice %arg6[%mul3A_767] : memref<6400xi32, #tpu.memory_space<vmem>> -> memref<64xi32, #tpu.memory_space<vmem>>
      %dma_start3A_775 = arith.constant 0 : i32
      %dma_start3A_776 = arith.constant 0 : i32
      %dma_start3A_777 = tpu.memref_slice %arg4[%dma_start3A_775, %dma_start3A_776] : memref<100000x128xf32, #tpu.memory_space<hbm>> -> memref<100000x128xf32, #tpu.memory_space<hbm>>
      %dma_start3A_778 = tpu.memref_slice %arg8[%dma_start3A_769] : memref<5x!tpu.dma_semaphore, #tpu.memory_space<semaphore_mem>> -> memref<1x!tpu.dma_semaphore, #tpu.memory_space<semaphore_mem>>
      %dma_start3A_779 = tpu.memref_squeeze %dma_start3A_778 : memref<1x!tpu.dma_semaphore, #tpu.memory_space<semaphore_mem>> -> memref<!tpu.dma_semaphore, #tpu.memory_space<semaphore_mem>>
      tpu.enqueue_indirect_dma source(%dma_start3A_777 : memref<100000x128xf32, #tpu.memory_space<hbm>>) target(%dma_start3A_773 : memref<64x128xf32, #tpu.memory_space<vmem>>) offsets(%dma_start3A_774 : memref<64xi32, #tpu.memory_space<vmem>>) semaphore(%dma_start3A_779 : memref<!tpu.dma_semaphore, #tpu.memory_space<semaphore_mem>>)
      %mul3A_780 = arith.constant 64 : i32
      %mul3A_781 = arith.muli %add3A_765, %mul3A_780 : i32
      %add3A_782 = arith.addi %mul3A_2, %mul3A_781 : i32
      %dma_start3A_783 = arith.constant 2 : i32
      %dma_start3A_784 = arith.constant 2 : i32
      %dma_start3A_785 = arith.constant 0 : i32
      %dma_start3A_786 = arith.constant 128 : i32
      %dma_start3A_787 = tpu.memref_slice %arg7[%dma_start3A_783, %dma_start3A_785, %dma_start3A_786] : memref<5x64x192xf32, #tpu.memory_space<vmem>> -> memref<1x64x64xf32, #tpu.memory_space<vmem>>
      %dma_start3A_788 = tpu.memref_squeeze %dma_start3A_787 : memref<1x64x64xf32, #tpu.memory_space<vmem>> -> memref<64x64xf32, #tpu.memory_space<vmem>>
      %dma_start3A_789 = arith.constant 0 : i32
      %dma_start3A_790 = tpu.memref_slice %arg3[%add3A_782, %dma_start3A_789] : memref<204800x64xf32, #tpu.memory_space<hbm>> -> memref<64x64xf32, #tpu.memory_space<hbm>>
      %dma_start3A_791 = tpu.memref_slice %arg9[%dma_start3A_784] : memref<5x!tpu.dma_semaphore, #tpu.memory_space<semaphore_mem>> -> memref<1x!tpu.dma_semaphore, #tpu.memory_space<semaphore_mem>>
      %dma_start3A_792 = tpu.memref_squeeze %dma_start3A_791 : memref<1x!tpu.dma_semaphore, #tpu.memory_space<semaphore_mem>> -> memref<!tpu.dma_semaphore, #tpu.memory_space<semaphore_mem>>
      %dma_start3A_793 = arith.constant 0 : i32
      %dma_start3A_794 = arith.constant 128 : i32
      %dma_start3A_795 = tpu.memref_slice %arg7[%dma_start3A_783, %dma_start3A_793, %dma_start3A_794] : memref<5x64x192xf32, #tpu.memory_space<vmem>> -> memref<1x64x64xf32, #tpu.memory_space<vmem>>
      %dma_start3A_796 = tpu.memref_squeeze %dma_start3A_795 : memref<1x64x64xf32, #tpu.memory_space<vmem>> -> memref<64x64xf32, #tpu.memory_space<vmem>>
      %dma_start3A_797 = arith.constant 0 : i32
      %dma_start3A_798 = tpu.memref_slice %arg3[%add3A_782, %dma_start3A_797] : memref<204800x64xf32, #tpu.memory_space<hbm>> -> memref<64x64xf32, #tpu.memory_space<hbm>>
      tpu.enqueue_dma source(%dma_start3A_798 : memref<64x64xf32, #tpu.memory_space<hbm>>) target(%dma_start3A_796 : memref<64x64xf32, #tpu.memory_space<vmem>>) target_semaphore(%dma_start3A_792 : memref<!tpu.dma_semaphore, #tpu.memory_space<semaphore_mem>>)
      %add3A_799 = arith.constant 3 : i32
      %add3A_800 = arith.addi %add3A_489, %add3A_799 : i32
      %dma_wait3A_801 = arith.constant 0 : i32
      %dma_wait3A_802 = arith.constant 0 : i32
      %dma_wait3A_803 = arith.constant 0 : i32
      %dma_wait3A_804 = arith.constant 0 : i32
      %dma_wait3A_805 = tpu.memref_slice %arg7[%dma_wait3A_801, %dma_wait3A_803, %dma_wait3A_804] : memref<5x64x192xf32, #tpu.memory_space<vmem>> -> memref<1x64x128xf32, #tpu.memory_space<vmem>>
      %dma_wait3A_806 = tpu.memref_squeeze %dma_wait3A_805 : memref<1x64x128xf32, #tpu.memory_space<vmem>> -> memref<64x128xf32, #tpu.memory_space<vmem>>
      %dma_wait3A_807 = arith.constant 0 : i32
      %dma_wait3A_808 = tpu.memref_slice %arg6[%dma_wait3A_807] : memref<6400xi32, #tpu.memory_space<vmem>> -> memref<64xi32, #tpu.memory_space<vmem>>
      %dma_wait3A_809 = arith.constant 0 : i32
      %dma_wait3A_810 = arith.constant 0 : i32
      %dma_wait3A_811 = tpu.memref_slice %arg4[%dma_wait3A_809, %dma_wait3A_810] : memref<100000x128xf32, #tpu.memory_space<hbm>> -> memref<100000x128xf32, #tpu.memory_space<hbm>>
      %dma_wait3A_812 = tpu.memref_slice %arg8[%dma_wait3A_802] : memref<5x!tpu.dma_semaphore, #tpu.memory_space<semaphore_mem>> -> memref<1x!tpu.dma_semaphore, #tpu.memory_space<semaphore_mem>>
      %dma_wait3A_813 = tpu.memref_squeeze %dma_wait3A_812 : memref<1x!tpu.dma_semaphore, #tpu.memory_space<semaphore_mem>> -> memref<!tpu.dma_semaphore, #tpu.memory_space<semaphore_mem>>
      tpu.wait_indirect_dma semaphore(%dma_wait3A_813 : memref<!tpu.dma_semaphore, #tpu.memory_space<semaphore_mem>>) src(%dma_wait3A_811 : memref<100000x128xf32, #tpu.memory_space<hbm>>) dst(%dma_wait3A_806 : memref<64x128xf32, #tpu.memory_space<vmem>>)
      %dma_wait3A_814 = arith.constant 0 : i32
      %dma_wait3A_815 = arith.constant 0 : i32
      %dma_wait3A_816 = arith.constant 0 : i32
      %dma_wait3A_817 = arith.constant 128 : i32
      %dma_wait3A_818 = tpu.memref_slice %arg7[%dma_wait3A_814, %dma_wait3A_816, %dma_wait3A_817] : memref<5x64x192xf32, #tpu.memory_space<vmem>> -> memref<1x64x64xf32, #tpu.memory_space<vmem>>
      %dma_wait3A_819 = tpu.memref_squeeze %dma_wait3A_818 : memref<1x64x64xf32, #tpu.memory_space<vmem>> -> memref<64x64xf32, #tpu.memory_space<vmem>>
      %dma_wait3A_820 = arith.constant 0 : i32
      %dma_wait3A_821 = tpu.memref_slice %arg3[%mul3A_2, %dma_wait3A_820] : memref<204800x64xf32, #tpu.memory_space<hbm>> -> memref<64x64xf32, #tpu.memory_space<hbm>>
      %dma_wait3A_822 = tpu.memref_slice %arg9[%dma_wait3A_815] : memref<5x!tpu.dma_semaphore, #tpu.memory_space<semaphore_mem>> -> memref<1x!tpu.dma_semaphore, #tpu.memory_space<semaphore_mem>>
      %dma_wait3A_823 = tpu.memref_squeeze %dma_wait3A_822 : memref<1x!tpu.dma_semaphore, #tpu.memory_space<semaphore_mem>> -> memref<!tpu.dma_semaphore, #tpu.memory_space<semaphore_mem>>
      %dma_wait3A_824 = arith.constant 0 : i32
      %dma_wait3A_825 = arith.constant 128 : i32
      %dma_wait3A_826 = tpu.memref_slice %arg7[%dma_wait3A_814, %dma_wait3A_824, %dma_wait3A_825] : memref<5x64x192xf32, #tpu.memory_space<vmem>> -> memref<1x64x64xf32, #tpu.memory_space<vmem>>
      %dma_wait3A_827 = tpu.memref_squeeze %dma_wait3A_826 : memref<1x64x64xf32, #tpu.memory_space<vmem>> -> memref<64x64xf32, #tpu.memory_space<vmem>>
      %dma_wait3A_828 = arith.constant 0 : i32
      %dma_wait3A_829 = tpu.memref_slice %arg3[%mul3A_2, %dma_wait3A_828] : memref<204800x64xf32, #tpu.memory_space<hbm>> -> memref<64x64xf32, #tpu.memory_space<hbm>>
      tpu.wait_dma2 semaphore(%dma_wait3A_823 : memref<!tpu.dma_semaphore, #tpu.memory_space<semaphore_mem>>) src(%dma_wait3A_829 : memref<64x64xf32, #tpu.memory_space<hbm>>) dst(%dma_wait3A_827 : memref<64x64xf32, #tpu.memory_space<vmem>>)
      %mul3A_830 = arith.constant 64 : i32
      %mul3A_831 = arith.muli %add3A_800, %mul3A_830 : i32
      %add3A_832 = arith.addi %mul3A_2, %mul3A_831 : i32
      %dma_start3A_833 = arith.constant 0 : i32
      %dma_start3A_834 = arith.constant 0 : i32
      %dma_start3A_835 = arith.constant 0 : i32
      %dma_start3A_836 = arith.constant 0 : i32
      %dma_start3A_837 = tpu.memref_slice %arg7[%dma_start3A_833, %dma_start3A_835, %dma_start3A_836] : memref<5x64x192xf32, #tpu.memory_space<vmem>> -> memref<1x64x192xf32, #tpu.memory_space<vmem>>
      %dma_start3A_838 = tpu.memref_squeeze %dma_start3A_837 : memref<1x64x192xf32, #tpu.memory_space<vmem>> -> memref<64x192xf32, #tpu.memory_space<vmem>>
      %dma_start3A_839 = arith.constant 0 : i32
      %dma_start3A_840 = tpu.memref_slice %arg5[%add3A_832, %dma_start3A_839] : memref<204800x192xf32, #tpu.memory_space<hbm>> -> memref<64x192xf32, #tpu.memory_space<hbm>>
      %dma_start3A_841 = tpu.memref_slice %arg10[%dma_start3A_834] : memref<5x!tpu.dma_semaphore, #tpu.memory_space<semaphore_mem>> -> memref<1x!tpu.dma_semaphore, #tpu.memory_space<semaphore_mem>>
      %dma_start3A_842 = tpu.memref_squeeze %dma_start3A_841 : memref<1x!tpu.dma_semaphore, #tpu.memory_space<semaphore_mem>> -> memref<!tpu.dma_semaphore, #tpu.memory_space<semaphore_mem>>
      %dma_start3A_843 = arith.constant 0 : i32
      %dma_start3A_844 = tpu.memref_slice %arg5[%add3A_832, %dma_start3A_843] : memref<204800x192xf32, #tpu.memory_space<hbm>> -> memref<64x192xf32, #tpu.memory_space<hbm>>
      %dma_start3A_845 = arith.constant 0 : i32
      %dma_start3A_846 = arith.constant 0 : i32
      %dma_start3A_847 = tpu.memref_slice %arg7[%dma_start3A_833, %dma_start3A_845, %dma_start3A_846] : memref<5x64x192xf32, #tpu.memory_space<vmem>> -> memref<1x64x192xf32, #tpu.memory_space<vmem>>
      %dma_start3A_848 = tpu.memref_squeeze %dma_start3A_847 : memref<1x64x192xf32, #tpu.memory_space<vmem>> -> memref<64x192xf32, #tpu.memory_space<vmem>>
      tpu.enqueue_dma source(%dma_start3A_848 : memref<64x192xf32, #tpu.memory_space<vmem>>) target(%dma_start3A_844 : memref<64x192xf32, #tpu.memory_space<hbm>>) target_semaphore(%dma_start3A_842 : memref<!tpu.dma_semaphore, #tpu.memory_space<semaphore_mem>>)
      %add3A_849 = arith.constant 0 : i32
      %add3A_850 = arith.addi %mul3A_2, %add3A_849 : i32
      %dma_wait3A_851 = arith.constant 3 : i32
      %dma_wait3A_852 = arith.constant 3 : i32
      %dma_wait3A_853 = arith.constant 0 : i32
      %dma_wait3A_854 = arith.constant 0 : i32
      %dma_wait3A_855 = tpu.memref_slice %arg7[%dma_wait3A_851, %dma_wait3A_853, %dma_wait3A_854] : memref<5x64x192xf32, #tpu.memory_space<vmem>> -> memref<1x64x192xf32, #tpu.memory_space<vmem>>
      %dma_wait3A_856 = tpu.memref_squeeze %dma_wait3A_855 : memref<1x64x192xf32, #tpu.memory_space<vmem>> -> memref<64x192xf32, #tpu.memory_space<vmem>>
      %dma_wait3A_857 = arith.constant 0 : i32
      %dma_wait3A_858 = tpu.memref_slice %arg5[%add3A_850, %dma_wait3A_857] : memref<204800x192xf32, #tpu.memory_space<hbm>> -> memref<64x192xf32, #tpu.memory_space<hbm>>
      %dma_wait3A_859 = tpu.memref_slice %arg10[%dma_wait3A_852] : memref<5x!tpu.dma_semaphore, #tpu.memory_space<semaphore_mem>> -> memref<1x!tpu.dma_semaphore, #tpu.memory_space<semaphore_mem>>
      %dma_wait3A_860 = tpu.memref_squeeze %dma_wait3A_859 : memref<1x!tpu.dma_semaphore, #tpu.memory_space<semaphore_mem>> -> memref<!tpu.dma_semaphore, #tpu.memory_space<semaphore_mem>>
      %dma_wait3A_861 = arith.constant 0 : i32
      %dma_wait3A_862 = tpu.memref_slice %arg5[%add3A_850, %dma_wait3A_861] : memref<204800x192xf32, #tpu.memory_space<hbm>> -> memref<64x192xf32, #tpu.memory_space<hbm>>
      %dma_wait3A_863 = arith.constant 0 : i32
      %dma_wait3A_864 = arith.constant 0 : i32
      %dma_wait3A_865 = tpu.memref_slice %arg7[%dma_wait3A_851, %dma_wait3A_863, %dma_wait3A_864] : memref<5x64x192xf32, #tpu.memory_space<vmem>> -> memref<1x64x192xf32, #tpu.memory_space<vmem>>
      %dma_wait3A_866 = tpu.memref_squeeze %dma_wait3A_865 : memref<1x64x192xf32, #tpu.memory_space<vmem>> -> memref<64x192xf32, #tpu.memory_space<vmem>>
      tpu.wait_dma2 semaphore(%dma_wait3A_860 : memref<!tpu.dma_semaphore, #tpu.memory_space<semaphore_mem>>) src(%dma_wait3A_866 : memref<64x192xf32, #tpu.memory_space<vmem>>) dst(%dma_wait3A_862 : memref<64x192xf32, #tpu.memory_space<hbm>>)
      %add3A_867 = arith.constant 3 : i32
      %add3A_868 = arith.addi %add3A_800, %add3A_867 : i32
      %mul3A_869 = arith.constant 64 : i32
      %mul3A_870 = arith.muli %add3A_868, %mul3A_869 : i32
      %dma_start3A_871 = arith.constant 3 : i32
      %dma_start3A_872 = arith.constant 3 : i32
      %dma_start3A_873 = arith.constant 0 : i32
      %dma_start3A_874 = arith.constant 0 : i32
      %dma_start3A_875 = tpu.memref_slice %arg7[%dma_start3A_871, %dma_start3A_873, %dma_start3A_874] : memref<5x64x192xf32, #tpu.memory_space<vmem>> -> memref<1x64x128xf32, #tpu.memory_space<vmem>>
      %dma_start3A_876 = tpu.memref_squeeze %dma_start3A_875 : memref<1x64x128xf32, #tpu.memory_space<vmem>> -> memref<64x128xf32, #tpu.memory_space<vmem>>
      %dma_start3A_877 = tpu.memref_slice %arg6[%mul3A_870] : memref<6400xi32, #tpu.memory_space<vmem>> -> memref<64xi32, #tpu.memory_space<vmem>>
      %dma_start3A_878 = arith.constant 0 : i32
      %dma_start3A_879 = arith.constant 0 : i32
      %dma_start3A_880 = tpu.memref_slice %arg4[%dma_start3A_878, %dma_start3A_879] : memref<100000x128xf32, #tpu.memory_space<hbm>> -> memref<100000x128xf32, #tpu.memory_space<hbm>>
      %dma_start3A_881 = tpu.memref_slice %arg8[%dma_start3A_872] : memref<5x!tpu.dma_semaphore, #tpu.memory_space<semaphore_mem>> -> memref<1x!tpu.dma_semaphore, #tpu.memory_space<semaphore_mem>>
      %dma_start3A_882 = tpu.memref_squeeze %dma_start3A_881 : memref<1x!tpu.dma_semaphore, #tpu.memory_space<semaphore_mem>> -> memref<!tpu.dma_semaphore, #tpu.memory_space<semaphore_mem>>
      tpu.enqueue_indirect_dma source(%dma_start3A_880 : memref<100000x128xf32, #tpu.memory_space<hbm>>) target(%dma_start3A_876 : memref<64x128xf32, #tpu.memory_space<vmem>>) offsets(%dma_start3A_877 : memref<64xi32, #tpu.memory_space<vmem>>) semaphore(%dma_start3A_882 : memref<!tpu.dma_semaphore, #tpu.memory_space<semaphore_mem>>)
      %mul3A_883 = arith.constant 64 : i32
      %mul3A_884 = arith.muli %add3A_868, %mul3A_883 : i32
      %add3A_885 = arith.addi %mul3A_2, %mul3A_884 : i32
      %dma_start3A_886 = arith.constant 3 : i32
      %dma_start3A_887 = arith.constant 3 : i32
      %dma_start3A_888 = arith.constant 0 : i32
      %dma_start3A_889 = arith.constant 128 : i32
      %dma_start3A_890 = tpu.memref_slice %arg7[%dma_start3A_886, %dma_start3A_888, %dma_start3A_889] : memref<5x64x192xf32, #tpu.memory_space<vmem>> -> memref<1x64x64xf32, #tpu.memory_space<vmem>>
      %dma_start3A_891 = tpu.memref_squeeze %dma_start3A_890 : memref<1x64x64xf32, #tpu.memory_space<vmem>> -> memref<64x64xf32, #tpu.memory_space<vmem>>
      %dma_start3A_892 = arith.constant 0 : i32
      %dma_start3A_893 = tpu.memref_slice %arg3[%add3A_885, %dma_start3A_892] : memref<204800x64xf32, #tpu.memory_space<hbm>> -> memref<64x64xf32, #tpu.memory_space<hbm>>
      %dma_start3A_894 = tpu.memref_slice %arg9[%dma_start3A_887] : memref<5x!tpu.dma_semaphore, #tpu.memory_space<semaphore_mem>> -> memref<1x!tpu.dma_semaphore, #tpu.memory_space<semaphore_mem>>
      %dma_start3A_895 = tpu.memref_squeeze %dma_start3A_894 : memref<1x!tpu.dma_semaphore, #tpu.memory_space<semaphore_mem>> -> memref<!tpu.dma_semaphore, #tpu.memory_space<semaphore_mem>>
      %dma_start3A_896 = arith.constant 0 : i32
      %dma_start3A_897 = arith.constant 128 : i32
      %dma_start3A_898 = tpu.memref_slice %arg7[%dma_start3A_886, %dma_start3A_896, %dma_start3A_897] : memref<5x64x192xf32, #tpu.memory_space<vmem>> -> memref<1x64x64xf32, #tpu.memory_space<vmem>>
      %dma_start3A_899 = tpu.memref_squeeze %dma_start3A_898 : memref<1x64x64xf32, #tpu.memory_space<vmem>> -> memref<64x64xf32, #tpu.memory_space<vmem>>
      %dma_start3A_900 = arith.constant 0 : i32
      %dma_start3A_901 = tpu.memref_slice %arg3[%add3A_885, %dma_start3A_900] : memref<204800x64xf32, #tpu.memory_space<hbm>> -> memref<64x64xf32, #tpu.memory_space<hbm>>
      tpu.enqueue_dma source(%dma_start3A_901 : memref<64x64xf32, #tpu.memory_space<hbm>>) target(%dma_start3A_899 : memref<64x64xf32, #tpu.memory_space<vmem>>) target_semaphore(%dma_start3A_895 : memref<!tpu.dma_semaphore, #tpu.memory_space<semaphore_mem>>)
      %add3A_902 = arith.constant 4 : i32
      %add3A_903 = arith.addi %add3A_489, %add3A_902 : i32
      %dma_wait3A_904 = arith.constant 1 : i32
      %dma_wait3A_905 = arith.constant 1 : i32
      %dma_wait3A_906 = arith.constant 0 : i32
      %dma_wait3A_907 = arith.constant 0 : i32
      %dma_wait3A_908 = tpu.memref_slice %arg7[%dma_wait3A_904, %dma_wait3A_906, %dma_wait3A_907] : memref<5x64x192xf32, #tpu.memory_space<vmem>> -> memref<1x64x128xf32, #tpu.memory_space<vmem>>
      %dma_wait3A_909 = tpu.memref_squeeze %dma_wait3A_908 : memref<1x64x128xf32, #tpu.memory_space<vmem>> -> memref<64x128xf32, #tpu.memory_space<vmem>>
      %dma_wait3A_910 = arith.constant 0 : i32
      %dma_wait3A_911 = tpu.memref_slice %arg6[%dma_wait3A_910] : memref<6400xi32, #tpu.memory_space<vmem>> -> memref<64xi32, #tpu.memory_space<vmem>>
      %dma_wait3A_912 = arith.constant 0 : i32
      %dma_wait3A_913 = arith.constant 0 : i32
      %dma_wait3A_914 = tpu.memref_slice %arg4[%dma_wait3A_912, %dma_wait3A_913] : memref<100000x128xf32, #tpu.memory_space<hbm>> -> memref<100000x128xf32, #tpu.memory_space<hbm>>
      %dma_wait3A_915 = tpu.memref_slice %arg8[%dma_wait3A_905] : memref<5x!tpu.dma_semaphore, #tpu.memory_space<semaphore_mem>> -> memref<1x!tpu.dma_semaphore, #tpu.memory_space<semaphore_mem>>
      %dma_wait3A_916 = tpu.memref_squeeze %dma_wait3A_915 : memref<1x!tpu.dma_semaphore, #tpu.memory_space<semaphore_mem>> -> memref<!tpu.dma_semaphore, #tpu.memory_space<semaphore_mem>>
      tpu.wait_indirect_dma semaphore(%dma_wait3A_916 : memref<!tpu.dma_semaphore, #tpu.memory_space<semaphore_mem>>) src(%dma_wait3A_914 : memref<100000x128xf32, #tpu.memory_space<hbm>>) dst(%dma_wait3A_909 : memref<64x128xf32, #tpu.memory_space<vmem>>)
      %dma_wait3A_917 = arith.constant 1 : i32
      %dma_wait3A_918 = arith.constant 1 : i32
      %dma_wait3A_919 = arith.constant 0 : i32
      %dma_wait3A_920 = arith.constant 128 : i32
      %dma_wait3A_921 = tpu.memref_slice %arg7[%dma_wait3A_917, %dma_wait3A_919, %dma_wait3A_920] : memref<5x64x192xf32, #tpu.memory_space<vmem>> -> memref<1x64x64xf32, #tpu.memory_space<vmem>>
      %dma_wait3A_922 = tpu.memref_squeeze %dma_wait3A_921 : memref<1x64x64xf32, #tpu.memory_space<vmem>> -> memref<64x64xf32, #tpu.memory_space<vmem>>
      %dma_wait3A_923 = arith.constant 0 : i32
      %dma_wait3A_924 = tpu.memref_slice %arg3[%mul3A_2, %dma_wait3A_923] : memref<204800x64xf32, #tpu.memory_space<hbm>> -> memref<64x64xf32, #tpu.memory_space<hbm>>
      %dma_wait3A_925 = tpu.memref_slice %arg9[%dma_wait3A_918] : memref<5x!tpu.dma_semaphore, #tpu.memory_space<semaphore_mem>> -> memref<1x!tpu.dma_semaphore, #tpu.memory_space<semaphore_mem>>
      %dma_wait3A_926 = tpu.memref_squeeze %dma_wait3A_925 : memref<1x!tpu.dma_semaphore, #tpu.memory_space<semaphore_mem>> -> memref<!tpu.dma_semaphore, #tpu.memory_space<semaphore_mem>>
      %dma_wait3A_927 = arith.constant 0 : i32
      %dma_wait3A_928 = arith.constant 128 : i32
      %dma_wait3A_929 = tpu.memref_slice %arg7[%dma_wait3A_917, %dma_wait3A_927, %dma_wait3A_928] : memref<5x64x192xf32, #tpu.memory_space<vmem>> -> memref<1x64x64xf32, #tpu.memory_space<vmem>>
      %dma_wait3A_930 = tpu.memref_squeeze %dma_wait3A_929 : memref<1x64x64xf32, #tpu.memory_space<vmem>> -> memref<64x64xf32, #tpu.memory_space<vmem>>
      %dma_wait3A_931 = arith.constant 0 : i32
      %dma_wait3A_932 = tpu.memref_slice %arg3[%mul3A_2, %dma_wait3A_931] : memref<204800x64xf32, #tpu.memory_space<hbm>> -> memref<64x64xf32, #tpu.memory_space<hbm>>
      tpu.wait_dma2 semaphore(%dma_wait3A_926 : memref<!tpu.dma_semaphore, #tpu.memory_space<semaphore_mem>>) src(%dma_wait3A_932 : memref<64x64xf32, #tpu.memory_space<hbm>>) dst(%dma_wait3A_930 : memref<64x64xf32, #tpu.memory_space<vmem>>)
      %mul3A_933 = arith.constant 64 : i32
      %mul3A_934 = arith.muli %add3A_903, %mul3A_933 : i32
      %add3A_935 = arith.addi %mul3A_2, %mul3A_934 : i32
      %dma_start3A_936 = arith.constant 1 : i32
      %dma_start3A_937 = arith.constant 1 : i32
      %dma_start3A_938 = arith.constant 0 : i32
      %dma_start3A_939 = arith.constant 0 : i32
      %dma_start3A_940 = tpu.memref_slice %arg7[%dma_start3A_936, %dma_start3A_938, %dma_start3A_939] : memref<5x64x192xf32, #tpu.memory_space<vmem>> -> memref<1x64x192xf32, #tpu.memory_space<vmem>>
      %dma_start3A_941 = tpu.memref_squeeze %dma_start3A_940 : memref<1x64x192xf32, #tpu.memory_space<vmem>> -> memref<64x192xf32, #tpu.memory_space<vmem>>
      %dma_start3A_942 = arith.constant 0 : i32
      %dma_start3A_943 = tpu.memref_slice %arg5[%add3A_935, %dma_start3A_942] : memref<204800x192xf32, #tpu.memory_space<hbm>> -> memref<64x192xf32, #tpu.memory_space<hbm>>
      %dma_start3A_944 = tpu.memref_slice %arg10[%dma_start3A_937] : memref<5x!tpu.dma_semaphore, #tpu.memory_space<semaphore_mem>> -> memref<1x!tpu.dma_semaphore, #tpu.memory_space<semaphore_mem>>
      %dma_start3A_945 = tpu.memref_squeeze %dma_start3A_944 : memref<1x!tpu.dma_semaphore, #tpu.memory_space<semaphore_mem>> -> memref<!tpu.dma_semaphore, #tpu.memory_space<semaphore_mem>>
      %dma_start3A_946 = arith.constant 0 : i32
      %dma_start3A_947 = tpu.memref_slice %arg5[%add3A_935, %dma_start3A_946] : memref<204800x192xf32, #tpu.memory_space<hbm>> -> memref<64x192xf32, #tpu.memory_space<hbm>>
      %dma_start3A_948 = arith.constant 0 : i32
      %dma_start3A_949 = arith.constant 0 : i32
      %dma_start3A_950 = tpu.memref_slice %arg7[%dma_start3A_936, %dma_start3A_948, %dma_start3A_949] : memref<5x64x192xf32, #tpu.memory_space<vmem>> -> memref<1x64x192xf32, #tpu.memory_space<vmem>>
      %dma_start3A_951 = tpu.memref_squeeze %dma_start3A_950 : memref<1x64x192xf32, #tpu.memory_space<vmem>> -> memref<64x192xf32, #tpu.memory_space<vmem>>
      tpu.enqueue_dma source(%dma_start3A_951 : memref<64x192xf32, #tpu.memory_space<vmem>>) target(%dma_start3A_947 : memref<64x192xf32, #tpu.memory_space<hbm>>) target_semaphore(%dma_start3A_945 : memref<!tpu.dma_semaphore, #tpu.memory_space<semaphore_mem>>)
      %add3A_952 = arith.constant 0 : i32
      %add3A_953 = arith.addi %mul3A_2, %add3A_952 : i32
      %dma_wait3A_954 = arith.constant 4 : i32
      %dma_wait3A_955 = arith.constant 4 : i32
      %dma_wait3A_956 = arith.constant 0 : i32
      %dma_wait3A_957 = arith.constant 0 : i32
      %dma_wait3A_958 = tpu.memref_slice %arg7[%dma_wait3A_954, %dma_wait3A_956, %dma_wait3A_957] : memref<5x64x192xf32, #tpu.memory_space<vmem>> -> memref<1x64x192xf32, #tpu.memory_space<vmem>>
      %dma_wait3A_959 = tpu.memref_squeeze %dma_wait3A_958 : memref<1x64x192xf32, #tpu.memory_space<vmem>> -> memref<64x192xf32, #tpu.memory_space<vmem>>
      %dma_wait3A_960 = arith.constant 0 : i32
      %dma_wait3A_961 = tpu.memref_slice %arg5[%add3A_953, %dma_wait3A_960] : memref<204800x192xf32, #tpu.memory_space<hbm>> -> memref<64x192xf32, #tpu.memory_space<hbm>>
      %dma_wait3A_962 = tpu.memref_slice %arg10[%dma_wait3A_955] : memref<5x!tpu.dma_semaphore, #tpu.memory_space<semaphore_mem>> -> memref<1x!tpu.dma_semaphore, #tpu.memory_space<semaphore_mem>>
      %dma_wait3A_963 = tpu.memref_squeeze %dma_wait3A_962 : memref<1x!tpu.dma_semaphore, #tpu.memory_space<semaphore_mem>> -> memref<!tpu.dma_semaphore, #tpu.memory_space<semaphore_mem>>
      %dma_wait3A_964 = arith.constant 0 : i32
      %dma_wait3A_965 = tpu.memref_slice %arg5[%add3A_953, %dma_wait3A_964] : memref<204800x192xf32, #tpu.memory_space<hbm>> -> memref<64x192xf32, #tpu.memory_space<hbm>>
      %dma_wait3A_966 = arith.constant 0 : i32
      %dma_wait3A_967 = arith.constant 0 : i32
      %dma_wait3A_968 = tpu.memref_slice %arg7[%dma_wait3A_954, %dma_wait3A_966, %dma_wait3A_967] : memref<5x64x192xf32, #tpu.memory_space<vmem>> -> memref<1x64x192xf32, #tpu.memory_space<vmem>>
      %dma_wait3A_969 = tpu.memref_squeeze %dma_wait3A_968 : memref<1x64x192xf32, #tpu.memory_space<vmem>> -> memref<64x192xf32, #tpu.memory_space<vmem>>
      tpu.wait_dma2 semaphore(%dma_wait3A_963 : memref<!tpu.dma_semaphore, #tpu.memory_space<semaphore_mem>>) src(%dma_wait3A_969 : memref<64x192xf32, #tpu.memory_space<vmem>>) dst(%dma_wait3A_965 : memref<64x192xf32, #tpu.memory_space<hbm>>)
      %add3A_970 = arith.constant 3 : i32
      %add3A_971 = arith.addi %add3A_903, %add3A_970 : i32
      %mul3A_972 = arith.constant 64 : i32
      %mul3A_973 = arith.muli %add3A_971, %mul3A_972 : i32
      %dma_start3A_974 = arith.constant 4 : i32
      %dma_start3A_975 = arith.constant 4 : i32
      %dma_start3A_976 = arith.constant 0 : i32
      %dma_start3A_977 = arith.constant 0 : i32
      %dma_start3A_978 = tpu.memref_slice %arg7[%dma_start3A_974, %dma_start3A_976, %dma_start3A_977] : memref<5x64x192xf32, #tpu.memory_space<vmem>> -> memref<1x64x128xf32, #tpu.memory_space<vmem>>
      %dma_start3A_979 = tpu.memref_squeeze %dma_start3A_978 : memref<1x64x128xf32, #tpu.memory_space<vmem>> -> memref<64x128xf32, #tpu.memory_space<vmem>>
      %dma_start3A_980 = tpu.memref_slice %arg6[%mul3A_973] : memref<6400xi32, #tpu.memory_space<vmem>> -> memref<64xi32, #tpu.memory_space<vmem>>
      %dma_start3A_981 = arith.constant 0 : i32
      %dma_start3A_982 = arith.constant 0 : i32
      %dma_start3A_983 = tpu.memref_slice %arg4[%dma_start3A_981, %dma_start3A_982] : memref<100000x128xf32, #tpu.memory_space<hbm>> -> memref<100000x128xf32, #tpu.memory_space<hbm>>
      %dma_start3A_984 = tpu.memref_slice %arg8[%dma_start3A_975] : memref<5x!tpu.dma_semaphore, #tpu.memory_space<semaphore_mem>> -> memref<1x!tpu.dma_semaphore, #tpu.memory_space<semaphore_mem>>
      %dma_start3A_985 = tpu.memref_squeeze %dma_start3A_984 : memref<1x!tpu.dma_semaphore, #tpu.memory_space<semaphore_mem>> -> memref<!tpu.dma_semaphore, #tpu.memory_space<semaphore_mem>>
      tpu.enqueue_indirect_dma source(%dma_start3A_983 : memref<100000x128xf32, #tpu.memory_space<hbm>>) target(%dma_start3A_979 : memref<64x128xf32, #tpu.memory_space<vmem>>) offsets(%dma_start3A_980 : memref<64xi32, #tpu.memory_space<vmem>>) semaphore(%dma_start3A_985 : memref<!tpu.dma_semaphore, #tpu.memory_space<semaphore_mem>>)
      %mul3A_986 = arith.constant 64 : i32
      %mul3A_987 = arith.muli %add3A_971, %mul3A_986 : i32
      %add3A_988 = arith.addi %mul3A_2, %mul3A_987 : i32
      %dma_start3A_989 = arith.constant 4 : i32
      %dma_start3A_990 = arith.constant 4 : i32
      %dma_start3A_991 = arith.constant 0 : i32
      %dma_start3A_992 = arith.constant 128 : i32
      %dma_start3A_993 = tpu.memref_slice %arg7[%dma_start3A_989, %dma_start3A_991, %dma_start3A_992] : memref<5x64x192xf32, #tpu.memory_space<vmem>> -> memref<1x64x64xf32, #tpu.memory_space<vmem>>
      %dma_start3A_994 = tpu.memref_squeeze %dma_start3A_993 : memref<1x64x64xf32, #tpu.memory_space<vmem>> -> memref<64x64xf32, #tpu.memory_space<vmem>>
      %dma_start3A_995 = arith.constant 0 : i32
      %dma_start3A_996 = tpu.memref_slice %arg3[%add3A_988, %dma_start3A_995] : memref<204800x64xf32, #tpu.memory_space<hbm>> -> memref<64x64xf32, #tpu.memory_space<hbm>>
      %dma_start3A_997 = tpu.memref_slice %arg9[%dma_start3A_990] : memref<5x!tpu.dma_semaphore, #tpu.memory_space<semaphore_mem>> -> memref<1x!tpu.dma_semaphore, #tpu.memory_space<semaphore_mem>>
      %dma_start3A_998 = tpu.memref_squeeze %dma_start3A_997 : memref<1x!tpu.dma_semaphore, #tpu.memory_space<semaphore_mem>> -> memref<!tpu.dma_semaphore, #tpu.memory_space<semaphore_mem>>
      %dma_start3A_999 = arith.constant 0 : i32
      %dma_start3A_1000 = arith.constant 128 : i32
      %dma_start3A_1001 = tpu.memref_slice %arg7[%dma_start3A_989, %dma_start3A_999, %dma_start3A_1000] : memref<5x64x192xf32, #tpu.memory_space<vmem>> -> memref<1x64x64xf32, #tpu.memory_space<vmem>>
      %dma_start3A_1002 = tpu.memref_squeeze %dma_start3A_1001 : memref<1x64x64xf32, #tpu.memory_space<vmem>> -> memref<64x64xf32, #tpu.memory_space<vmem>>
      %dma_start3A_1003 = arith.constant 0 : i32
      %dma_start3A_1004 = tpu.memref_slice %arg3[%add3A_988, %dma_start3A_1003] : memref<204800x64xf32, #tpu.memory_space<hbm>> -> memref<64x64xf32, #tpu.memory_space<hbm>>
      tpu.enqueue_dma source(%dma_start3A_1004 : memref<64x64xf32, #tpu.memory_space<hbm>>) target(%dma_start3A_1002 : memref<64x64xf32, #tpu.memory_space<vmem>>) target_semaphore(%dma_start3A_998 : memref<!tpu.dma_semaphore, #tpu.memory_space<semaphore_mem>>)
    }
    %scan3A_253 = arith.constant 19 : i32
    %dma_wait3A_254 = arith.constant 2 : i32
    %dma_wait3A_255 = arith.constant 2 : i32
    %dma_wait3A_256 = arith.constant 0 : i32
    %dma_wait3A_257 = arith.constant 0 : i32
    %dma_wait3A_258 = tpu.memref_slice %arg7[%dma_wait3A_254, %dma_wait3A_256, %dma_wait3A_257] : memref<5x64x192xf32, #tpu.memory_space<vmem>> -> memref<1x64x128xf32, #tpu.memory_space<vmem>>
    %dma_wait3A_259 = tpu.memref_squeeze %dma_wait3A_258 : memref<1x64x128xf32, #tpu.memory_space<vmem>> -> memref<64x128xf32, #tpu.memory_space<vmem>>
    %dma_wait3A_260 = arith.constant 0 : i32
    %dma_wait3A_261 = tpu.memref_slice %arg6[%dma_wait3A_260] : memref<6400xi32, #tpu.memory_space<vmem>> -> memref<64xi32, #tpu.memory_space<vmem>>
    %dma_wait3A_262 = arith.constant 0 : i32
    %dma_wait3A_263 = arith.constant 0 : i32
    %dma_wait3A_264 = tpu.memref_slice %arg4[%dma_wait3A_262, %dma_wait3A_263] : memref<100000x128xf32, #tpu.memory_space<hbm>> -> memref<100000x128xf32, #tpu.memory_space<hbm>>
    %dma_wait3A_265 = tpu.memref_slice %arg8[%dma_wait3A_255] : memref<5x!tpu.dma_semaphore, #tpu.memory_space<semaphore_mem>> -> memref<1x!tpu.dma_semaphore, #tpu.memory_space<semaphore_mem>>
    %dma_wait3A_266 = tpu.memref_squeeze %dma_wait3A_265 : memref<1x!tpu.dma_semaphore, #tpu.memory_space<semaphore_mem>> -> memref<!tpu.dma_semaphore, #tpu.memory_space<semaphore_mem>>
    tpu.wait_indirect_dma semaphore(%dma_wait3A_266 : memref<!tpu.dma_semaphore, #tpu.memory_space<semaphore_mem>>) src(%dma_wait3A_264 : memref<100000x128xf32, #tpu.memory_space<hbm>>) dst(%dma_wait3A_259 : memref<64x128xf32, #tpu.memory_space<vmem>>)
    %dma_wait3A_267 = arith.constant 2 : i32
    %dma_wait3A_268 = arith.constant 2 : i32
    %dma_wait3A_269 = arith.constant 0 : i32
    %dma_wait3A_270 = arith.constant 128 : i32
    %dma_wait3A_271 = tpu.memref_slice %arg7[%dma_wait3A_267, %dma_wait3A_269, %dma_wait3A_270] : memref<5x64x192xf32, #tpu.memory_space<vmem>> -> memref<1x64x64xf32, #tpu.memory_space<vmem>>
    %dma_wait3A_272 = tpu.memref_squeeze %dma_wait3A_271 : memref<1x64x64xf32, #tpu.memory_space<vmem>> -> memref<64x64xf32, #tpu.memory_space<vmem>>
    %dma_wait3A_273 = arith.constant 0 : i32
    %dma_wait3A_274 = tpu.memref_slice %arg3[%mul3A_2, %dma_wait3A_273] : memref<204800x64xf32, #tpu.memory_space<hbm>> -> memref<64x64xf32, #tpu.memory_space<hbm>>
    %dma_wait3A_275 = tpu.memref_slice %arg9[%dma_wait3A_268] : memref<5x!tpu.dma_semaphore, #tpu.memory_space<semaphore_mem>> -> memref<1x!tpu.dma_semaphore, #tpu.memory_space<semaphore_mem>>
    %dma_wait3A_276 = tpu.memref_squeeze %dma_wait3A_275 : memref<1x!tpu.dma_semaphore, #tpu.memory_space<semaphore_mem>> -> memref<!tpu.dma_semaphore, #tpu.memory_space<semaphore_mem>>
    %dma_wait3A_277 = arith.constant 0 : i32
    %dma_wait3A_278 = arith.constant 128 : i32
    %dma_wait3A_279 = tpu.memref_slice %arg7[%dma_wait3A_267, %dma_wait3A_277, %dma_wait3A_278] : memref<5x64x192xf32, #tpu.memory_space<vmem>> -> memref<1x64x64xf32, #tpu.memory_space<vmem>>
    %dma_wait3A_280 = tpu.memref_squeeze %dma_wait3A_279 : memref<1x64x64xf32, #tpu.memory_space<vmem>> -> memref<64x64xf32, #tpu.memory_space<vmem>>
    %dma_wait3A_281 = arith.constant 0 : i32
    %dma_wait3A_282 = tpu.memref_slice %arg3[%mul3A_2, %dma_wait3A_281] : memref<204800x64xf32, #tpu.memory_space<hbm>> -> memref<64x64xf32, #tpu.memory_space<hbm>>
    tpu.wait_dma2 semaphore(%dma_wait3A_276 : memref<!tpu.dma_semaphore, #tpu.memory_space<semaphore_mem>>) src(%dma_wait3A_282 : memref<64x64xf32, #tpu.memory_space<hbm>>) dst(%dma_wait3A_280 : memref<64x64xf32, #tpu.memory_space<vmem>>)
    %add3A_283 = arith.constant 6208 : i32
    %add3A_284 = arith.addi %mul3A_2, %add3A_283 : i32
    %dma_start3A_285 = arith.constant 2 : i32
    %dma_start3A_286 = arith.constant 2 : i32
    %dma_start3A_287 = arith.constant 0 : i32
    %dma_start3A_288 = arith.constant 0 : i32
    %dma_start3A_289 = tpu.memref_slice %arg7[%dma_start3A_285, %dma_start3A_287, %dma_start3A_288] : memref<5x64x192xf32, #tpu.memory_space<vmem>> -> memref<1x64x192xf32, #tpu.memory_space<vmem>>
    %dma_start3A_290 = tpu.memref_squeeze %dma_start3A_289 : memref<1x64x192xf32, #tpu.memory_space<vmem>> -> memref<64x192xf32, #tpu.memory_space<vmem>>
    %dma_start3A_291 = arith.constant 0 : i32
    %dma_start3A_292 = tpu.memref_slice %arg5[%add3A_284, %dma_start3A_291] : memref<204800x192xf32, #tpu.memory_space<hbm>> -> memref<64x192xf32, #tpu.memory_space<hbm>>
    %dma_start3A_293 = tpu.memref_slice %arg10[%dma_start3A_286] : memref<5x!tpu.dma_semaphore, #tpu.memory_space<semaphore_mem>> -> memref<1x!tpu.dma_semaphore, #tpu.memory_space<semaphore_mem>>
    %dma_start3A_294 = tpu.memref_squeeze %dma_start3A_293 : memref<1x!tpu.dma_semaphore, #tpu.memory_space<semaphore_mem>> -> memref<!tpu.dma_semaphore, #tpu.memory_space<semaphore_mem>>
    %dma_start3A_295 = arith.constant 0 : i32
    %dma_start3A_296 = tpu.memref_slice %arg5[%add3A_284, %dma_start3A_295] : memref<204800x192xf32, #tpu.memory_space<hbm>> -> memref<64x192xf32, #tpu.memory_space<hbm>>
    %dma_start3A_297 = arith.constant 0 : i32
    %dma_start3A_298 = arith.constant 0 : i32
    %dma_start3A_299 = tpu.memref_slice %arg7[%dma_start3A_285, %dma_start3A_297, %dma_start3A_298] : memref<5x64x192xf32, #tpu.memory_space<vmem>> -> memref<1x64x192xf32, #tpu.memory_space<vmem>>
    %dma_start3A_300 = tpu.memref_squeeze %dma_start3A_299 : memref<1x64x192xf32, #tpu.memory_space<vmem>> -> memref<64x192xf32, #tpu.memory_space<vmem>>
    tpu.enqueue_dma source(%dma_start3A_300 : memref<64x192xf32, #tpu.memory_space<vmem>>) target(%dma_start3A_296 : memref<64x192xf32, #tpu.memory_space<hbm>>) target_semaphore(%dma_start3A_294 : memref<!tpu.dma_semaphore, #tpu.memory_space<semaphore_mem>>)
    %add3A_301 = arith.constant 0 : i32
    %add3A_302 = arith.addi %mul3A_2, %add3A_301 : i32
    %dma_wait3A_303 = arith.constant 0 : i32
    %dma_wait3A_304 = arith.constant 0 : i32
    %dma_wait3A_305 = arith.constant 0 : i32
    %dma_wait3A_306 = arith.constant 0 : i32
    %dma_wait3A_307 = tpu.memref_slice %arg7[%dma_wait3A_303, %dma_wait3A_305, %dma_wait3A_306] : memref<5x64x192xf32, #tpu.memory_space<vmem>> -> memref<1x64x192xf32, #tpu.memory_space<vmem>>
    %dma_wait3A_308 = tpu.memref_squeeze %dma_wait3A_307 : memref<1x64x192xf32, #tpu.memory_space<vmem>> -> memref<64x192xf32, #tpu.memory_space<vmem>>
    %dma_wait3A_309 = arith.constant 0 : i32
    %dma_wait3A_310 = tpu.memref_slice %arg5[%add3A_302, %dma_wait3A_309] : memref<204800x192xf32, #tpu.memory_space<hbm>> -> memref<64x192xf32, #tpu.memory_space<hbm>>
    %dma_wait3A_311 = tpu.memref_slice %arg10[%dma_wait3A_304] : memref<5x!tpu.dma_semaphore, #tpu.memory_space<semaphore_mem>> -> memref<1x!tpu.dma_semaphore, #tpu.memory_space<semaphore_mem>>
    %dma_wait3A_312 = tpu.memref_squeeze %dma_wait3A_311 : memref<1x!tpu.dma_semaphore, #tpu.memory_space<semaphore_mem>> -> memref<!tpu.dma_semaphore, #tpu.memory_space<semaphore_mem>>
    %dma_wait3A_313 = arith.constant 0 : i32
    %dma_wait3A_314 = tpu.memref_slice %arg5[%add3A_302, %dma_wait3A_313] : memref<204800x192xf32, #tpu.memory_space<hbm>> -> memref<64x192xf32, #tpu.memory_space<hbm>>
    %dma_wait3A_315 = arith.constant 0 : i32
    %dma_wait3A_316 = arith.constant 0 : i32
    %dma_wait3A_317 = tpu.memref_slice %arg7[%dma_wait3A_303, %dma_wait3A_315, %dma_wait3A_316] : memref<5x64x192xf32, #tpu.memory_space<vmem>> -> memref<1x64x192xf32, #tpu.memory_space<vmem>>
    %dma_wait3A_318 = tpu.memref_squeeze %dma_wait3A_317 : memref<1x64x192xf32, #tpu.memory_space<vmem>> -> memref<64x192xf32, #tpu.memory_space<vmem>>
    tpu.wait_dma2 semaphore(%dma_wait3A_312 : memref<!tpu.dma_semaphore, #tpu.memory_space<semaphore_mem>>) src(%dma_wait3A_318 : memref<64x192xf32, #tpu.memory_space<vmem>>) dst(%dma_wait3A_314 : memref<64x192xf32, #tpu.memory_space<hbm>>)
    %dma_wait3A_319 = arith.constant 3 : i32
    %dma_wait3A_320 = arith.constant 3 : i32
    %dma_wait3A_321 = arith.constant 0 : i32
    %dma_wait3A_322 = arith.constant 0 : i32
    %dma_wait3A_323 = tpu.memref_slice %arg7[%dma_wait3A_319, %dma_wait3A_321, %dma_wait3A_322] : memref<5x64x192xf32, #tpu.memory_space<vmem>> -> memref<1x64x128xf32, #tpu.memory_space<vmem>>
    %dma_wait3A_324 = tpu.memref_squeeze %dma_wait3A_323 : memref<1x64x128xf32, #tpu.memory_space<vmem>> -> memref<64x128xf32, #tpu.memory_space<vmem>>
    %dma_wait3A_325 = arith.constant 0 : i32
    %dma_wait3A_326 = tpu.memref_slice %arg6[%dma_wait3A_325] : memref<6400xi32, #tpu.memory_space<vmem>> -> memref<64xi32, #tpu.memory_space<vmem>>
    %dma_wait3A_327 = arith.constant 0 : i32
    %dma_wait3A_328 = arith.constant 0 : i32
    %dma_wait3A_329 = tpu.memref_slice %arg4[%dma_wait3A_327, %dma_wait3A_328] : memref<100000x128xf32, #tpu.memory_space<hbm>> -> memref<100000x128xf32, #tpu.memory_space<hbm>>
    %dma_wait3A_330 = tpu.memref_slice %arg8[%dma_wait3A_320] : memref<5x!tpu.dma_semaphore, #tpu.memory_space<semaphore_mem>> -> memref<1x!tpu.dma_semaphore, #tpu.memory_space<semaphore_mem>>
    %dma_wait3A_331 = tpu.memref_squeeze %dma_wait3A_330 : memref<1x!tpu.dma_semaphore, #tpu.memory_space<semaphore_mem>> -> memref<!tpu.dma_semaphore, #tpu.memory_space<semaphore_mem>>
    tpu.wait_indirect_dma semaphore(%dma_wait3A_331 : memref<!tpu.dma_semaphore, #tpu.memory_space<semaphore_mem>>) src(%dma_wait3A_329 : memref<100000x128xf32, #tpu.memory_space<hbm>>) dst(%dma_wait3A_324 : memref<64x128xf32, #tpu.memory_space<vmem>>)
    %dma_wait3A_332 = arith.constant 3 : i32
    %dma_wait3A_333 = arith.constant 3 : i32
    %dma_wait3A_334 = arith.constant 0 : i32
    %dma_wait3A_335 = arith.constant 128 : i32
    %dma_wait3A_336 = tpu.memref_slice %arg7[%dma_wait3A_332, %dma_wait3A_334, %dma_wait3A_335] : memref<5x64x192xf32, #tpu.memory_space<vmem>> -> memref<1x64x64xf32, #tpu.memory_space<vmem>>
    %dma_wait3A_337 = tpu.memref_squeeze %dma_wait3A_336 : memref<1x64x64xf32, #tpu.memory_space<vmem>> -> memref<64x64xf32, #tpu.memory_space<vmem>>
    %dma_wait3A_338 = arith.constant 0 : i32
    %dma_wait3A_339 = tpu.memref_slice %arg3[%mul3A_2, %dma_wait3A_338] : memref<204800x64xf32, #tpu.memory_space<hbm>> -> memref<64x64xf32, #tpu.memory_space<hbm>>
    %dma_wait3A_340 = tpu.memref_slice %arg9[%dma_wait3A_333] : memref<5x!tpu.dma_semaphore, #tpu.memory_space<semaphore_mem>> -> memref<1x!tpu.dma_semaphore, #tpu.memory_space<semaphore_mem>>
    %dma_wait3A_341 = tpu.memref_squeeze %dma_wait3A_340 : memref<1x!tpu.dma_semaphore, #tpu.memory_space<semaphore_mem>> -> memref<!tpu.dma_semaphore, #tpu.memory_space<semaphore_mem>>
    %dma_wait3A_342 = arith.constant 0 : i32
    %dma_wait3A_343 = arith.constant 128 : i32
    %dma_wait3A_344 = tpu.memref_slice %arg7[%dma_wait3A_332, %dma_wait3A_342, %dma_wait3A_343] : memref<5x64x192xf32, #tpu.memory_space<vmem>> -> memref<1x64x64xf32, #tpu.memory_space<vmem>>
    %dma_wait3A_345 = tpu.memref_squeeze %dma_wait3A_344 : memref<1x64x64xf32, #tpu.memory_space<vmem>> -> memref<64x64xf32, #tpu.memory_space<vmem>>
    %dma_wait3A_346 = arith.constant 0 : i32
    %dma_wait3A_347 = tpu.memref_slice %arg3[%mul3A_2, %dma_wait3A_346] : memref<204800x64xf32, #tpu.memory_space<hbm>> -> memref<64x64xf32, #tpu.memory_space<hbm>>
    tpu.wait_dma2 semaphore(%dma_wait3A_341 : memref<!tpu.dma_semaphore, #tpu.memory_space<semaphore_mem>>) src(%dma_wait3A_347 : memref<64x64xf32, #tpu.memory_space<hbm>>) dst(%dma_wait3A_345 : memref<64x64xf32, #tpu.memory_space<vmem>>)
    %add3A_348 = arith.constant 6272 : i32
    %add3A_349 = arith.addi %mul3A_2, %add3A_348 : i32
    %dma_start3A_350 = arith.constant 3 : i32
    %dma_start3A_351 = arith.constant 3 : i32
    %dma_start3A_352 = arith.constant 0 : i32
    %dma_start3A_353 = arith.constant 0 : i32
    %dma_start3A_354 = tpu.memref_slice %arg7[%dma_start3A_350, %dma_start3A_352, %dma_start3A_353] : memref<5x64x192xf32, #tpu.memory_space<vmem>> -> memref<1x64x192xf32, #tpu.memory_space<vmem>>
    %dma_start3A_355 = tpu.memref_squeeze %dma_start3A_354 : memref<1x64x192xf32, #tpu.memory_space<vmem>> -> memref<64x192xf32, #tpu.memory_space<vmem>>
    %dma_start3A_356 = arith.constant 0 : i32
    %dma_start3A_357 = tpu.memref_slice %arg5[%add3A_349, %dma_start3A_356] : memref<204800x192xf32, #tpu.memory_space<hbm>> -> memref<64x192xf32, #tpu.memory_space<hbm>>
    %dma_start3A_358 = tpu.memref_slice %arg10[%dma_start3A_351] : memref<5x!tpu.dma_semaphore, #tpu.memory_space<semaphore_mem>> -> memref<1x!tpu.dma_semaphore, #tpu.memory_space<semaphore_mem>>
    %dma_start3A_359 = tpu.memref_squeeze %dma_start3A_358 : memref<1x!tpu.dma_semaphore, #tpu.memory_space<semaphore_mem>> -> memref<!tpu.dma_semaphore, #tpu.memory_space<semaphore_mem>>
    %dma_start3A_360 = arith.constant 0 : i32
    %dma_start3A_361 = tpu.memref_slice %arg5[%add3A_349, %dma_start3A_360] : memref<204800x192xf32, #tpu.memory_space<hbm>> -> memref<64x192xf32, #tpu.memory_space<hbm>>
    %dma_start3A_362 = arith.constant 0 : i32
    %dma_start3A_363 = arith.constant 0 : i32
    %dma_start3A_364 = tpu.memref_slice %arg7[%dma_start3A_350, %dma_start3A_362, %dma_start3A_363] : memref<5x64x192xf32, #tpu.memory_space<vmem>> -> memref<1x64x192xf32, #tpu.memory_space<vmem>>
    %dma_start3A_365 = tpu.memref_squeeze %dma_start3A_364 : memref<1x64x192xf32, #tpu.memory_space<vmem>> -> memref<64x192xf32, #tpu.memory_space<vmem>>
    tpu.enqueue_dma source(%dma_start3A_365 : memref<64x192xf32, #tpu.memory_space<vmem>>) target(%dma_start3A_361 : memref<64x192xf32, #tpu.memory_space<hbm>>) target_semaphore(%dma_start3A_359 : memref<!tpu.dma_semaphore, #tpu.memory_space<semaphore_mem>>)
    %add3A_366 = arith.constant 0 : i32
    %add3A_367 = arith.addi %mul3A_2, %add3A_366 : i32
    %dma_wait3A_368 = arith.constant 1 : i32
    %dma_wait3A_369 = arith.constant 1 : i32
    %dma_wait3A_370 = arith.constant 0 : i32
    %dma_wait3A_371 = arith.constant 0 : i32
    %dma_wait3A_372 = tpu.memref_slice %arg7[%dma_wait3A_368, %dma_wait3A_370, %dma_wait3A_371] : memref<5x64x192xf32, #tpu.memory_space<vmem>> -> memref<1x64x192xf32, #tpu.memory_space<vmem>>
    %dma_wait3A_373 = tpu.memref_squeeze %dma_wait3A_372 : memref<1x64x192xf32, #tpu.memory_space<vmem>> -> memref<64x192xf32, #tpu.memory_space<vmem>>
    %dma_wait3A_374 = arith.constant 0 : i32
    %dma_wait3A_375 = tpu.memref_slice %arg5[%add3A_367, %dma_wait3A_374] : memref<204800x192xf32, #tpu.memory_space<hbm>> -> memref<64x192xf32, #tpu.memory_space<hbm>>
    %dma_wait3A_376 = tpu.memref_slice %arg10[%dma_wait3A_369] : memref<5x!tpu.dma_semaphore, #tpu.memory_space<semaphore_mem>> -> memref<1x!tpu.dma_semaphore, #tpu.memory_space<semaphore_mem>>
    %dma_wait3A_377 = tpu.memref_squeeze %dma_wait3A_376 : memref<1x!tpu.dma_semaphore, #tpu.memory_space<semaphore_mem>> -> memref<!tpu.dma_semaphore, #tpu.memory_space<semaphore_mem>>
    %dma_wait3A_378 = arith.constant 0 : i32
    %dma_wait3A_379 = tpu.memref_slice %arg5[%add3A_367, %dma_wait3A_378] : memref<204800x192xf32, #tpu.memory_space<hbm>> -> memref<64x192xf32, #tpu.memory_space<hbm>>
    %dma_wait3A_380 = arith.constant 0 : i32
    %dma_wait3A_381 = arith.constant 0 : i32
    %dma_wait3A_382 = tpu.memref_slice %arg7[%dma_wait3A_368, %dma_wait3A_380, %dma_wait3A_381] : memref<5x64x192xf32, #tpu.memory_space<vmem>> -> memref<1x64x192xf32, #tpu.memory_space<vmem>>
    %dma_wait3A_383 = tpu.memref_squeeze %dma_wait3A_382 : memref<1x64x192xf32, #tpu.memory_space<vmem>> -> memref<64x192xf32, #tpu.memory_space<vmem>>
    tpu.wait_dma2 semaphore(%dma_wait3A_377 : memref<!tpu.dma_semaphore, #tpu.memory_space<semaphore_mem>>) src(%dma_wait3A_383 : memref<64x192xf32, #tpu.memory_space<vmem>>) dst(%dma_wait3A_379 : memref<64x192xf32, #tpu.memory_space<hbm>>)
    %dma_wait3A_384 = arith.constant 4 : i32
    %dma_wait3A_385 = arith.constant 4 : i32
    %dma_wait3A_386 = arith.constant 0 : i32
    %dma_wait3A_387 = arith.constant 0 : i32
    %dma_wait3A_388 = tpu.memref_slice %arg7[%dma_wait3A_384, %dma_wait3A_386, %dma_wait3A_387] : memref<5x64x192xf32, #tpu.memory_space<vmem>> -> memref<1x64x128xf32, #tpu.memory_space<vmem>>
    %dma_wait3A_389 = tpu.memref_squeeze %dma_wait3A_388 : memref<1x64x128xf32, #tpu.memory_space<vmem>> -> memref<64x128xf32, #tpu.memory_space<vmem>>
    %dma_wait3A_390 = arith.constant 0 : i32
    %dma_wait3A_391 = tpu.memref_slice %arg6[%dma_wait3A_390] : memref<6400xi32, #tpu.memory_space<vmem>> -> memref<64xi32, #tpu.memory_space<vmem>>
    %dma_wait3A_392 = arith.constant 0 : i32
    %dma_wait3A_393 = arith.constant 0 : i32
    %dma_wait3A_394 = tpu.memref_slice %arg4[%dma_wait3A_392, %dma_wait3A_393] : memref<100000x128xf32, #tpu.memory_space<hbm>> -> memref<100000x128xf32, #tpu.memory_space<hbm>>
    %dma_wait3A_395 = tpu.memref_slice %arg8[%dma_wait3A_385] : memref<5x!tpu.dma_semaphore, #tpu.memory_space<semaphore_mem>> -> memref<1x!tpu.dma_semaphore, #tpu.memory_space<semaphore_mem>>
    %dma_wait3A_396 = tpu.memref_squeeze %dma_wait3A_395 : memref<1x!tpu.dma_semaphore, #tpu.memory_space<semaphore_mem>> -> memref<!tpu.dma_semaphore, #tpu.memory_space<semaphore_mem>>
    tpu.wait_indirect_dma semaphore(%dma_wait3A_396 : memref<!tpu.dma_semaphore, #tpu.memory_space<semaphore_mem>>) src(%dma_wait3A_394 : memref<100000x128xf32, #tpu.memory_space<hbm>>) dst(%dma_wait3A_389 : memref<64x128xf32, #tpu.memory_space<vmem>>)
    %dma_wait3A_397 = arith.constant 4 : i32
    %dma_wait3A_398 = arith.constant 4 : i32
    %dma_wait3A_399 = arith.constant 0 : i32
    %dma_wait3A_400 = arith.constant 128 : i32
    %dma_wait3A_401 = tpu.memref_slice %arg7[%dma_wait3A_397, %dma_wait3A_399, %dma_wait3A_400] : memref<5x64x192xf32, #tpu.memory_space<vmem>> -> memref<1x64x64xf32, #tpu.memory_space<vmem>>
    %dma_wait3A_402 = tpu.memref_squeeze %dma_wait3A_401 : memref<1x64x64xf32, #tpu.memory_space<vmem>> -> memref<64x64xf32, #tpu.memory_space<vmem>>
    %dma_wait3A_403 = arith.constant 0 : i32
    %dma_wait3A_404 = tpu.memref_slice %arg3[%mul3A_2, %dma_wait3A_403] : memref<204800x64xf32, #tpu.memory_space<hbm>> -> memref<64x64xf32, #tpu.memory_space<hbm>>
    %dma_wait3A_405 = tpu.memref_slice %arg9[%dma_wait3A_398] : memref<5x!tpu.dma_semaphore, #tpu.memory_space<semaphore_mem>> -> memref<1x!tpu.dma_semaphore, #tpu.memory_space<semaphore_mem>>
    %dma_wait3A_406 = tpu.memref_squeeze %dma_wait3A_405 : memref<1x!tpu.dma_semaphore, #tpu.memory_space<semaphore_mem>> -> memref<!tpu.dma_semaphore, #tpu.memory_space<semaphore_mem>>
    %dma_wait3A_407 = arith.constant 0 : i32
    %dma_wait3A_408 = arith.constant 128 : i32
    %dma_wait3A_409 = tpu.memref_slice %arg7[%dma_wait3A_397, %dma_wait3A_407, %dma_wait3A_408] : memref<5x64x192xf32, #tpu.memory_space<vmem>> -> memref<1x64x64xf32, #tpu.memory_space<vmem>>
    %dma_wait3A_410 = tpu.memref_squeeze %dma_wait3A_409 : memref<1x64x64xf32, #tpu.memory_space<vmem>> -> memref<64x64xf32, #tpu.memory_space<vmem>>
    %dma_wait3A_411 = arith.constant 0 : i32
    %dma_wait3A_412 = tpu.memref_slice %arg3[%mul3A_2, %dma_wait3A_411] : memref<204800x64xf32, #tpu.memory_space<hbm>> -> memref<64x64xf32, #tpu.memory_space<hbm>>
    tpu.wait_dma2 semaphore(%dma_wait3A_406 : memref<!tpu.dma_semaphore, #tpu.memory_space<semaphore_mem>>) src(%dma_wait3A_412 : memref<64x64xf32, #tpu.memory_space<hbm>>) dst(%dma_wait3A_410 : memref<64x64xf32, #tpu.memory_space<vmem>>)
    %add3A_413 = arith.constant 6336 : i32
    %add3A_414 = arith.addi %mul3A_2, %add3A_413 : i32
    %dma_start3A_415 = arith.constant 4 : i32
    %dma_start3A_416 = arith.constant 4 : i32
    %dma_start3A_417 = arith.constant 0 : i32
    %dma_start3A_418 = arith.constant 0 : i32
    %dma_start3A_419 = tpu.memref_slice %arg7[%dma_start3A_415, %dma_start3A_417, %dma_start3A_418] : memref<5x64x192xf32, #tpu.memory_space<vmem>> -> memref<1x64x192xf32, #tpu.memory_space<vmem>>
    %dma_start3A_420 = tpu.memref_squeeze %dma_start3A_419 : memref<1x64x192xf32, #tpu.memory_space<vmem>> -> memref<64x192xf32, #tpu.memory_space<vmem>>
    %dma_start3A_421 = arith.constant 0 : i32
    %dma_start3A_422 = tpu.memref_slice %arg5[%add3A_414, %dma_start3A_421] : memref<204800x192xf32, #tpu.memory_space<hbm>> -> memref<64x192xf32, #tpu.memory_space<hbm>>
    %dma_start3A_423 = tpu.memref_slice %arg10[%dma_start3A_416] : memref<5x!tpu.dma_semaphore, #tpu.memory_space<semaphore_mem>> -> memref<1x!tpu.dma_semaphore, #tpu.memory_space<semaphore_mem>>
    %dma_start3A_424 = tpu.memref_squeeze %dma_start3A_423 : memref<1x!tpu.dma_semaphore, #tpu.memory_space<semaphore_mem>> -> memref<!tpu.dma_semaphore, #tpu.memory_space<semaphore_mem>>
    %dma_start3A_425 = arith.constant 0 : i32
    %dma_start3A_426 = tpu.memref_slice %arg5[%add3A_414, %dma_start3A_425] : memref<204800x192xf32, #tpu.memory_space<hbm>> -> memref<64x192xf32, #tpu.memory_space<hbm>>
    %dma_start3A_427 = arith.constant 0 : i32
    %dma_start3A_428 = arith.constant 0 : i32
    %dma_start3A_429 = tpu.memref_slice %arg7[%dma_start3A_415, %dma_start3A_427, %dma_start3A_428] : memref<5x64x192xf32, #tpu.memory_space<vmem>> -> memref<1x64x192xf32, #tpu.memory_space<vmem>>
    %dma_start3A_430 = tpu.memref_squeeze %dma_start3A_429 : memref<1x64x192xf32, #tpu.memory_space<vmem>> -> memref<64x192xf32, #tpu.memory_space<vmem>>
    tpu.enqueue_dma source(%dma_start3A_430 : memref<64x192xf32, #tpu.memory_space<vmem>>) target(%dma_start3A_426 : memref<64x192xf32, #tpu.memory_space<hbm>>) target_semaphore(%dma_start3A_424 : memref<!tpu.dma_semaphore, #tpu.memory_space<semaphore_mem>>)
    %add3A_431 = arith.constant 0 : i32
    %add3A_432 = arith.addi %mul3A_2, %add3A_431 : i32
    %dma_wait3A_433 = arith.constant 2 : i32
    %dma_wait3A_434 = arith.constant 2 : i32
    %dma_wait3A_435 = arith.constant 0 : i32
    %dma_wait3A_436 = arith.constant 0 : i32
    %dma_wait3A_437 = tpu.memref_slice %arg7[%dma_wait3A_433, %dma_wait3A_435, %dma_wait3A_436] : memref<5x64x192xf32, #tpu.memory_space<vmem>> -> memref<1x64x192xf32, #tpu.memory_space<vmem>>
    %dma_wait3A_438 = tpu.memref_squeeze %dma_wait3A_437 : memref<1x64x192xf32, #tpu.memory_space<vmem>> -> memref<64x192xf32, #tpu.memory_space<vmem>>
    %dma_wait3A_439 = arith.constant 0 : i32
    %dma_wait3A_440 = tpu.memref_slice %arg5[%add3A_432, %dma_wait3A_439] : memref<204800x192xf32, #tpu.memory_space<hbm>> -> memref<64x192xf32, #tpu.memory_space<hbm>>
    %dma_wait3A_441 = tpu.memref_slice %arg10[%dma_wait3A_434] : memref<5x!tpu.dma_semaphore, #tpu.memory_space<semaphore_mem>> -> memref<1x!tpu.dma_semaphore, #tpu.memory_space<semaphore_mem>>
    %dma_wait3A_442 = tpu.memref_squeeze %dma_wait3A_441 : memref<1x!tpu.dma_semaphore, #tpu.memory_space<semaphore_mem>> -> memref<!tpu.dma_semaphore, #tpu.memory_space<semaphore_mem>>
    %dma_wait3A_443 = arith.constant 0 : i32
    %dma_wait3A_444 = tpu.memref_slice %arg5[%add3A_432, %dma_wait3A_443] : memref<204800x192xf32, #tpu.memory_space<hbm>> -> memref<64x192xf32, #tpu.memory_space<hbm>>
    %dma_wait3A_445 = arith.constant 0 : i32
    %dma_wait3A_446 = arith.constant 0 : i32
    %dma_wait3A_447 = tpu.memref_slice %arg7[%dma_wait3A_433, %dma_wait3A_445, %dma_wait3A_446] : memref<5x64x192xf32, #tpu.memory_space<vmem>> -> memref<1x64x192xf32, #tpu.memory_space<vmem>>
    %dma_wait3A_448 = tpu.memref_squeeze %dma_wait3A_447 : memref<1x64x192xf32, #tpu.memory_space<vmem>> -> memref<64x192xf32, #tpu.memory_space<vmem>>
    tpu.wait_dma2 semaphore(%dma_wait3A_442 : memref<!tpu.dma_semaphore, #tpu.memory_space<semaphore_mem>>) src(%dma_wait3A_448 : memref<64x192xf32, #tpu.memory_space<vmem>>) dst(%dma_wait3A_444 : memref<64x192xf32, #tpu.memory_space<hbm>>)
    %add3A_449 = arith.constant 0 : i32
    %add3A_450 = arith.addi %mul3A_2, %add3A_449 : i32
    %dma_wait3A_451 = arith.constant 3 : i32
    %dma_wait3A_452 = arith.constant 3 : i32
    %dma_wait3A_453 = arith.constant 0 : i32
    %dma_wait3A_454 = arith.constant 0 : i32
    %dma_wait3A_455 = tpu.memref_slice %arg7[%dma_wait3A_451, %dma_wait3A_453, %dma_wait3A_454] : memref<5x64x192xf32, #tpu.memory_space<vmem>> -> memref<1x64x192xf32, #tpu.memory_space<vmem>>
    %dma_wait3A_456 = tpu.memref_squeeze %dma_wait3A_455 : memref<1x64x192xf32, #tpu.memory_space<vmem>> -> memref<64x192xf32, #tpu.memory_space<vmem>>
    %dma_wait3A_457 = arith.constant 0 : i32
    %dma_wait3A_458 = tpu.memref_slice %arg5[%add3A_450, %dma_wait3A_457] : memref<204800x192xf32, #tpu.memory_space<hbm>> -> memref<64x192xf32, #tpu.memory_space<hbm>>
    %dma_wait3A_459 = tpu.memref_slice %arg10[%dma_wait3A_452] : memref<5x!tpu.dma_semaphore, #tpu.memory_space<semaphore_mem>> -> memref<1x!tpu.dma_semaphore, #tpu.memory_space<semaphore_mem>>
    %dma_wait3A_460 = tpu.memref_squeeze %dma_wait3A_459 : memref<1x!tpu.dma_semaphore, #tpu.memory_space<semaphore_mem>> -> memref<!tpu.dma_semaphore, #tpu.memory_space<semaphore_mem>>
    %dma_wait3A_461 = arith.constant 0 : i32
    %dma_wait3A_462 = tpu.memref_slice %arg5[%add3A_450, %dma_wait3A_461] : memref<204800x192xf32, #tpu.memory_space<hbm>> -> memref<64x192xf32, #tpu.memory_space<hbm>>
    %dma_wait3A_463 = arith.constant 0 : i32
    %dma_wait3A_464 = arith.constant 0 : i32
    %dma_wait3A_465 = tpu.memref_slice %arg7[%dma_wait3A_451, %dma_wait3A_463, %dma_wait3A_464] : memref<5x64x192xf32, #tpu.memory_space<vmem>> -> memref<1x64x192xf32, #tpu.memory_space<vmem>>
    %dma_wait3A_466 = tpu.memref_squeeze %dma_wait3A_465 : memref<1x64x192xf32, #tpu.memory_space<vmem>> -> memref<64x192xf32, #tpu.memory_space<vmem>>
    tpu.wait_dma2 semaphore(%dma_wait3A_460 : memref<!tpu.dma_semaphore, #tpu.memory_space<semaphore_mem>>) src(%dma_wait3A_466 : memref<64x192xf32, #tpu.memory_space<vmem>>) dst(%dma_wait3A_462 : memref<64x192xf32, #tpu.memory_space<hbm>>)
    %add3A_467 = arith.constant 0 : i32
    %add3A_468 = arith.addi %mul3A_2, %add3A_467 : i32
    %dma_wait3A_469 = arith.constant 4 : i32
    %dma_wait3A_470 = arith.constant 4 : i32
    %dma_wait3A_471 = arith.constant 0 : i32
    %dma_wait3A_472 = arith.constant 0 : i32
    %dma_wait3A_473 = tpu.memref_slice %arg7[%dma_wait3A_469, %dma_wait3A_471, %dma_wait3A_472] : memref<5x64x192xf32, #tpu.memory_space<vmem>> -> memref<1x64x192xf32, #tpu.memory_space<vmem>>
    %dma_wait3A_474 = tpu.memref_squeeze %dma_wait3A_473 : memref<1x64x192xf32, #tpu.memory_space<vmem>> -> memref<64x192xf32, #tpu.memory_space<vmem>>
    %dma_wait3A_475 = arith.constant 0 : i32
    %dma_wait3A_476 = tpu.memref_slice %arg5[%add3A_468, %dma_wait3A_475] : memref<204800x192xf32, #tpu.memory_space<hbm>> -> memref<64x192xf32, #tpu.memory_space<hbm>>
    %dma_wait3A_477 = tpu.memref_slice %arg10[%dma_wait3A_470] : memref<5x!tpu.dma_semaphore, #tpu.memory_space<semaphore_mem>> -> memref<1x!tpu.dma_semaphore, #tpu.memory_space<semaphore_mem>>
    %dma_wait3A_478 = tpu.memref_squeeze %dma_wait3A_477 : memref<1x!tpu.dma_semaphore, #tpu.memory_space<semaphore_mem>> -> memref<!tpu.dma_semaphore, #tpu.memory_space<semaphore_mem>>
    %dma_wait3A_479 = arith.constant 0 : i32
    %dma_wait3A_480 = tpu.memref_slice %arg5[%add3A_468, %dma_wait3A_479] : memref<204800x192xf32, #tpu.memory_space<hbm>> -> memref<64x192xf32, #tpu.memory_space<hbm>>
    %dma_wait3A_481 = arith.constant 0 : i32
    %dma_wait3A_482 = arith.constant 0 : i32
    %dma_wait3A_483 = tpu.memref_slice %arg7[%dma_wait3A_469, %dma_wait3A_481, %dma_wait3A_482] : memref<5x64x192xf32, #tpu.memory_space<vmem>> -> memref<1x64x192xf32, #tpu.memory_space<vmem>>
    %dma_wait3A_484 = tpu.memref_squeeze %dma_wait3A_483 : memref<1x64x192xf32, #tpu.memory_space<vmem>> -> memref<64x192xf32, #tpu.memory_space<vmem>>
    tpu.wait_dma2 semaphore(%dma_wait3A_478 : memref<!tpu.dma_semaphore, #tpu.memory_space<semaphore_mem>>) src(%dma_wait3A_484 : memref<64x192xf32, #tpu.memory_space<vmem>>) dst(%dma_wait3A_480 : memref<64x192xf32, #tpu.memory_space<hbm>>)
    return
  }
}

</mosaic_0001>

<sc_bundles>
// kernel: kernel.3.cloned.1.call-start
scs
__scs_entry_jumppad:
0x0: {  	(pc) =	sbr.rel $0x88, $3  }
0x1: {  	(tag) =	ssettag $0x0;
	lr =	simm.s32 $0x1  }
0x2: {  	[smem:$0x3F9E] =	sst lr;
	_ =	strace $0xD0000000  }
0x3: {  	_ = 	snop  }
0x4: {  	_ = 	snop  }
0x5: {  	_ = 	snop  }
0x6: {  	_ = 	snop  }
0x7: {  	_ = 	snop  }
__scs_overlays_trampoline_lowered:
0x8: {  	[smem:$0x3FAD] =	sst s0  }
0x9: {  	[smem:$0x3FAE] =	sst s1  }
0xa: {  	[smem:$0x3FAF] =	sst s2  }
0xb: {  	[smem:$0x3FB0] =	sst s3  }
0xc: {  	[smem:$0x3FB1] =	sst s4  }
0xd: {  	[smem:$0x3FB2] =	sst s5  }
0xe: {  	[smem:$0x3FB3] =	sst s6  }
0xf: {  	[smem:$0x3FB4] =	sst s7  }
0x10: {  	[smem:$0x3FB5] =	sst s8  }
0x11: {  	[smem:$0x3FB6] =	sst s9;
	s0 =	simm.s32 @!p0 $0x0  }
0x12: {  	s1 =	sld [smem:$0x3F9C];
	s0 =	simm.s32 @p0 $0x1  }
0x13: {  	[smem:$0x3FB7] =	sst s0;
	s0 =	simm.s32 @!p1 $0x0  }
0x14: {  	s2 =	sld [smem:$0x3F9B];
	s0 =	simm.s32 @p1 $0x1  }
0x15: {  	[smem:$0x3FB8] =	sst s0;
	s0 =	simm.s32 @!p2 $0x0  }
0x16: {  	s3 =	sld [smem:$0x3FDB];
	s0 =	simm.s32 @p2 $0x1  }
0x17: {  	s4 =	simm.s32 $0x1BF5;
	[smem:$0x3FBA] =	sst s0  }
0x18: {  	s0 =	sld [smem:$0x3F9D];
	_ =	swait.ge [sflag:s4], $0x0  }
0x19: {  	s7 =	sld [smem:$0x3F9E]  }
0x1a: {  	s8 =	sadd.s32 $0xFFFFE003, lr  }
0x1b: {  	s9 =	sadd.s32 $0xFFFFFEF7, lr;
	s5 =	simm.s32 $0xFFFFFFFF;
	p2 =	slt.u32 s8, $0xFFFFF086  }
0x1c: {  	p1 =	slt.u32 s9, $0xF7A;
	s5 =	simm.s32 @!p2 $0x0  }
0x1d: {  	s5 =	simm.s32 @p1 $0x1;
	p0 =	seq.s32 s7, s2  }
0x1e: {  	s7 =	smul.u32 @!p0 $0xF7A, s2;
	p2 =	seq.s32 @!p0 s5, $0x0  }
0x1f: {  	s9 =	smul.u32 $0xF7A, s1;
	s8 =	simm.s32 @!p0 $0x1BF5;
	p2 =	por !p2, p0  }
0x20: {  	[sflag:s8] =	ssyncset.s32 @!p0 $0xFFFFF086;
	s6 =	sadd.s32 @!p0 s3, s7;
	s7 =	simm.s32 @!p0 $0x108  }
0x21: {  	s3 =	sadd.s32 s3, s9;
	s6 =	sadd.s32 @!p0 $0x88, s6;
	s7 =	simm.s32 @p2 $0x1082  }
0x22: {  	[simem:s7], [sflag:s8] =	dma.local @!p0 [hbm:s6], $0xF7A  }
0x23: {  	s9 =	sor.u32 $0xD0000000, s2;
	s6 =	simm.s32 $0x108;
	_ =	swait.ge @!p0 [sflag:s8], $0x0  }
0x24: {  	s3 =	sadd.s32 $0x88, s3;
	s6 =	simm.s32 @!p1 $0x1082;
	[sflag:s4] =	ssyncset.s32 $0xFFFFF086  }
0x25: {  	[simem:s6], [sflag:s4] =	dma.local [hbm:s3], $0xF7A  }
0x26: {  	[smem:$0x3F9E] =	sst s1;
	(tag) =	ssettag s2;
	_ =	strace s9  }
0x27: {  	s1 =	sld [smem:$0x3FAE]  }
0x28: {  	s2 =	sld [smem:$0x3FAF]  }
0x29: {  	s4 =	sld [smem:$0x3FB1]  }
0x2a: {  	p0 =	seq.s32 s5, $0x0;
	s5 =	sld [smem:$0x3FB2]  }
0x2b: {  	s6 =	sld [smem:$0x3FB3]  }
0x2c: {  	s7 =	sld [smem:$0x3FB4]  }
0x2d: {  	s3 =	simm.s32 $0x108;
	s8 =	sld [smem:$0x3FB5]  }
0x2e: {  	s3 =	simm.s32 @!p0 $0x1082;
	s9 =	sld [smem:$0x3FB6]  }
0x2f: {  	lr =	sadd.s32 s0, s3;
	s0 =	sld [smem:$0x3FAD]  }
0x30: {  	s3 =	sld [smem:$0x3FB0]  }
0x31: {  	[smem:$0x3FB9] =	sst s10  }
0x32: {  	s10 =	sld [smem:$0x3FB7];
	_ =	sdelay $0x3  }
0x33: {  	p0 =	seq.s32 s10, $0x1;
	s10 =	sld [smem:$0x3FB9];
	_ =	sdelay $0x3  }
0x34: {  	[smem:$0x3FB9] =	sst s10  }
0x35: {  	s10 =	sld [smem:$0x3FB8];
	_ =	sdelay $0x3  }
0x36: {  	p1 =	seq.s32 s10, $0x1;
	s10 =	sld [smem:$0x3FB9];
	_ =	sdelay $0x3  }
0x37: {  	[smem:$0x3FB9] =	sst s10  }
0x38: {  	s10 =	sld [smem:$0x3FBA]  }
0x39: {  	_ = 	snop;
	(pc) =	sbr.ind lr, $3  }
0x3a: {  	_ = 	snop  }
0x3b: {  	_ = 	snop  }
0x3c: {  	p2 =	seq.s32 s10, $0x1;
	s10 =	sld [smem:$0x3FB9]  }
0x3d: {  	_ =	shalt  }
0x3e: {  	_ =	shalt  }
0x3f: {  	_ =	shalt  }
0x40: {  	_ =	shalt  }
0x41: {  	_ =	shalt  }
0x42: {  	_ =	shalt  }
0x43: {  	_ =	shalt  }
0x44: {  	_ =	shalt  }
0x45: {  	_ =	shalt  }
0x46: {  	_ =	shalt  }
0x47: {  	_ =	shalt  }
0x48: {  	_ =	shalt  }
0x49: {  	_ =	shalt  }
0x4a: {  	_ =	shalt  }
0x4b: {  	_ =	shalt  }
0x4c: {  	_ =	shalt  }
0x4d: {  	_ =	shalt  }
0x4e: {  	_ =	shalt  }
0x4f: {  	_ =	shalt  }
0x50: {  	_ =	shalt  }
0x51: {  	_ =	shalt  }
0x52: {  	_ =	shalt  }
0x53: {  	_ =	shalt  }
0x54: {  	_ =	shalt  }
0x55: {  	_ =	shalt  }
0x56: {  	_ =	shalt  }
0x57: {  	_ =	shalt  }
0x58: {  	_ =	shalt  }
0x59: {  	_ =	shalt  }
0x5a: {  	_ =	shalt  }
0x5b: {  	_ =	shalt  }
0x5c: {  	_ =	shalt  }
0x5d: {  	_ =	shalt  }
0x5e: {  	_ =	shalt  }
0x5f: {  	_ =	shalt  }
0x60: {  	_ =	shalt  }
0x61: {  	_ =	shalt  }
0x62: {  	_ =	shalt  }
0x63: {  	_ =	shalt  }
0x64: {  	_ =	shalt  }
0x65: {  	_ =	shalt  }
0x66: {  	_ =	shalt  }
0x67: {  	_ =	shalt  }
0x68: {  	_ =	shalt  }
0x69: {  	_ =	shalt  }
0x6a: {  	_ =	shalt  }
0x6b: {  	_ =	shalt  }
0x6c: {  	_ =	shalt  }
0x6d: {  	_ =	shalt  }
0x6e: {  	_ =	shalt  }
0x6f: {  	_ =	shalt  }
0x70: {  	_ =	shalt  }
0x71: {  	_ =	shalt  }
0x72: {  	_ =	shalt  }
0x73: {  	_ =	shalt  }
0x74: {  	_ =	shalt  }
0x75: {  	_ =	shalt  }
0x76: {  	_ =	shalt  }
0x77: {  	_ =	shalt  }
0x78: {  	_ =	shalt  }
0x79: {  	_ =	shalt  }
0x7a: {  	_ =	shalt  }
0x7b: {  	_ =	shalt  }
0x7c: {  	_ =	shalt  }
0x7d: {  	_ =	shalt  }
0x7e: {  	_ =	shalt  }
0x7f: {  	_ =	shalt  }
0x80: {  	_ =	shalt  }
0x81: {  	_ =	shalt  }
0x82: {  	_ =	shalt  }
0x83: {  	_ =	shalt  }
0x84: {  	_ =	shalt  }
0x85: {  	_ =	shalt  }
0x86: {  	_ =	shalt  }
0x87: {  	_ =	shalt  }
.Lfunc_end0:
.L_simem_size_0:
called_computation.1_lowered:
.L_overlay_start_0:
0x88: {  	s2 =	sld [smem:$0x3FD9]  }
0x89: {  	s3 =	sld [smem:$0x3FFE];
	_ =	sdelay $0x1  }
0x8a: {  	s1 =	srdreg.scid  }
0x8b: {  	s0 =	sand.u32 $0x1, s1  }
0x8c: {  	s17 =	sshll.u32 s0, $0xA;
	s2 =	sadd.s32 s3, s2  }
0x8d: {  	s2 =	sadd.s32 s2, s17  }
0x8e: {  	[smem:$0x3FC5] =	sst s2  }
0x8f: {  	_ = 	snop  }
0x90: {  	s2 =	sld [smem:$0x3FC7]  }
0x91: {  	s18 =	sld [smem:$0x3FD0];
	(tm) =	ssettm $0x1  }
0x92: {  	s4 =	sld [smem:$0x3FFB];
	_ =	sdelay $0x3  }
0x93: {  	_ =	strace s4  }
0x94: {  	s4 =	sld [smem:$0x3FFC];
	_ =	sdelay $0x3  }
0x95: {  	_ =	strace s4  }
0x96: {  	s4 =	sld [smem:$0x3FFD];
	_ =	sdelay $0x3  }
0x97: {  	_ =	strace s4  }
0x98: {  	_ =	strace $0x8FFFFFFF  }
0x99: {  	s19 =	sld [smem:$0x3FDB];
	_ =	sdelay $0x1  }
0x9a: {  	s5 =	simm.s32 $_scs_section_size  }
0x9b: {  	s6 =	simm.s32 $_size__tile_overlayer_lowered;
	s7 =	simm.s32 $_tile_overlayer_lowered  }
0x9c: {  	s22 =	simm.s32 $0x1BFF;
	s21 =	sshll.u32 s7, $0x1;
	s4 =	sadd.s32 s5, s19  }
0x9d: {  	s8 =	simm.s32 $0x0;
	s20 =	sshll.u32 s6, $0x1;
	s6 =	sadd.s32 s21, s4  }
0x9e: {  	[timem:s8], [sflag:s22] =	dma.local [hbm:s6], s20  }
0x9f: {  	_ =	swait.ge [sflag:s22], s20  }
0xa0: {  	s5 =	ssub.s32 $0x0, s20;
	[sflag:s22] =	ssyncset.done $0x0  }
0xa1: {  	[sflag:s22] =	ssyncadd.s32 s5;
	_ =	sdelay $0x1  }
0xa2: {  	s23 =	simm.s32 $0x1B8B  }
0xa3: {  	_ =	swait.ge [sflag:s23], $0x1  }
0xa4: {  	[sflag:s23] =	ssyncset.done $0x0  }
0xa5: {  	s25 =	simm.s32 $0x1B8E;
	s24 =	sld [smem:$0x3FFE];
	[sflag:s23] =	ssyncadd.s32 $0xFFFFFFFF  }
0xa6: {  	s26 =	simm.s32 $execute0_lowered;
	[smem:$0x3FD2] =	sst s25  }
0xa7: {  	s6 =	sshll.u32 s26, $0x1;
	_ =	strace $0x80000046;
	[dreg:$0x1] =	wrdreg $0xFFFFFFFF  }
0xa8: {  	s28 =	simm.s32 $_size_execute0_lowered;
	s4 =	sadd.s32 s4, s6;
	[dreg:$0x0] =	wrdreg $0x0  }
0xa9: {  	s6 =	sshll.u32 s28, $0x1;
	[dreg:$0x2] =	wrdreg s4  }
0xaa: {  	[dreg:$0x3] =	wrdreg s6  }
0xab: {  	[dreg:$0x4] =	wrdreg $0xC0  }
0xac: {  	_ =	task [dreg:s8], $0x5FFFF  }
0xad: {  	[dreg:$0x1] =	wrdreg $0xFFFFFFFF  }
0xae: {  	[dreg:$0x0] =	wrdreg $0x60  }
0xaf: {  	[dreg:$0x2] =	wrdreg s24  }
0xb0: {  	[dreg:$0x3] =	wrdreg s18  }
0xb1: {  	[dreg:$0x4] =	wrdreg s2  }
0xb2: {  	[dreg:$0x5] =	wrdreg $0x9  }
0xb3: {  	_ =	task.clear_ibuf [dreg:s8], $0x6FFFF;
	_ =	strace $0x90000046  }
0xb4: {  	s29 =	simm.s32 $0x9;
	_ =	strace $0x80000048  }
0xb5: {  	_ =	swait.ge [sflag:s29], $0x1  }
0xb6: {  	[sflag:s29] =	ssyncadd.s32 $0xFFFFFFFF  }
0xb7: {  	_ =	strace $0x90000048  }
0xb8: {  	_ =	sfence  }
0xb9: {  	s30 =	sld [smem:$0x0];
	_ =	sdelay $0x2  }
0xba: {  	s31 =	sshll.u32 s1, $0xD;
	s1 =	sshrl.u32 s1, $0x2  }
0xbb: {  	s3 =	sand.u32 $0x4000, s31;
	s1 =	sadd.s32 s1, s30  }
0xbc: {  	s0 =	sor.u32 s3, s0;
	s1 =	sshll.u32 s1, $0x11  }
0xbd: {  	s0 =	sor.u32 s1, s0  }
0xbe: {  	s0 =	sadd.s32 $0x8F2B, s0  }
0xbf: {  	[sflag:s0] =	ssyncadd.remote.s32 $0x1  }
0xc0: {  	_ =	sfence.sel $0xFFFF  }
0xc1: {  	[dreg:$0x0] =	wrdreg $0xFFFFFFFF;
	(pc) =	sbr.abs _section_cstart, $3  }
0xc2: {  	[dreg:$0x1] =	wrdreg $0xFFFFFFFF  }
0xc3: {  	_ =	task.clear_ibuf [dreg:s8], $0x2FFFF;
	_ =	strace $0x9FFFFFFF  }
0xc4: {  	(tm) =	ssettm $0x7FFFFFFF  }
0xc5: {  	_ =	shalt  }
tec
execute0_lowered:
.L_overlay_start_1:
0x0: {  	(tag) =	ssettag $0x1  }
0x1: {  	s11 =	stileid.u32  }
0x2: {  	s0 =	srdreg.scid;
	s21 =	smul.u32 $0x64000, s11  }
0x3: {  	s1 =	rddreg [dreg:$0x0];
	s0 =	sand.u32 $0x1, s0;
	s23 =	smul.u32 $0x32000, s11  }
0x4: {  	s4 =	rddreg [dreg:$0x1];
	s2 =	sshll.u32 s11, $0x1;
	s22 =	smul.u32 $0x32000, s0  }
0x5: {  	s5 =	sor.u32 s0, s2;
	s8 =	ssub.s32 $0x2, s0;
	s0 =	smul.u32 $0x19000, s0  }
0x6: {  	s3 =	simm.s32 $0x0;
	s31 =	simm.s32 $0x2;
	s6 =	smul.u32 $0x1900, s5  }
0x7: {  	s28 =	simm.s32 $0xB;
	s29 =	simm.s32 $0x4;
	s10 =	smul.u32 $0x19000, s5  }
0x8: {  	s30 =	simm.s32 $0x9;
	[smem:$0x7FF] =	sst s3;
	s14 =	smul.u32 $0x32000, s5  }
0x9: {  	s11 =	simm.s32 $0x3100;
	s2 =	rddreg [dreg:$0x2];
	s18 =	smul.u32 $0xC8000, s5  }
0xa: {  	_ =	strace $0x80000047;
	s9 =	sshrl.u32 s8, $0x1;
	s5 =	smul.u32 $0x190000, s5  }
0xb: {  	s8 =	ssub.s32 s8, s9;
	s6 =	sshrl.u32 s6, $0x3;
	s12 =	sadd.s32 s4, s10  }
0xc: {  	s20 =	sshrl.u32 s18, $0x3;
	s5 =	sshrl.u32 s5, $0x3;
	s26 =	smax.u32 s8, $0x1  }
0xd: {  	s18 =	simm.s32 $0x5100;
	s8 =	simm.s32 $0x1D00;
	s10 =	simm.s32 $0x5  }
0xe: {  	s7 =	sadd.s32 s6, s1;
	s6 =	sor.u32 $0x8, s6;
	s1 =	sadd.s32 $0x6C00, s1  }
0xf: {  	s16 =	sadd.s32 $0x800, s12;
	[dreg:$0x5] =	wrdreg s12;
	s19 =	sadd.s32 $0xC00, s12  }
0x10: {  	[dreg:$0x10] =	wrdreg s26;
	s26 =	simm.s32 $0x8;
	s12 =	simm.s32 $0xA  }
0x11: {  	s13 =	sshll.u32 s6, $0x7;
	s7 =	sadd.s32 $0x800, s7;
	[dreg:$0x8] =	wrdreg s16  }
0x12: {  	s17 =	sadd.s32 s1, s14;
	s6 =	sshll.u32 s6, $0x8;
	[dreg:$0xa] =	wrdreg s19  }
0x13: {  	s5 =	sadd.s32 s1, s5;
	s19 =	simm.s32 $0x3900;
	s16 =	simm.s32 $0x6  }
0x14: {  	s14 =	simm.s32 $0xE;
	s9 =	sand.u32 $0x1FFFF400, s13;
	[dreg:$0x6] =	wrdreg s7  }
0x15: {  	[dreg:$0x9] =	wrdreg s17;
	s6 =	sand.u32 $0x1FFFE800, s6;
	s24 =	sadd.s32 $0x30800, s5  }
0x16: {  	s25 =	sadd.s32 $0x31000, s5;
	s5 =	sadd.s32 $0x31800, s5;
	s7 =	simm.s32 $0x2100  }
0x17: {  	s17 =	simm.s32 $0x2500;
	s13 =	simm.s32 $0xD;
	[dreg:$0xd] =	wrdreg s24  }
0x18: {  	s15 =	sadd.s32 s4, s9;
	s6 =	sadd.s32 s1, s6;
	[dreg:$0xe] =	wrdreg s25  }
0x19: {  	[dreg:$0xf] =	wrdreg s5;
	s1 =	sadd.s32 s21, s1;
	s9 =	simm.s32 $0x2900  }
0x1a: {  	s21 =	simm.s32 $0x4900;
	s24 =	simm.s32 $0xD900;
	[dreg:$0x7] =	wrdreg s15  }
0x1b: {  	s25 =	simm.s32 $0x3;
	s5 =	simm.s32 $0xC;
	[dreg:$0xb] =	wrdreg s6  }
0x1c: {  	s6 =	sadd.s32 s4, s20;
	s4 =	sadd.s32 s23, s4;
	s1 =	sadd.s32 s22, s1  }
0x1d: {  	s20 =	simm.s32 $0x4100;
	s23 =	simm.s32 $0x9900;
	s15 =	simm.s32 $0x1  }
0x1e: {  	s22 =	simm.s32 $0x11900;
	s6 =	sadd.s32 $0x1000, s6;
	[dreg:$0x4] =	wrdreg s1  }
0x1f: {  	v2 =	vlaneseq.u32;
	s0 =	sadd.s32 s0, s4;
	s4 =	simm.s32 $0x0;
	[dreg:$0xc] =	wrdreg s6  }
0x20: {  	vm0 =	vmmov $0xff;
	v1 =	vshrl.u32 v2, $0x3;
	s1 =	simm.s32 $0x7;
	s0 =	sadd.s32 $0x2400, s0;
	[dreg:$0x12] =	wrdreg s4  }
0x21: {  	v0 =	vand.u32 $0x7, v2;
	v2 =	vor.u32 $0x8, v2;
	v1 =	vmul.u32 $0x8, v1;
	s6 =	simm.s32 $0xF;
	[dreg:$0x11] =	wrdreg s0;
	s0 =	simm.s32 $0x2D00  }
.LBB2_1:
0x22: {  	s4 =	rddreg [dreg:$0x6]  }
0x23: {  	[tilespmem:s3], [sflag:$0x10] =	stream.linear.gather [hbm4b:s4+s3], $0x1900, $0x38;
	[tilespmem:$0x15900] =	vst v63  }
0x24: {  	s4 =	simm.s32 $0x10  }
0x25: {  	_ =	swait.ge [sflag:s4], $0x1900  }
0x26: {  	[sflag:s4] =	ssyncset.done $0x0  }
0x27: {  	[sflag:s4] =	ssyncadd.s32 $0xFFFFE700  }
0x28: {  	v3 =	vld [tilespmem:$0x0];
	_ =	sdelay $0x4  }
0x29: {  	v4 =	vperm.xlane v3, v0;
	_ =	sdelay $0x1  }
0x2a: {  	v3 =	vperm.xlane v3, v2;
	v4 =	vadd.s32 v1, v4;
	_ =	sdelay $0x1  }
0x2b: {  	v3 =	vadd.s32 v1, v3;
	_ =	sdelay $0x1  }
0x2c: {  	s4 =	simm.s32 $0x1900  }
0x2d: {  	[tilespmem:s4], [sflag:$0x1] =	stream.indirect_vreg.gather [hbm4b:s2+s3], $0x80, v4, vm0, $0xb8;
	[tilespmem:$0x15900] =	vst v63  }
0x2e: {  	_ = 	snop  }
0x2f: {  	[tilespmem:s7], [sflag:$0x1] =	stream.indirect_vreg.gather [hbm4b:s2+s3], $0x80, v3, vm0, $0xb8;
	[tilespmem:$0x15900] =	vst v63  }
0x30: {  	v3 =	vld [tilespmem:$0x10];
	_ =	sdelay $0x4  }
0x31: {  	v45 =	vperm.xlane v3, v0;
	_ =	sdelay $0x1  }
0x32: {  	v3 =	vperm.xlane v3, v2;
	v4 =	vadd.s32 v1, v45;
	_ =	sdelay $0x1  }
0x33: {  	v3 =	vadd.s32 v1, v3;
	_ =	sdelay $0x2  }
0x34: {  	[tilespmem:s9], [sflag:$0x1] =	stream.indirect_vreg.gather [hbm4b:s2+s3], $0x80, v4, vm0, $0xb8;
	[tilespmem:$0x15900] =	vst v63  }
0x35: {  	_ = 	snop  }
0x36: {  	[tilespmem:s11], [sflag:$0x1] =	stream.indirect_vreg.gather [hbm4b:s2+s3], $0x80, v3, vm0, $0xb8;
	[tilespmem:$0x15900] =	vst v63  }
0x37: {  	v3 =	vld [tilespmem:$0x20];
	_ =	sdelay $0x4  }
0x38: {  	v46 =	vperm.xlane v3, v0;
	_ =	sdelay $0x1  }
0x39: {  	v3 =	vperm.xlane v3, v2;
	v4 =	vadd.s32 v1, v46;
	_ =	sdelay $0x1  }
0x3a: {  	v3 =	vadd.s32 v1, v3;
	_ =	sdelay $0x2  }
0x3b: {  	[tilespmem:s19], [sflag:$0x1] =	stream.indirect_vreg.gather [hbm4b:s2+s3], $0x80, v4, vm0, $0xb8;
	[tilespmem:$0x15900] =	vst v63  }
0x3c: {  	_ = 	snop  }
0x3d: {  	[tilespmem:s20], [sflag:$0x1] =	stream.indirect_vreg.gather [hbm4b:s2+s3], $0x80, v3, vm0, $0xb8;
	[tilespmem:$0x15900] =	vst v63  }
0x3e: {  	v3 =	vld [tilespmem:$0x30];
	_ =	sdelay $0x4  }
0x3f: {  	v47 =	vperm.xlane v3, v0;
	_ =	sdelay $0x1  }
0x40: {  	v3 =	vperm.xlane v3, v2;
	v4 =	vadd.s32 v1, v47;
	_ =	sdelay $0x1  }
0x41: {  	v3 =	vadd.s32 v1, v3;
	_ =	sdelay $0x2  }
0x42: {  	[tilespmem:s21], [sflag:$0x1] =	stream.indirect_vreg.gather [hbm4b:s2+s3], $0x80, v4, vm0, $0xb8;
	[tilespmem:$0x15900] =	vst v63  }
0x43: {  	_ = 	snop  }
0x44: {  	[tilespmem:s18], [sflag:$0x1] =	stream.indirect_vreg.gather [hbm4b:s2+s3], $0x80, v3, vm0, $0xb8;
	[tilespmem:$0x15900] =	vst v63  }
0x45: {  	s7 =	rddreg [dreg:$0x5]  }
0x46: {  	[tilespmem:s8], [sflag:$0x6] =	stream.linear.gather [hbm4b:s7+s3], $0x400, $0x38;
	[tilespmem:$0x15900] =	vst v63  }
0x47: {  	s11 =	sadd.s32 $0x80, s7  }
0x48: {  	[tilespmem:s17], [sflag:$0x6] =	stream.linear.gather [hbm4b:s11+s3], $0x400, $0x38;
	[tilespmem:$0x15900] =	vst v63  }
0x49: {  	s17 =	sadd.s32 $0x100, s7  }
0x4a: {  	[tilespmem:s0], [sflag:$0x6] =	stream.linear.gather [hbm4b:s17+s3], $0x400, $0x38;
	[tilespmem:$0x15900] =	vst v63  }
0x4b: {  	s19 =	simm.s32 $0x3500;
	s18 =	sadd.s32 $0x180, s7  }
0x4c: {  	[tilespmem:s19], [sflag:$0x6] =	stream.linear.gather [hbm4b:s18+s3], $0x400, $0x38;
	[tilespmem:$0x15900] =	vst v63  }
0x4d: {  	s20 =	sadd.s32 $0x200, s7;
	s21 =	simm.s32 $0x3D00  }
0x4e: {  	[tilespmem:s21], [sflag:$0x6] =	stream.linear.gather [hbm4b:s20+s3], $0x400, $0x38;
	[tilespmem:$0x15900] =	vst v63  }
0x4f: {  	s8 =	simm.s32 $0x4500;
	s0 =	sadd.s32 $0x280, s7  }
0x50: {  	[tilespmem:s8], [sflag:$0x6] =	stream.linear.gather [hbm4b:s0+s3], $0x400, $0x38;
	[tilespmem:$0x15900] =	vst v63  }
0x51: {  	s9 =	sadd.s32 $0x300, s7;
	s11 =	simm.s32 $0x4D00  }
0x52: {  	[tilespmem:s11], [sflag:$0x6] =	stream.linear.gather [hbm4b:s9+s3], $0x400, $0x38;
	[tilespmem:$0x15900] =	vst v63  }
0x53: {  	s17 =	sadd.s32 $0x380, s7;
	s18 =	simm.s32 $0x5500  }
0x54: {  	[tilespmem:s18], [sflag:$0x6] =	stream.linear.gather [hbm4b:s17+s3], $0x400, $0x38;
	[tilespmem:$0x15900] =	vst v63  }
0x55: {  	v3 =	vld [tilespmem:$0x40];
	_ =	sdelay $0x4  }
0x56: {  	v48 =	vperm.xlane v3, v0;
	_ =	sdelay $0x1  }
0x57: {  	v3 =	vperm.xlane v3, v2;
	v4 =	vadd.s32 v1, v48;
	_ =	sdelay $0x1  }
0x58: {  	v3 =	vadd.s32 v1, v3;
	_ =	sdelay $0x1  }
0x59: {  	s18 =	simm.s32 $0x5900  }
0x5a: {  	[tilespmem:s18], [sflag:$0x2] =	stream.indirect_vreg.gather [hbm4b:s2+s3], $0x80, v4, vm0, $0xb8;
	[tilespmem:$0x15900] =	vst v63  }
0x5b: {  	s19 =	simm.s32 $0x6100  }
0x5c: {  	[tilespmem:s19], [sflag:$0x2] =	stream.indirect_vreg.gather [hbm4b:s2+s3], $0x80, v3, vm0, $0xb8;
	[tilespmem:$0x15900] =	vst v63  }
0x5d: {  	v3 =	vld [tilespmem:$0x50];
	_ =	sdelay $0x4  }
0x5e: {  	v49 =	vperm.xlane v3, v0;
	_ =	sdelay $0x1  }
0x5f: {  	v3 =	vperm.xlane v3, v2;
	v4 =	vadd.s32 v1, v49;
	_ =	sdelay $0x1  }
0x60: {  	v3 =	vadd.s32 v1, v3;
	_ =	sdelay $0x1  }
0x61: {  	s20 =	simm.s32 $0x6900  }
0x62: {  	[tilespmem:s20], [sflag:$0x2] =	stream.indirect_vreg.gather [hbm4b:s2+s3], $0x80, v4, vm0, $0xb8;
	[tilespmem:$0x15900] =	vst v63  }
0x63: {  	s21 =	simm.s32 $0x7100  }
0x64: {  	[tilespmem:s21], [sflag:$0x2] =	stream.indirect_vreg.gather [hbm4b:s2+s3], $0x80, v3, vm0, $0xb8;
	[tilespmem:$0x15900] =	vst v63  }
0x65: {  	v3 =	vld [tilespmem:$0x60];
	_ =	sdelay $0x4  }
0x66: {  	v50 =	vperm.xlane v3, v0;
	_ =	sdelay $0x1  }
0x67: {  	v3 =	vperm.xlane v3, v2;
	v4 =	vadd.s32 v1, v50;
	_ =	sdelay $0x1  }
0x68: {  	v3 =	vadd.s32 v1, v3;
	_ =	sdelay $0x1  }
0x69: {  	s4 =	simm.s32 $0x7900  }
0x6a: {  	[tilespmem:s4], [sflag:$0x2] =	stream.indirect_vreg.gather [hbm4b:s2+s3], $0x80, v4, vm0, $0xb8;
	[tilespmem:$0x15900] =	vst v63  }
0x6b: {  	s7 =	simm.s32 $0x8100  }
0x6c: {  	[tilespmem:s7], [sflag:$0x2] =	stream.indirect_vreg.gather [hbm4b:s2+s3], $0x80, v3, vm0, $0xb8;
	[tilespmem:$0x15900] =	vst v63  }
0x6d: {  	v3 =	vld [tilespmem:$0x70];
	_ =	sdelay $0x4  }
0x6e: {  	v51 =	vperm.xlane v3, v0;
	_ =	sdelay $0x1  }
0x6f: {  	v3 =	vperm.xlane v3, v2;
	v4 =	vadd.s32 v1, v51;
	_ =	sdelay $0x1  }
0x70: {  	v3 =	vadd.s32 v1, v3;
	_ =	sdelay $0x1  }
0x71: {  	s8 =	simm.s32 $0x8900  }
0x72: {  	[tilespmem:s8], [sflag:$0x2] =	stream.indirect_vreg.gather [hbm4b:s2+s3], $0x80, v4, vm0, $0xb8;
	[tilespmem:$0x15900] =	vst v63  }
0x73: {  	s9 =	simm.s32 $0x9100  }
0x74: {  	[tilespmem:s9], [sflag:$0x2] =	stream.indirect_vreg.gather [hbm4b:s2+s3], $0x80, v3, vm0, $0xb8;
	[tilespmem:$0x15900] =	vst v63  }
0x75: {  	s11 =	simm.s32 $0x5D00;
	s7 =	rddreg [dreg:$0x7]  }
0x76: {  	[tilespmem:s11], [sflag:$0x7] =	stream.linear.gather [hbm4b:s7+s3], $0x400, $0x38;
	[tilespmem:$0x15900] =	vst v63  }
0x77: {  	s19 =	simm.s32 $0x6500;
	s17 =	sadd.s32 $0x80, s7  }
0x78: {  	[tilespmem:s19], [sflag:$0x7] =	stream.linear.gather [hbm4b:s17+s3], $0x400, $0x38;
	[tilespmem:$0x15900] =	vst v63  }
0x79: {  	s21 =	simm.s32 $0x6D00;
	s20 =	sadd.s32 $0x100, s7  }
0x7a: {  	[tilespmem:s21], [sflag:$0x7] =	stream.linear.gather [hbm4b:s20+s3], $0x400, $0x38;
	[tilespmem:$0x15900] =	vst v63  }
0x7b: {  	s0 =	sadd.s32 $0x180, s7;
	s8 =	simm.s32 $0x7500  }
0x7c: {  	[tilespmem:s8], [sflag:$0x7] =	stream.linear.gather [hbm4b:s0+s3], $0x400, $0x38;
	[tilespmem:$0x15900] =	vst v63  }
0x7d: {  	s9 =	sadd.s32 $0x200, s7;
	s11 =	simm.s32 $0x7D00  }
0x7e: {  	[tilespmem:s11], [sflag:$0x7] =	stream.linear.gather [hbm4b:s9+s3], $0x400, $0x38;
	[tilespmem:$0x15900] =	vst v63  }
0x7f: {  	s17 =	sadd.s32 $0x280, s7;
	s19 =	simm.s32 $0x8500  }
0x80: {  	[tilespmem:s19], [sflag:$0x7] =	stream.linear.gather [hbm4b:s17+s3], $0x400, $0x38;
	[tilespmem:$0x15900] =	vst v63  }
0x81: {  	s20 =	sadd.s32 $0x300, s7;
	s21 =	simm.s32 $0x8D00  }
0x82: {  	[tilespmem:s21], [sflag:$0x7] =	stream.linear.gather [hbm4b:s20+s3], $0x400, $0x38;
	[tilespmem:$0x15900] =	vst v63  }
0x83: {  	s7 =	sadd.s32 $0x380, s7;
	s8 =	simm.s32 $0x9500  }
0x84: {  	[tilespmem:s8], [sflag:$0x7] =	stream.linear.gather [hbm4b:s7+s3], $0x400, $0x38;
	[tilespmem:$0x15900] =	vst v63  }
0x85: {  	v3 =	vld [tilespmem:$0x80];
	_ =	sdelay $0x4  }
0x86: {  	v52 =	vperm.xlane v3, v0;
	_ =	sdelay $0x1  }
0x87: {  	v3 =	vperm.xlane v3, v2;
	v4 =	vadd.s32 v1, v52;
	_ =	sdelay $0x1  }
0x88: {  	v3 =	vadd.s32 v1, v3;
	_ =	sdelay $0x2  }
0x89: {  	[tilespmem:s23], [sflag:$0x3] =	stream.indirect_vreg.gather [hbm4b:s2+s3], $0x80, v4, vm0, $0xb8;
	[tilespmem:$0x15900] =	vst v63  }
0x8a: {  	s9 =	simm.s32 $0xA100  }
0x8b: {  	[tilespmem:s9], [sflag:$0x3] =	stream.indirect_vreg.gather [hbm4b:s2+s3], $0x80, v3, vm0, $0xb8;
	[tilespmem:$0x15900] =	vst v63  }
0x8c: {  	v3 =	vld [tilespmem:$0x90];
	_ =	sdelay $0x4  }
0x8d: {  	v53 =	vperm.xlane v3, v0;
	_ =	sdelay $0x1  }
0x8e: {  	v3 =	vperm.xlane v3, v2;
	v4 =	vadd.s32 v1, v53;
	_ =	sdelay $0x1  }
0x8f: {  	v3 =	vadd.s32 v1, v3;
	_ =	sdelay $0x1  }
0x90: {  	s11 =	simm.s32 $0xA900  }
0x91: {  	[tilespmem:s11], [sflag:$0x3] =	stream.indirect_vreg.gather [hbm4b:s2+s3], $0x80, v4, vm0, $0xb8;
	[tilespmem:$0x15900] =	vst v63  }
0x92: {  	s17 =	simm.s32 $0xB100  }
0x93: {  	[tilespmem:s17], [sflag:$0x3] =	stream.indirect_vreg.gather [hbm4b:s2+s3], $0x80, v3, vm0, $0xb8;
	[tilespmem:$0x15900] =	vst v63  }
0x94: {  	v3 =	vld [tilespmem:$0xA0];
	_ =	sdelay $0x4  }
0x95: {  	v54 =	vperm.xlane v3, v0;
	_ =	sdelay $0x1  }
0x96: {  	v3 =	vperm.xlane v3, v2;
	v4 =	vadd.s32 v1, v54;
	_ =	sdelay $0x1  }
0x97: {  	v3 =	vadd.s32 v1, v3;
	_ =	sdelay $0x1  }
0x98: {  	s19 =	simm.s32 $0xB900  }
0x99: {  	[tilespmem:s19], [sflag:$0x3] =	stream.indirect_vreg.gather [hbm4b:s2+s3], $0x80, v4, vm0, $0xb8;
	[tilespmem:$0x15900] =	vst v63  }
0x9a: {  	s20 =	simm.s32 $0xC100  }
0x9b: {  	[tilespmem:s20], [sflag:$0x3] =	stream.indirect_vreg.gather [hbm4b:s2+s3], $0x80, v3, vm0, $0xb8;
	[tilespmem:$0x15900] =	vst v63  }
0x9c: {  	v3 =	vld [tilespmem:$0xB0];
	_ =	sdelay $0x4  }
0x9d: {  	v55 =	vperm.xlane v3, v0;
	_ =	sdelay $0x1  }
0x9e: {  	v3 =	vperm.xlane v3, v2;
	v4 =	vadd.s32 v1, v55;
	_ =	sdelay $0x1  }
0x9f: {  	v3 =	vadd.s32 v1, v3;
	_ =	sdelay $0x1  }
0xa0: {  	s21 =	simm.s32 $0xC900  }
0xa1: {  	[tilespmem:s21], [sflag:$0x3] =	stream.indirect_vreg.gather [hbm4b:s2+s3], $0x80, v4, vm0, $0xb8;
	[tilespmem:$0x15900] =	vst v63  }
0xa2: {  	s23 =	simm.s32 $0xD100  }
0xa3: {  	[tilespmem:s23], [sflag:$0x3] =	stream.indirect_vreg.gather [hbm4b:s2+s3], $0x80, v3, vm0, $0xb8;
	[tilespmem:$0x15900] =	vst v63  }
0xa4: {  	s4 =	simm.s32 $0x9D00;
	s7 =	rddreg [dreg:$0x8]  }
0xa5: {  	[tilespmem:s4], [sflag:$0x8] =	stream.linear.gather [hbm4b:s7+s3], $0x400, $0x38;
	[tilespmem:$0x15900] =	vst v63  }
0xa6: {  	s8 =	sadd.s32 $0x80, s7;
	s9 =	simm.s32 $0xA500  }
0xa7: {  	[tilespmem:s9], [sflag:$0x8] =	stream.linear.gather [hbm4b:s8+s3], $0x400, $0x38;
	[tilespmem:$0x15900] =	vst v63  }
0xa8: {  	s11 =	sadd.s32 $0x100, s7;
	s17 =	simm.s32 $0xAD00  }
0xa9: {  	[tilespmem:s17], [sflag:$0x8] =	stream.linear.gather [hbm4b:s11+s3], $0x400, $0x38;
	[tilespmem:$0x15900] =	vst v63  }
0xaa: {  	s19 =	sadd.s32 $0x180, s7;
	s20 =	simm.s32 $0xB500  }
0xab: {  	[tilespmem:s20], [sflag:$0x8] =	stream.linear.gather [hbm4b:s19+s3], $0x400, $0x38;
	[tilespmem:$0x15900] =	vst v63  }
0xac: {  	s21 =	sadd.s32 $0x200, s7;
	s23 =	simm.s32 $0xBD00  }
0xad: {  	[tilespmem:s23], [sflag:$0x8] =	stream.linear.gather [hbm4b:s21+s3], $0x400, $0x38;
	[tilespmem:$0x15900] =	vst v63  }
0xae: {  	s8 =	sadd.s32 $0x280, s7;
	s9 =	simm.s32 $0xC500  }
0xaf: {  	[tilespmem:s9], [sflag:$0x8] =	stream.linear.gather [hbm4b:s8+s3], $0x400, $0x38;
	[tilespmem:$0x15900] =	vst v63  }
0xb0: {  	s11 =	sadd.s32 $0x300, s7;
	s17 =	simm.s32 $0xCD00  }
0xb1: {  	[tilespmem:s17], [sflag:$0x8] =	stream.linear.gather [hbm4b:s11+s3], $0x400, $0x38;
	[tilespmem:$0x15900] =	vst v63  }
0xb2: {  	s19 =	sadd.s32 $0x380, s7;
	s20 =	simm.s32 $0xD500  }
0xb3: {  	[tilespmem:s20], [sflag:$0x8] =	stream.linear.gather [hbm4b:s19+s3], $0x400, $0x38;
	[tilespmem:$0x15900] =	vst v63  }
0xb4: {  	_ =	swait.ge [sflag:s15], $0x2000  }
0xb5: {  	[sflag:s15] =	ssyncset.done $0x0  }
0xb6: {  	[sflag:s15] =	ssyncadd.s32 $0xFFFFE000  }
0xb7: {  	_ =	swait.ge [sflag:s16], $0x2000  }
0xb8: {  	[sflag:s16] =	ssyncset.done $0x0  }
0xb9: {  	s23 =	simm.s32 $0x1900;
	s21 =	rddreg [dreg:$0x9];
	[sflag:s16] =	ssyncadd.s32 $0xFFFFE000  }
0xba: {  	[hbm4b:s21+s3] =	stream.linear.scatter [tilespmem:s23], [sflag:$0xB], $0x4000, $0x38;
	[tilespmem:$0x15900] =	vst v63  }
0xbb: {  	v3 =	vld [tilespmem:$0xC0];
	_ =	sdelay $0x4  }
0xbc: {  	v56 =	vperm.xlane v3, v0;
	_ =	sdelay $0x1  }
0xbd: {  	v3 =	vperm.xlane v3, v2;
	v4 =	vadd.s32 v1, v56;
	_ =	sdelay $0x1  }
0xbe: {  	v3 =	vadd.s32 v1, v3;
	_ =	sdelay $0x2  }
0xbf: {  	[tilespmem:s24], [sflag:$0x4] =	stream.indirect_vreg.gather [hbm4b:s2+s3], $0x80, v4, vm0, $0xb8;
	[tilespmem:$0x15900] =	vst v63  }
0xc0: {  	s24 =	simm.s32 $0xE100  }
0xc1: {  	[tilespmem:s24], [sflag:$0x4] =	stream.indirect_vreg.gather [hbm4b:s2+s3], $0x80, v3, vm0, $0xb8;
	[tilespmem:$0x15900] =	vst v63  }
0xc2: {  	v3 =	vld [tilespmem:$0xD0];
	_ =	sdelay $0x4  }
0xc3: {  	v57 =	vperm.xlane v3, v0;
	_ =	sdelay $0x1  }
0xc4: {  	v3 =	vperm.xlane v3, v2;
	v4 =	vadd.s32 v1, v57;
	_ =	sdelay $0x1  }
0xc5: {  	v3 =	vadd.s32 v1, v3;
	_ =	sdelay $0x1  }
0xc6: {  	s4 =	simm.s32 $0xE900  }
0xc7: {  	[tilespmem:s4], [sflag:$0x4] =	stream.indirect_vreg.gather [hbm4b:s2+s3], $0x80, v4, vm0, $0xb8;
	[tilespmem:$0x15900] =	vst v63  }
0xc8: {  	s7 =	simm.s32 $0xF100  }
0xc9: {  	[tilespmem:s7], [sflag:$0x4] =	stream.indirect_vreg.gather [hbm4b:s2+s3], $0x80, v3, vm0, $0xb8;
	[tilespmem:$0x15900] =	vst v63  }
0xca: {  	v3 =	vld [tilespmem:$0xE0];
	_ =	sdelay $0x4  }
0xcb: {  	v58 =	vperm.xlane v3, v0;
	_ =	sdelay $0x1  }
0xcc: {  	v3 =	vperm.xlane v3, v2;
	v4 =	vadd.s32 v1, v58;
	_ =	sdelay $0x1  }
0xcd: {  	v3 =	vadd.s32 v1, v3;
	_ =	sdelay $0x1  }
0xce: {  	s8 =	simm.s32 $0xF900  }
0xcf: {  	[tilespmem:s8], [sflag:$0x4] =	stream.indirect_vreg.gather [hbm4b:s2+s3], $0x80, v4, vm0, $0xb8;
	[tilespmem:$0x15900] =	vst v63  }
0xd0: {  	s9 =	simm.s32 $0x10100  }
0xd1: {  	[tilespmem:s9], [sflag:$0x4] =	stream.indirect_vreg.gather [hbm4b:s2+s3], $0x80, v3, vm0, $0xb8;
	[tilespmem:$0x15900] =	vst v63  }
0xd2: {  	v3 =	vld [tilespmem:$0xF0];
	_ =	sdelay $0x4  }
0xd3: {  	v59 =	vperm.xlane v3, v0;
	_ =	sdelay $0x1  }
0xd4: {  	v3 =	vperm.xlane v3, v2;
	v4 =	vadd.s32 v1, v59;
	_ =	sdelay $0x1  }
0xd5: {  	v3 =	vadd.s32 v1, v3;
	_ =	sdelay $0x1  }
0xd6: {  	s11 =	simm.s32 $0x10900  }
0xd7: {  	[tilespmem:s11], [sflag:$0x4] =	stream.indirect_vreg.gather [hbm4b:s2+s3], $0x80, v4, vm0, $0xb8;
	[tilespmem:$0x15900] =	vst v63  }
0xd8: {  	s17 =	simm.s32 $0x11100  }
0xd9: {  	[tilespmem:s17], [sflag:$0x4] =	stream.indirect_vreg.gather [hbm4b:s2+s3], $0x80, v3, vm0, $0xb8;
	[tilespmem:$0x15900] =	vst v63  }
0xda: {  	s19 =	simm.s32 $0xDD00;
	s7 =	rddreg [dreg:$0xa]  }
0xdb: {  	[tilespmem:s19], [sflag:$0x9] =	stream.linear.gather [hbm4b:s7+s3], $0x400, $0x38;
	[tilespmem:$0x15900] =	vst v63  }
0xdc: {  	s21 =	simm.s32 $0xE500;
	s20 =	sadd.s32 $0x80, s7  }
0xdd: {  	[tilespmem:s21], [sflag:$0x9] =	stream.linear.gather [hbm4b:s20+s3], $0x400, $0x38;
	[tilespmem:$0x15900] =	vst v63  }
0xde: {  	s24 =	simm.s32 $0xED00;
	s23 =	sadd.s32 $0x100, s7  }
0xdf: {  	[tilespmem:s24], [sflag:$0x9] =	stream.linear.gather [hbm4b:s23+s3], $0x400, $0x38;
	[tilespmem:$0x15900] =	vst v63  }
0xe0: {  	s0 =	sadd.s32 $0x180, s7;
	s8 =	simm.s32 $0xF500  }
0xe1: {  	[tilespmem:s8], [sflag:$0x9] =	stream.linear.gather [hbm4b:s0+s3], $0x400, $0x38;
	[tilespmem:$0x15900] =	vst v63  }
0xe2: {  	s9 =	sadd.s32 $0x200, s7;
	s11 =	simm.s32 $0xFD00  }
0xe3: {  	[tilespmem:s11], [sflag:$0x9] =	stream.linear.gather [hbm4b:s9+s3], $0x400, $0x38;
	[tilespmem:$0x15900] =	vst v63  }
0xe4: {  	s17 =	sadd.s32 $0x280, s7;
	s19 =	simm.s32 $0x10500  }
0xe5: {  	[tilespmem:s19], [sflag:$0x9] =	stream.linear.gather [hbm4b:s17+s3], $0x400, $0x38;
	[tilespmem:$0x15900] =	vst v63  }
0xe6: {  	s20 =	sadd.s32 $0x300, s7;
	s21 =	simm.s32 $0x10D00  }
0xe7: {  	[tilespmem:s21], [sflag:$0x9] =	stream.linear.gather [hbm4b:s20+s3], $0x400, $0x38;
	[tilespmem:$0x15900] =	vst v63  }
0xe8: {  	s23 =	sadd.s32 $0x380, s7;
	s24 =	simm.s32 $0x11500  }
0xe9: {  	[tilespmem:s24], [sflag:$0x9] =	stream.linear.gather [hbm4b:s23+s3], $0x400, $0x38;
	[tilespmem:$0x15900] =	vst v63  }
0xea: {  	_ =	swait.ge [sflag:s31], $0x2000  }
0xeb: {  	[sflag:s31] =	ssyncset.done $0x0  }
0xec: {  	[sflag:s31] =	ssyncadd.s32 $0xFFFFE000  }
0xed: {  	_ =	swait.ge [sflag:s1], $0x2000  }
0xee: {  	[sflag:s1] =	ssyncset.done $0x0  }
0xef: {  	s7 =	rddreg [dreg:$0xb];
	[sflag:s1] =	ssyncadd.s32 $0xFFFFE000  }
0xf0: {  	[hbm4b:s7+s3] =	stream.linear.scatter [tilespmem:s18], [sflag:$0xC], $0x4000, $0x38;
	[tilespmem:$0x15900] =	vst v63  }
0xf1: {  	v3 =	vld [tilespmem:$0x100];
	_ =	sdelay $0x4  }
0xf2: {  	v60 =	vperm.xlane v3, v0;
	_ =	sdelay $0x1  }
0xf3: {  	v3 =	vperm.xlane v3, v2;
	v4 =	vadd.s32 v1, v60;
	_ =	sdelay $0x1  }
0xf4: {  	v3 =	vadd.s32 v1, v3;
	_ =	sdelay $0x2  }
0xf5: {  	[tilespmem:s22], [sflag:$0x5] =	stream.indirect_vreg.gather [hbm4b:s2+s3], $0x80, v4, vm0, $0xb8;
	[tilespmem:$0x15900] =	vst v63  }
0xf6: {  	s8 =	simm.s32 $0x12100  }
0xf7: {  	[tilespmem:s8], [sflag:$0x5] =	stream.indirect_vreg.gather [hbm4b:s2+s3], $0x80, v3, vm0, $0xb8;
	[tilespmem:$0x15900] =	vst v63  }
0xf8: {  	v3 =	vld [tilespmem:$0x110];
	_ =	sdelay $0x4  }
0xf9: {  	v61 =	vperm.xlane v3, v0;
	_ =	sdelay $0x1  }
0xfa: {  	v3 =	vperm.xlane v3, v2;
	v4 =	vadd.s32 v1, v61;
	_ =	sdelay $0x1  }
0xfb: {  	v3 =	vadd.s32 v1, v3;
	_ =	sdelay $0x1  }
0xfc: {  	s9 =	simm.s32 $0x12900  }
0xfd: {  	[tilespmem:s9], [sflag:$0x5] =	stream.indirect_vreg.gather [hbm4b:s2+s3], $0x80, v4, vm0, $0xb8;
	[tilespmem:$0x15900] =	vst v63  }
0xfe: {  	s11 =	simm.s32 $0x13100  }
0xff: {  	[tilespmem:s11], [sflag:$0x5] =	stream.indirect_vreg.gather [hbm4b:s2+s3], $0x80, v3, vm0, $0xb8;
	[tilespmem:$0x15900] =	vst v63  }
0x100: {  	v3 =	vld [tilespmem:$0x120];
	_ =	sdelay $0x4  }
0x101: {  	v62 =	vperm.xlane v3, v0;
	_ =	sdelay $0x1  }
0x102: {  	v3 =	vperm.xlane v3, v2;
	v4 =	vadd.s32 v1, v62;
	_ =	sdelay $0x1  }
0x103: {  	v3 =	vadd.s32 v1, v3;
	_ =	sdelay $0x1  }
0x104: {  	s17 =	simm.s32 $0x13900  }
0x105: {  	[tilespmem:s17], [sflag:$0x5] =	stream.indirect_vreg.gather [hbm4b:s2+s3], $0x80, v4, vm0, $0xb8;
	[tilespmem:$0x15900] =	vst v63  }
0x106: {  	s19 =	simm.s32 $0x14100  }
0x107: {  	[tilespmem:s19], [sflag:$0x5] =	stream.indirect_vreg.gather [hbm4b:s2+s3], $0x80, v3, vm0, $0xb8;
	[tilespmem:$0x15900] =	vst v63  }
0x108: {  	v3 =	vld [tilespmem:$0x130];
	_ =	sdelay $0x4  }
0x109: {  	v63 =	vperm.xlane v3, v0;
	_ =	sdelay $0x1  }
0x10a: {  	v3 =	vperm.xlane v3, v2;
	v4 =	vadd.s32 v1, v63;
	_ =	sdelay $0x1  }
0x10b: {  	v3 =	vadd.s32 v1, v3;
	_ =	sdelay $0x1  }
0x10c: {  	s20 =	simm.s32 $0x14900  }
0x10d: {  	[tilespmem:s20], [sflag:$0x5] =	stream.indirect_vreg.gather [hbm4b:s2+s3], $0x80, v4, vm0, $0xb8;
	[tilespmem:$0x15900] =	vst v63  }
0x10e: {  	s21 =	simm.s32 $0x15100  }
0x10f: {  	[tilespmem:s21], [sflag:$0x5] =	stream.indirect_vreg.gather [hbm4b:s2+s3], $0x80, v3, vm0, $0xb8;
	[tilespmem:$0x15900] =	vst v63  }
0x110: {  	s7 =	rddreg [dreg:$0xc];
	s22 =	simm.s32 $0x11D00  }
0x111: {  	[tilespmem:s22], [sflag:$0xA] =	stream.linear.gather [hbm4b:s7+s3], $0x400, $0x38;
	[tilespmem:$0x15900] =	vst v63  }
0x112: {  	s24 =	simm.s32 $0x12500;
	s23 =	sadd.s32 $0x80, s7  }
0x113: {  	[tilespmem:s24], [sflag:$0xA] =	stream.linear.gather [hbm4b:s23+s3], $0x400, $0x38;
	[tilespmem:$0x15900] =	vst v63  }
0x114: {  	s8 =	sadd.s32 $0x100, s7;
	s9 =	simm.s32 $0x12D00  }
0x115: {  	[tilespmem:s9], [sflag:$0xA] =	stream.linear.gather [hbm4b:s8+s3], $0x400, $0x38;
	[tilespmem:$0x15900] =	vst v63  }
0x116: {  	s0 =	simm.s32 $0x14D00;
	s11 =	sadd.s32 $0x180, s7;
	s17 =	simm.s32 $0x13500  }
0x117: {  	[tilespmem:s17], [sflag:$0xA] =	stream.linear.gather [hbm4b:s11+s3], $0x400, $0x38;
	[tilespmem:$0x15900] =	vst v63  }
0x118: {  	s4 =	rddreg [dreg:$0x11];
	s19 =	sadd.s32 $0x200, s7;
	s20 =	simm.s32 $0x13D00  }
0x119: {  	[tilespmem:s20], [sflag:$0xA] =	stream.linear.gather [hbm4b:s19+s3], $0x400, $0x38;
	[tilespmem:$0x15900] =	vst v63  }
0x11a: {  	s21 =	sadd.s32 $0x280, s7;
	s22 =	simm.s32 $0x14500;
	s23 =	sadd.s32 $0x300, s7  }
0x11b: {  	[tilespmem:s22], [sflag:$0xA] =	stream.linear.gather [hbm4b:s21+s3], $0x400, $0x38;
	[tilespmem:$0x15900] =	vst v63  }
0x11c: {  	s24 =	sadd.s32 $0x380, s7;
	s7 =	simm.s32 $0x270;
	s9 =	simm.s32 $0x0  }
0x11d: {  	[tilespmem:s0], [sflag:$0xA] =	stream.linear.gather [hbm4b:s23+s3], $0x400, $0x38;
	[tilespmem:$0x15900] =	vst v63  }
0x11e: {  	s8 =	simm.s32 $0x1900;
	s20 =	simm.s32 $0x15500;
	s21 =	simm.s32 $0x3D00  }
0x11f: {  	[tilespmem:s20], [sflag:$0xA] =	stream.linear.gather [hbm4b:s24+s3], $0x400, $0x38;
	[tilespmem:$0x15900] =	vst v63  }
.LBB2_2:
0x120: {  	_ =	swait.ge [sflag:s25], $0x2000  }
0x121: {  	[sflag:s25] =	ssyncset.done $0x0  }
0x122: {  	[sflag:s25] =	ssyncadd.s32 $0xFFFFE000  }
0x123: {  	_ =	swait.ge [sflag:s26], $0x2000  }
0x124: {  	s11 =	rddreg [dreg:$0x4]  }
0x125: {  	[sflag:s26] =	ssyncset.done $0x0;
	s11 =	sadd.s32 s9, s11  }
0x126: {  	s24 =	simm.s32 $0x9900;
	[sflag:s26] =	ssyncadd.s32 $0xFFFFE000;
	s19 =	sadd.s32 $0x1000, s11  }
0x127: {  	[hbm4b:s19+s3] =	stream.linear.scatter [tilespmem:s24], [sflag:$0xD], $0x4000, $0x38;
	[tilespmem:$0x15900] =	vst v63  }
0x128: {  	_ =	swait.ge [sflag:s28], $0x4000  }
0x129: {  	[sflag:s28] =	ssyncset.done $0x0  }
0x12a: {  	[sflag:s28] =	ssyncadd.s32 $0xFFFFC000  }
0x12b: {  	v3 =	vld [tilespmem:s7+$0xFFFFFED0];
	_ =	sdelay $0x4  }
0x12c: {  	v4 =	vperm.xlane v3, v0;
	_ =	sdelay $0x1  }
0x12d: {  	v3 =	vperm.xlane v3, v2;
	v4 =	vadd.s32 v1, v4;
	_ =	sdelay $0x1  }
0x12e: {  	v3 =	vadd.s32 v1, v3;
	_ =	sdelay $0x2  }
0x12f: {  	[tilespmem:s8], [sflag:$0x1] =	stream.indirect_vreg.gather [hbm4b:s2+s3], $0x80, v4, vm0, $0xb8;
	[tilespmem:$0x15900] =	vst v63  }
0x130: {  	s17 =	simm.s32 $0x2100  }
0x131: {  	[tilespmem:s17], [sflag:$0x1] =	stream.indirect_vreg.gather [hbm4b:s2+s3], $0x80, v3, vm0, $0xb8;
	[tilespmem:$0x15900] =	vst v63  }
0x132: {  	v3 =	vld [tilespmem:s7+$0xFFFFFEE0];
	_ =	sdelay $0x4  }
0x133: {  	v45 =	vperm.xlane v3, v0;
	_ =	sdelay $0x1  }
0x134: {  	v3 =	vperm.xlane v3, v2;
	v4 =	vadd.s32 v1, v45;
	_ =	sdelay $0x1  }
0x135: {  	v3 =	vadd.s32 v1, v3;
	_ =	sdelay $0x1  }
0x136: {  	s22 =	simm.s32 $0x2900  }
0x137: {  	[tilespmem:s22], [sflag:$0x1] =	stream.indirect_vreg.gather [hbm4b:s2+s3], $0x80, v4, vm0, $0xb8;
	[tilespmem:$0x15900] =	vst v63  }
0x138: {  	s23 =	simm.s32 $0x3100  }
0x139: {  	[tilespmem:s23], [sflag:$0x1] =	stream.indirect_vreg.gather [hbm4b:s2+s3], $0x80, v3, vm0, $0xb8;
	[tilespmem:$0x15900] =	vst v63  }
0x13a: {  	v3 =	vld [tilespmem:s7+$0xFFFFFEF0];
	_ =	sdelay $0x4  }
0x13b: {  	v46 =	vperm.xlane v3, v0;
	_ =	sdelay $0x1  }
0x13c: {  	v3 =	vperm.xlane v3, v2;
	v4 =	vadd.s32 v1, v46;
	_ =	sdelay $0x1  }
0x13d: {  	v3 =	vadd.s32 v1, v3;
	_ =	sdelay $0x1  }
0x13e: {  	s19 =	simm.s32 $0x3900  }
0x13f: {  	[tilespmem:s19], [sflag:$0x1] =	stream.indirect_vreg.gather [hbm4b:s2+s3], $0x80, v4, vm0, $0xb8;
	[tilespmem:$0x15900] =	vst v63  }
0x140: {  	s22 =	simm.s32 $0x4100  }
0x141: {  	[tilespmem:s22], [sflag:$0x1] =	stream.indirect_vreg.gather [hbm4b:s2+s3], $0x80, v3, vm0, $0xb8;
	[tilespmem:$0x15900] =	vst v63  }
0x142: {  	v3 =	vld [tilespmem:s7+$0xFFFFFF00];
	_ =	sdelay $0x4  }
0x143: {  	v47 =	vperm.xlane v3, v0;
	_ =	sdelay $0x1  }
0x144: {  	v3 =	vperm.xlane v3, v2;
	v4 =	vadd.s32 v1, v47;
	_ =	sdelay $0x1  }
0x145: {  	v3 =	vadd.s32 v1, v3;
	_ =	sdelay $0x1  }
0x146: {  	s23 =	simm.s32 $0x4900  }
0x147: {  	[tilespmem:s23], [sflag:$0x1] =	stream.indirect_vreg.gather [hbm4b:s2+s3], $0x80, v4, vm0, $0xb8;
	[tilespmem:$0x15900] =	vst v63  }
0x148: {  	s19 =	simm.s32 $0x5100  }
0x149: {  	[tilespmem:s19], [sflag:$0x1] =	stream.indirect_vreg.gather [hbm4b:s2+s3], $0x80, v3, vm0, $0xb8;
	[tilespmem:$0x15900] =	vst v63  }
0x14a: {  	s22 =	sadd.s32 $0xFFFFF000, s4;
	s23 =	simm.s32 $0x1D00  }
0x14b: {  	[tilespmem:s23], [sflag:$0x6] =	stream.linear.gather [hbm4b:s22+s3], $0x400, $0x38;
	[tilespmem:$0x15900] =	vst v63  }
0x14c: {  	s22 =	sadd.s32 $0xFFFFF080, s4;
	s23 =	simm.s32 $0x2500  }
0x14d: {  	[tilespmem:s23], [sflag:$0x6] =	stream.linear.gather [hbm4b:s22+s3], $0x400, $0x38;
	[tilespmem:$0x15900] =	vst v63  }
0x14e: {  	s22 =	sadd.s32 $0xFFFFF100, s4;
	s23 =	simm.s32 $0x2D00  }
0x14f: {  	[tilespmem:s23], [sflag:$0x6] =	stream.linear.gather [hbm4b:s22+s3], $0x400, $0x38;
	[tilespmem:$0x15900] =	vst v63  }
0x150: {  	s22 =	sadd.s32 $0xFFFFF180, s4;
	s23 =	simm.s32 $0x3500  }
0x151: {  	[tilespmem:s23], [sflag:$0x6] =	stream.linear.gather [hbm4b:s22+s3], $0x400, $0x38;
	[tilespmem:$0x15900] =	vst v63  }
0x152: {  	s17 =	sadd.s32 $0xFFFFF200, s4  }
0x153: {  	[tilespmem:s21], [sflag:$0x6] =	stream.linear.gather [hbm4b:s17+s3], $0x400, $0x38;
	[tilespmem:$0x15900] =	vst v63  }
0x154: {  	s22 =	sadd.s32 $0xFFFFF280, s4;
	s23 =	simm.s32 $0x4500  }
0x155: {  	[tilespmem:s23], [sflag:$0x6] =	stream.linear.gather [hbm4b:s22+s3], $0x400, $0x38;
	[tilespmem:$0x15900] =	vst v63  }
0x156: {  	s22 =	sadd.s32 $0xFFFFF300, s4;
	s23 =	simm.s32 $0x4D00  }
0x157: {  	[tilespmem:s23], [sflag:$0x6] =	stream.linear.gather [hbm4b:s22+s3], $0x400, $0x38;
	[tilespmem:$0x15900] =	vst v63  }
0x158: {  	s22 =	sadd.s32 $0xFFFFF380, s4;
	s23 =	simm.s32 $0x5500  }
0x159: {  	[tilespmem:s23], [sflag:$0x6] =	stream.linear.gather [hbm4b:s22+s3], $0x400, $0x38;
	[tilespmem:$0x15900] =	vst v63  }
0x15a: {  	_ =	swait.ge [sflag:s29], $0x2000  }
0x15b: {  	[sflag:s29] =	ssyncset.done $0x0  }
0x15c: {  	[sflag:s29] =	ssyncadd.s32 $0xFFFFE000  }
0x15d: {  	_ =	swait.ge [sflag:s30], $0x2000  }
0x15e: {  	[sflag:s30] =	ssyncset.done $0x0  }
0x15f: {  	s17 =	sadd.s32 $0x1800, s11;
	s22 =	simm.s32 $0xD900;
	[sflag:s30] =	ssyncadd.s32 $0xFFFFE000  }
0x160: {  	[hbm4b:s17+s3] =	stream.linear.scatter [tilespmem:s22], [sflag:$0xE], $0x4000, $0x38;
	[tilespmem:$0x15900] =	vst v63  }
0x161: {  	_ =	swait.ge [sflag:s5], $0x4000  }
0x162: {  	[sflag:s5] =	ssyncset.done $0x0  }
0x163: {  	[sflag:s5] =	ssyncadd.s32 $0xFFFFC000  }
0x164: {  	v3 =	vld [tilespmem:s7+$0xFFFFFF10];
	_ =	sdelay $0x4  }
0x165: {  	v48 =	vperm.xlane v3, v0;
	_ =	sdelay $0x1  }
0x166: {  	v3 =	vperm.xlane v3, v2;
	v4 =	vadd.s32 v1, v48;
	_ =	sdelay $0x1  }
0x167: {  	v3 =	vadd.s32 v1, v3;
	_ =	sdelay $0x2  }
0x168: {  	[tilespmem:s18], [sflag:$0x2] =	stream.indirect_vreg.gather [hbm4b:s2+s3], $0x80, v4, vm0, $0xb8;
	[tilespmem:$0x15900] =	vst v63  }
0x169: {  	s23 =	simm.s32 $0x6100  }
0x16a: {  	[tilespmem:s23], [sflag:$0x2] =	stream.indirect_vreg.gather [hbm4b:s2+s3], $0x80, v3, vm0, $0xb8;
	[tilespmem:$0x15900] =	vst v63  }
0x16b: {  	v3 =	vld [tilespmem:s7+$0xFFFFFF20];
	_ =	sdelay $0x4  }
0x16c: {  	v49 =	vperm.xlane v3, v0;
	_ =	sdelay $0x1  }
0x16d: {  	v3 =	vperm.xlane v3, v2;
	v4 =	vadd.s32 v1, v49;
	_ =	sdelay $0x1  }
0x16e: {  	v3 =	vadd.s32 v1, v3;
	_ =	sdelay $0x1  }
0x16f: {  	s19 =	simm.s32 $0x6900  }
0x170: {  	[tilespmem:s19], [sflag:$0x2] =	stream.indirect_vreg.gather [hbm4b:s2+s3], $0x80, v4, vm0, $0xb8;
	[tilespmem:$0x15900] =	vst v63  }
0x171: {  	s23 =	simm.s32 $0x7100  }
0x172: {  	[tilespmem:s23], [sflag:$0x2] =	stream.indirect_vreg.gather [hbm4b:s2+s3], $0x80, v3, vm0, $0xb8;
	[tilespmem:$0x15900] =	vst v63  }
0x173: {  	v3 =	vld [tilespmem:s7+$0xFFFFFF30];
	_ =	sdelay $0x4  }
0x174: {  	v50 =	vperm.xlane v3, v0;
	_ =	sdelay $0x1  }
0x175: {  	v3 =	vperm.xlane v3, v2;
	v4 =	vadd.s32 v1, v50;
	_ =	sdelay $0x1  }
0x176: {  	v3 =	vadd.s32 v1, v3;
	_ =	sdelay $0x1  }
0x177: {  	s19 =	simm.s32 $0x7900  }
0x178: {  	[tilespmem:s19], [sflag:$0x2] =	stream.indirect_vreg.gather [hbm4b:s2+s3], $0x80, v4, vm0, $0xb8;
	[tilespmem:$0x15900] =	vst v63  }
0x179: {  	s23 =	simm.s32 $0x8100  }
0x17a: {  	[tilespmem:s23], [sflag:$0x2] =	stream.indirect_vreg.gather [hbm4b:s2+s3], $0x80, v3, vm0, $0xb8;
	[tilespmem:$0x15900] =	vst v63  }
0x17b: {  	v3 =	vld [tilespmem:s7+$0xFFFFFF40];
	_ =	sdelay $0x4  }
0x17c: {  	v51 =	vperm.xlane v3, v0;
	_ =	sdelay $0x1  }
0x17d: {  	v3 =	vperm.xlane v3, v2;
	v4 =	vadd.s32 v1, v51;
	_ =	sdelay $0x1  }
0x17e: {  	v3 =	vadd.s32 v1, v3;
	_ =	sdelay $0x1  }
0x17f: {  	s19 =	simm.s32 $0x8900  }
0x180: {  	[tilespmem:s19], [sflag:$0x2] =	stream.indirect_vreg.gather [hbm4b:s2+s3], $0x80, v4, vm0, $0xb8;
	[tilespmem:$0x15900] =	vst v63  }
0x181: {  	s23 =	simm.s32 $0x9100  }
0x182: {  	[tilespmem:s23], [sflag:$0x2] =	stream.indirect_vreg.gather [hbm4b:s2+s3], $0x80, v3, vm0, $0xb8;
	[tilespmem:$0x15900] =	vst v63  }
0x183: {  	s17 =	sadd.s32 $0xFFFFF400, s4;
	s23 =	simm.s32 $0x5D00  }
0x184: {  	[tilespmem:s23], [sflag:$0x7] =	stream.linear.gather [hbm4b:s17+s3], $0x400, $0x38;
	[tilespmem:$0x15900] =	vst v63  }
0x185: {  	s17 =	sadd.s32 $0xFFFFF480, s4;
	s23 =	simm.s32 $0x6500  }
0x186: {  	[tilespmem:s23], [sflag:$0x7] =	stream.linear.gather [hbm4b:s17+s3], $0x400, $0x38;
	[tilespmem:$0x15900] =	vst v63  }
0x187: {  	s17 =	sadd.s32 $0xFFFFF500, s4;
	s23 =	simm.s32 $0x6D00  }
0x188: {  	[tilespmem:s23], [sflag:$0x7] =	stream.linear.gather [hbm4b:s17+s3], $0x400, $0x38;
	[tilespmem:$0x15900] =	vst v63  }
0x189: {  	s17 =	sadd.s32 $0xFFFFF580, s4;
	s23 =	simm.s32 $0x7500  }
0x18a: {  	[tilespmem:s23], [sflag:$0x7] =	stream.linear.gather [hbm4b:s17+s3], $0x400, $0x38;
	[tilespmem:$0x15900] =	vst v63  }
0x18b: {  	s17 =	sadd.s32 $0xFFFFF600, s4;
	s23 =	simm.s32 $0x7D00  }
0x18c: {  	[tilespmem:s23], [sflag:$0x7] =	stream.linear.gather [hbm4b:s17+s3], $0x400, $0x38;
	[tilespmem:$0x15900] =	vst v63  }
0x18d: {  	s17 =	sadd.s32 $0xFFFFF680, s4;
	s23 =	simm.s32 $0x8500  }
0x18e: {  	[tilespmem:s23], [sflag:$0x7] =	stream.linear.gather [hbm4b:s17+s3], $0x400, $0x38;
	[tilespmem:$0x15900] =	vst v63  }
0x18f: {  	s17 =	sadd.s32 $0xFFFFF700, s4;
	s23 =	simm.s32 $0x8D00  }
0x190: {  	[tilespmem:s23], [sflag:$0x7] =	stream.linear.gather [hbm4b:s17+s3], $0x400, $0x38;
	[tilespmem:$0x15900] =	vst v63  }
0x191: {  	s17 =	sadd.s32 $0xFFFFF780, s4;
	s23 =	simm.s32 $0x9500  }
0x192: {  	[tilespmem:s23], [sflag:$0x7] =	stream.linear.gather [hbm4b:s17+s3], $0x400, $0x38;
	[tilespmem:$0x15900] =	vst v63  }
0x193: {  	_ =	swait.ge [sflag:s10], $0x2000  }
0x194: {  	[sflag:s10] =	ssyncset.done $0x0  }
0x195: {  	[sflag:s10] =	ssyncadd.s32 $0xFFFFE000  }
0x196: {  	_ =	swait.ge [sflag:s12], $0x2000  }
0x197: {  	[sflag:s12] =	ssyncset.done $0x0  }
0x198: {  	s23 =	sadd.s32 $0x2000, s11;
	s17 =	simm.s32 $0x11900;
	[sflag:s12] =	ssyncadd.s32 $0xFFFFE000  }
0x199: {  	[hbm4b:s23+s3] =	stream.linear.scatter [tilespmem:s17], [sflag:$0xF], $0x4000, $0x38;
	[tilespmem:$0x15900] =	vst v63  }
0x19a: {  	_ =	swait.ge [sflag:s13], $0x4000  }
0x19b: {  	[sflag:s13] =	ssyncset.done $0x0  }
0x19c: {  	[sflag:s13] =	ssyncadd.s32 $0xFFFFC000  }
0x19d: {  	v3 =	vld [tilespmem:s7+$0xFFFFFF50];
	_ =	sdelay $0x4  }
0x19e: {  	v52 =	vperm.xlane v3, v0;
	_ =	sdelay $0x1  }
0x19f: {  	v3 =	vperm.xlane v3, v2;
	v4 =	vadd.s32 v1, v52;
	_ =	sdelay $0x1  }
0x1a0: {  	v3 =	vadd.s32 v1, v3;
	_ =	sdelay $0x2  }
0x1a1: {  	[tilespmem:s24], [sflag:$0x3] =	stream.indirect_vreg.gather [hbm4b:s2+s3], $0x80, v4, vm0, $0xb8;
	[tilespmem:$0x15900] =	vst v63  }
0x1a2: {  	s24 =	simm.s32 $0xA100  }
0x1a3: {  	[tilespmem:s24], [sflag:$0x3] =	stream.indirect_vreg.gather [hbm4b:s2+s3], $0x80, v3, vm0, $0xb8;
	[tilespmem:$0x15900] =	vst v63  }
0x1a4: {  	v3 =	vld [tilespmem:s7+$0xFFFFFF60];
	_ =	sdelay $0x4  }
0x1a5: {  	v53 =	vperm.xlane v3, v0;
	_ =	sdelay $0x1  }
0x1a6: {  	v3 =	vperm.xlane v3, v2;
	v4 =	vadd.s32 v1, v53;
	_ =	sdelay $0x1  }
0x1a7: {  	v3 =	vadd.s32 v1, v3;
	_ =	sdelay $0x1  }
0x1a8: {  	s24 =	simm.s32 $0xA900  }
0x1a9: {  	[tilespmem:s24], [sflag:$0x3] =	stream.indirect_vreg.gather [hbm4b:s2+s3], $0x80, v4, vm0, $0xb8;
	[tilespmem:$0x15900] =	vst v63  }
0x1aa: {  	s24 =	simm.s32 $0xB100  }
0x1ab: {  	[tilespmem:s24], [sflag:$0x3] =	stream.indirect_vreg.gather [hbm4b:s2+s3], $0x80, v3, vm0, $0xb8;
	[tilespmem:$0x15900] =	vst v63  }
0x1ac: {  	v3 =	vld [tilespmem:s7+$0xFFFFFF70];
	_ =	sdelay $0x4  }
0x1ad: {  	v54 =	vperm.xlane v3, v0;
	_ =	sdelay $0x1  }
0x1ae: {  	v3 =	vperm.xlane v3, v2;
	v4 =	vadd.s32 v1, v54;
	_ =	sdelay $0x1  }
0x1af: {  	v3 =	vadd.s32 v1, v3;
	_ =	sdelay $0x1  }
0x1b0: {  	s24 =	simm.s32 $0xB900  }
0x1b1: {  	[tilespmem:s24], [sflag:$0x3] =	stream.indirect_vreg.gather [hbm4b:s2+s3], $0x80, v4, vm0, $0xb8;
	[tilespmem:$0x15900] =	vst v63  }
0x1b2: {  	s24 =	simm.s32 $0xC100  }
0x1b3: {  	[tilespmem:s24], [sflag:$0x3] =	stream.indirect_vreg.gather [hbm4b:s2+s3], $0x80, v3, vm0, $0xb8;
	[tilespmem:$0x15900] =	vst v63  }
0x1b4: {  	v3 =	vld [tilespmem:s7+$0xFFFFFF80];
	_ =	sdelay $0x4  }
0x1b5: {  	v55 =	vperm.xlane v3, v0;
	_ =	sdelay $0x1  }
0x1b6: {  	v3 =	vperm.xlane v3, v2;
	v4 =	vadd.s32 v1, v55;
	_ =	sdelay $0x1  }
0x1b7: {  	v3 =	vadd.s32 v1, v3;
	_ =	sdelay $0x1  }
0x1b8: {  	s24 =	simm.s32 $0xC900  }
0x1b9: {  	[tilespmem:s24], [sflag:$0x3] =	stream.indirect_vreg.gather [hbm4b:s2+s3], $0x80, v4, vm0, $0xb8;
	[tilespmem:$0x15900] =	vst v63  }
0x1ba: {  	s24 =	simm.s32 $0xD100  }
0x1bb: {  	[tilespmem:s24], [sflag:$0x3] =	stream.indirect_vreg.gather [hbm4b:s2+s3], $0x80, v3, vm0, $0xb8;
	[tilespmem:$0x15900] =	vst v63  }
0x1bc: {  	s19 =	sadd.s32 $0xFFFFF800, s4;
	s24 =	simm.s32 $0x9D00  }
0x1bd: {  	[tilespmem:s24], [sflag:$0x8] =	stream.linear.gather [hbm4b:s19+s3], $0x400, $0x38;
	[tilespmem:$0x15900] =	vst v63  }
0x1be: {  	s19 =	sadd.s32 $0xFFFFF880, s4;
	s24 =	simm.s32 $0xA500  }
0x1bf: {  	[tilespmem:s24], [sflag:$0x8] =	stream.linear.gather [hbm4b:s19+s3], $0x400, $0x38;
	[tilespmem:$0x15900] =	vst v63  }
0x1c0: {  	s19 =	sadd.s32 $0xFFFFF900, s4;
	s24 =	simm.s32 $0xAD00  }
0x1c1: {  	[tilespmem:s24], [sflag:$0x8] =	stream.linear.gather [hbm4b:s19+s3], $0x400, $0x38;
	[tilespmem:$0x15900] =	vst v63  }
0x1c2: {  	s19 =	sadd.s32 $0xFFFFF980, s4;
	s24 =	simm.s32 $0xB500  }
0x1c3: {  	[tilespmem:s24], [sflag:$0x8] =	stream.linear.gather [hbm4b:s19+s3], $0x400, $0x38;
	[tilespmem:$0x15900] =	vst v63  }
0x1c4: {  	s19 =	sadd.s32 $0xFFFFFA00, s4;
	s24 =	simm.s32 $0xBD00  }
0x1c5: {  	[tilespmem:s24], [sflag:$0x8] =	stream.linear.gather [hbm4b:s19+s3], $0x400, $0x38;
	[tilespmem:$0x15900] =	vst v63  }
0x1c6: {  	s19 =	sadd.s32 $0xFFFFFA80, s4;
	s24 =	simm.s32 $0xC500  }
0x1c7: {  	[tilespmem:s24], [sflag:$0x8] =	stream.linear.gather [hbm4b:s19+s3], $0x400, $0x38;
	[tilespmem:$0x15900] =	vst v63  }
0x1c8: {  	s19 =	sadd.s32 $0xFFFFFB00, s4;
	s24 =	simm.s32 $0xCD00  }
0x1c9: {  	[tilespmem:s24], [sflag:$0x8] =	stream.linear.gather [hbm4b:s19+s3], $0x400, $0x38;
	[tilespmem:$0x15900] =	vst v63  }
0x1ca: {  	s19 =	sadd.s32 $0xFFFFFB80, s4;
	s24 =	simm.s32 $0xD500  }
0x1cb: {  	[tilespmem:s24], [sflag:$0x8] =	stream.linear.gather [hbm4b:s19+s3], $0x400, $0x38;
	[tilespmem:$0x15900] =	vst v63  }
0x1cc: {  	_ =	swait.ge [sflag:s15], $0x2000  }
0x1cd: {  	[sflag:s15] =	ssyncset.done $0x0  }
0x1ce: {  	[sflag:s15] =	ssyncadd.s32 $0xFFFFE000  }
0x1cf: {  	_ =	swait.ge [sflag:s16], $0x2000  }
0x1d0: {  	[sflag:s16] =	ssyncset.done $0x0  }
0x1d1: {  	s24 =	sadd.s32 $0x2800, s11;
	[sflag:s16] =	ssyncadd.s32 $0xFFFFE000  }
0x1d2: {  	[hbm4b:s24+s3] =	stream.linear.scatter [tilespmem:s8], [sflag:$0xB], $0x4000, $0x38;
	[tilespmem:$0x15900] =	vst v63  }
0x1d3: {  	_ =	swait.ge [sflag:s14], $0x4000  }
0x1d4: {  	[sflag:s14] =	ssyncset.done $0x0  }
0x1d5: {  	[sflag:s14] =	ssyncadd.s32 $0xFFFFC000  }
0x1d6: {  	v3 =	vld [tilespmem:s7+$0xFFFFFF90];
	_ =	sdelay $0x4  }
0x1d7: {  	v56 =	vperm.xlane v3, v0;
	_ =	sdelay $0x1  }
0x1d8: {  	v3 =	vperm.xlane v3, v2;
	v4 =	vadd.s32 v1, v56;
	_ =	sdelay $0x1  }
0x1d9: {  	v3 =	vadd.s32 v1, v3;
	_ =	sdelay $0x2  }
0x1da: {  	[tilespmem:s22], [sflag:$0x4] =	stream.indirect_vreg.gather [hbm4b:s2+s3], $0x80, v4, vm0, $0xb8;
	[tilespmem:$0x15900] =	vst v63  }
0x1db: {  	s22 =	simm.s32 $0xE100  }
0x1dc: {  	[tilespmem:s22], [sflag:$0x4] =	stream.indirect_vreg.gather [hbm4b:s2+s3], $0x80, v3, vm0, $0xb8;
	[tilespmem:$0x15900] =	vst v63  }
0x1dd: {  	v3 =	vld [tilespmem:s7+$0xFFFFFFA0];
	_ =	sdelay $0x4  }
0x1de: {  	v57 =	vperm.xlane v3, v0;
	_ =	sdelay $0x1  }
0x1df: {  	v3 =	vperm.xlane v3, v2;
	v4 =	vadd.s32 v1, v57;
	_ =	sdelay $0x1  }
0x1e0: {  	v3 =	vadd.s32 v1, v3;
	_ =	sdelay $0x1  }
0x1e1: {  	s22 =	simm.s32 $0xE900  }
0x1e2: {  	[tilespmem:s22], [sflag:$0x4] =	stream.indirect_vreg.gather [hbm4b:s2+s3], $0x80, v4, vm0, $0xb8;
	[tilespmem:$0x15900] =	vst v63  }
0x1e3: {  	s22 =	simm.s32 $0xF100  }
0x1e4: {  	[tilespmem:s22], [sflag:$0x4] =	stream.indirect_vreg.gather [hbm4b:s2+s3], $0x80, v3, vm0, $0xb8;
	[tilespmem:$0x15900] =	vst v63  }
0x1e5: {  	v3 =	vld [tilespmem:s7+$0xFFFFFFB0];
	_ =	sdelay $0x4  }
0x1e6: {  	v58 =	vperm.xlane v3, v0;
	_ =	sdelay $0x1  }
0x1e7: {  	v3 =	vperm.xlane v3, v2;
	v4 =	vadd.s32 v1, v58;
	_ =	sdelay $0x1  }
0x1e8: {  	v3 =	vadd.s32 v1, v3;
	_ =	sdelay $0x1  }
0x1e9: {  	s22 =	simm.s32 $0xF900  }
0x1ea: {  	[tilespmem:s22], [sflag:$0x4] =	stream.indirect_vreg.gather [hbm4b:s2+s3], $0x80, v4, vm0, $0xb8;
	[tilespmem:$0x15900] =	vst v63  }
0x1eb: {  	s22 =	simm.s32 $0x10100  }
0x1ec: {  	[tilespmem:s22], [sflag:$0x4] =	stream.indirect_vreg.gather [hbm4b:s2+s3], $0x80, v3, vm0, $0xb8;
	[tilespmem:$0x15900] =	vst v63  }
0x1ed: {  	v3 =	vld [tilespmem:s7+$0xFFFFFFC0];
	_ =	sdelay $0x4  }
0x1ee: {  	v59 =	vperm.xlane v3, v0;
	_ =	sdelay $0x1  }
0x1ef: {  	v3 =	vperm.xlane v3, v2;
	v4 =	vadd.s32 v1, v59;
	_ =	sdelay $0x1  }
0x1f0: {  	v3 =	vadd.s32 v1, v3;
	_ =	sdelay $0x1  }
0x1f1: {  	s22 =	simm.s32 $0x10900  }
0x1f2: {  	[tilespmem:s22], [sflag:$0x4] =	stream.indirect_vreg.gather [hbm4b:s2+s3], $0x80, v4, vm0, $0xb8;
	[tilespmem:$0x15900] =	vst v63  }
0x1f3: {  	s22 =	simm.s32 $0x11100  }
0x1f4: {  	[tilespmem:s22], [sflag:$0x4] =	stream.indirect_vreg.gather [hbm4b:s2+s3], $0x80, v3, vm0, $0xb8;
	[tilespmem:$0x15900] =	vst v63  }
0x1f5: {  	s19 =	sadd.s32 $0xFFFFFC00, s4;
	s22 =	simm.s32 $0xDD00  }
0x1f6: {  	[tilespmem:s22], [sflag:$0x9] =	stream.linear.gather [hbm4b:s19+s3], $0x400, $0x38;
	[tilespmem:$0x15900] =	vst v63  }
0x1f7: {  	s19 =	sadd.s32 $0xFFFFFC80, s4;
	s22 =	simm.s32 $0xE500  }
0x1f8: {  	[tilespmem:s22], [sflag:$0x9] =	stream.linear.gather [hbm4b:s19+s3], $0x400, $0x38;
	[tilespmem:$0x15900] =	vst v63  }
0x1f9: {  	s19 =	sadd.s32 $0xFFFFFD00, s4;
	s22 =	simm.s32 $0xED00  }
0x1fa: {  	[tilespmem:s22], [sflag:$0x9] =	stream.linear.gather [hbm4b:s19+s3], $0x400, $0x38;
	[tilespmem:$0x15900] =	vst v63  }
0x1fb: {  	s19 =	sadd.s32 $0xFFFFFD80, s4;
	s22 =	simm.s32 $0xF500  }
0x1fc: {  	[tilespmem:s22], [sflag:$0x9] =	stream.linear.gather [hbm4b:s19+s3], $0x400, $0x38;
	[tilespmem:$0x15900] =	vst v63  }
0x1fd: {  	s19 =	sadd.s32 $0xFFFFFE00, s4;
	s22 =	simm.s32 $0xFD00  }
0x1fe: {  	[tilespmem:s22], [sflag:$0x9] =	stream.linear.gather [hbm4b:s19+s3], $0x400, $0x38;
	[tilespmem:$0x15900] =	vst v63  }
0x1ff: {  	s19 =	sadd.s32 $0xFFFFFE80, s4;
	s22 =	simm.s32 $0x10500  }
0x200: {  	[tilespmem:s22], [sflag:$0x9] =	stream.linear.gather [hbm4b:s19+s3], $0x400, $0x38;
	[tilespmem:$0x15900] =	vst v63  }
0x201: {  	s19 =	sadd.s32 $0xFFFFFF00, s4;
	s22 =	simm.s32 $0x10D00  }
0x202: {  	[tilespmem:s22], [sflag:$0x9] =	stream.linear.gather [hbm4b:s19+s3], $0x400, $0x38;
	[tilespmem:$0x15900] =	vst v63  }
0x203: {  	s19 =	sadd.s32 $0xFFFFFF80, s4;
	s22 =	simm.s32 $0x11500  }
0x204: {  	[tilespmem:s22], [sflag:$0x9] =	stream.linear.gather [hbm4b:s19+s3], $0x400, $0x38;
	[tilespmem:$0x15900] =	vst v63  }
0x205: {  	_ =	swait.ge [sflag:s31], $0x2000  }
0x206: {  	[sflag:s31] =	ssyncset.done $0x0  }
0x207: {  	[sflag:s31] =	ssyncadd.s32 $0xFFFFE000  }
0x208: {  	_ =	swait.ge [sflag:s1], $0x2000  }
0x209: {  	[sflag:s1] =	ssyncset.done $0x0  }
0x20a: {  	s11 =	sadd.s32 $0x3000, s11;
	[sflag:s1] =	ssyncadd.s32 $0xFFFFE000  }
0x20b: {  	[hbm4b:s11+s3] =	stream.linear.scatter [tilespmem:s18], [sflag:$0xC], $0x4000, $0x38;
	[tilespmem:$0x15900] =	vst v63  }
0x20c: {  	_ =	swait.ge [sflag:s6], $0x4000  }
0x20d: {  	[sflag:s6] =	ssyncset.done $0x0  }
0x20e: {  	[sflag:s6] =	ssyncadd.s32 $0xFFFFC000  }
0x20f: {  	v3 =	vld [tilespmem:s7+$0xFFFFFFD0];
	_ =	sdelay $0x4  }
0x210: {  	v60 =	vperm.xlane v3, v0;
	_ =	sdelay $0x1  }
0x211: {  	v3 =	vperm.xlane v3, v2;
	v4 =	vadd.s32 v1, v60;
	_ =	sdelay $0x1  }
0x212: {  	v3 =	vadd.s32 v1, v3;
	_ =	sdelay $0x2  }
0x213: {  	[tilespmem:s17], [sflag:$0x5] =	stream.indirect_vreg.gather [hbm4b:s2+s3], $0x80, v4, vm0, $0xb8;
	[tilespmem:$0x15900] =	vst v63  }
0x214: {  	s17 =	simm.s32 $0x12100  }
0x215: {  	[tilespmem:s17], [sflag:$0x5] =	stream.indirect_vreg.gather [hbm4b:s2+s3], $0x80, v3, vm0, $0xb8;
	[tilespmem:$0x15900] =	vst v63  }
0x216: {  	v3 =	vld [tilespmem:s7+$0xFFFFFFE0];
	_ =	sdelay $0x4  }
0x217: {  	v61 =	vperm.xlane v3, v0;
	_ =	sdelay $0x1  }
0x218: {  	v3 =	vperm.xlane v3, v2;
	v4 =	vadd.s32 v1, v61;
	_ =	sdelay $0x1  }
0x219: {  	v3 =	vadd.s32 v1, v3;
	_ =	sdelay $0x1  }
0x21a: {  	s19 =	simm.s32 $0x12900  }
0x21b: {  	[tilespmem:s19], [sflag:$0x5] =	stream.indirect_vreg.gather [hbm4b:s2+s3], $0x80, v4, vm0, $0xb8;
	[tilespmem:$0x15900] =	vst v63  }
0x21c: {  	s17 =	simm.s32 $0x13100  }
0x21d: {  	[tilespmem:s17], [sflag:$0x5] =	stream.indirect_vreg.gather [hbm4b:s2+s3], $0x80, v3, vm0, $0xb8;
	[tilespmem:$0x15900] =	vst v63  }
0x21e: {  	v3 =	vld [tilespmem:s7+$0xFFFFFFF0];
	_ =	sdelay $0x4  }
0x21f: {  	v62 =	vperm.xlane v3, v0;
	_ =	sdelay $0x1  }
0x220: {  	v3 =	vperm.xlane v3, v2;
	v4 =	vadd.s32 v1, v62;
	_ =	sdelay $0x1  }
0x221: {  	v3 =	vadd.s32 v1, v3;
	_ =	sdelay $0x1  }
0x222: {  	s19 =	simm.s32 $0x13900  }
0x223: {  	[tilespmem:s19], [sflag:$0x5] =	stream.indirect_vreg.gather [hbm4b:s2+s3], $0x80, v4, vm0, $0xb8;
	[tilespmem:$0x15900] =	vst v63  }
0x224: {  	s17 =	simm.s32 $0x14100  }
0x225: {  	[tilespmem:s17], [sflag:$0x5] =	stream.indirect_vreg.gather [hbm4b:s2+s3], $0x80, v3, vm0, $0xb8;
	[tilespmem:$0x15900] =	vst v63  }
0x226: {  	v3 =	vld [tilespmem:s7+$0x0];
	_ =	sdelay $0x4  }
0x227: {  	v63 =	vperm.xlane v3, v0;
	_ =	sdelay $0x1  }
0x228: {  	v3 =	vperm.xlane v3, v2;
	v4 =	vadd.s32 v1, v63;
	_ =	sdelay $0x1  }
0x229: {  	v3 =	vadd.s32 v1, v3;
	_ =	sdelay $0x1  }
0x22a: {  	s19 =	simm.s32 $0x14900  }
0x22b: {  	[tilespmem:s19], [sflag:$0x5] =	stream.indirect_vreg.gather [hbm4b:s2+s3], $0x80, v4, vm0, $0xb8;
	[tilespmem:$0x15900] =	vst v63  }
0x22c: {  	s17 =	simm.s32 $0x15100  }
0x22d: {  	[tilespmem:s17], [sflag:$0x5] =	stream.indirect_vreg.gather [hbm4b:s2+s3], $0x80, v3, vm0, $0xb8;
	[tilespmem:$0x15900] =	vst v63  }
0x22e: {  	s19 =	simm.s32 $0x11D00  }
0x22f: {  	[tilespmem:s19], [sflag:$0xA] =	stream.linear.gather [hbm4b:s4+s3], $0x400, $0x38;
	[tilespmem:$0x15900] =	vst v63  }
0x230: {  	s17 =	sadd.s32 $0x80, s4;
	s19 =	simm.s32 $0x12500  }
0x231: {  	[tilespmem:s19], [sflag:$0xA] =	stream.linear.gather [hbm4b:s17+s3], $0x400, $0x38;
	[tilespmem:$0x15900] =	vst v63  }
0x232: {  	s17 =	sadd.s32 $0x100, s4;
	s19 =	simm.s32 $0x12D00  }
0x233: {  	[tilespmem:s19], [sflag:$0xA] =	stream.linear.gather [hbm4b:s17+s3], $0x400, $0x38;
	[tilespmem:$0x15900] =	vst v63  }
0x234: {  	s17 =	sadd.s32 $0x180, s4;
	s19 =	simm.s32 $0x13500  }
0x235: {  	[tilespmem:s19], [sflag:$0xA] =	stream.linear.gather [hbm4b:s17+s3], $0x400, $0x38;
	[tilespmem:$0x15900] =	vst v63  }
0x236: {  	s17 =	sadd.s32 $0x200, s4;
	s19 =	simm.s32 $0x13D00  }
0x237: {  	[tilespmem:s19], [sflag:$0xA] =	stream.linear.gather [hbm4b:s17+s3], $0x400, $0x38;
	[tilespmem:$0x15900] =	vst v63  }
0x238: {  	p0 =	sne.s32 s9, $0x2D000;
	s17 =	sadd.s32 $0x280, s4;
	s19 =	simm.s32 $0x14500  }
0x239: {  	[tilespmem:s19], [sflag:$0xA] =	stream.linear.gather [hbm4b:s17+s3], $0x400, $0x38;
	[tilespmem:$0x15900] =	vst v63  }
.Ltmp0:
0x23a: {  	s9 =	sadd.s32 $0x2800, s9;
	s23 =	simm.s32 $0x9900;
	(pc) =	sbr.rel @p0 .LBB2_2-.Ltmp0, $4  }
0x23b: {  	s24 =	simm.s32 $0xD900;
	s22 =	simm.s32 $0x11900;
	s17 =	sadd.s32 $0x300, s4  }
0x23c: {  	[tilespmem:s0], [sflag:$0xA] =	stream.linear.gather [hbm4b:s17+s3], $0x400, $0x38;
	[tilespmem:$0x15900] =	vst v63  }
0x23d: {  	s7 =	sadd.s32 $0x140, s7;
	s19 =	sadd.s32 $0x380, s4;
	s4 =	sadd.s32 $0x1400, s4  }
0x23e: {  	[tilespmem:s20], [sflag:$0xA] =	stream.linear.gather [hbm4b:s19+s3], $0x400, $0x38;
	[tilespmem:$0x15900] =	vst v63  }
0x23f: {  	_ =	swait.ge [sflag:s25], $0x2000  }
0x240: {  	[sflag:s25] =	ssyncset.done $0x0  }
0x241: {  	[sflag:s25] =	ssyncadd.s32 $0xFFFFE000  }
0x242: {  	_ =	swait.ge [sflag:s26], $0x2000  }
0x243: {  	[sflag:s26] =	ssyncset.done $0x0  }
0x244: {  	s4 =	rddreg [dreg:$0xd];
	[sflag:s26] =	ssyncadd.s32 $0xFFFFE000  }
0x245: {  	[hbm4b:s4+s3] =	stream.linear.scatter [tilespmem:s23], [sflag:$0xD], $0x4000, $0x38;
	[tilespmem:$0x15900] =	vst v63  }
0x246: {  	_ =	swait.ge [sflag:s28], $0x4000  }
0x247: {  	[sflag:s28] =	ssyncset.done $0x0  }
0x248: {  	[sflag:s28] =	ssyncadd.s32 $0xFFFFC000  }
0x249: {  	_ =	swait.ge [sflag:s29], $0x2000  }
0x24a: {  	[sflag:s29] =	ssyncset.done $0x0  }
0x24b: {  	[sflag:s29] =	ssyncadd.s32 $0xFFFFE000  }
0x24c: {  	_ =	swait.ge [sflag:s30], $0x2000  }
0x24d: {  	[sflag:s30] =	ssyncset.done $0x0  }
0x24e: {  	s19 =	rddreg [dreg:$0xe];
	[sflag:s30] =	ssyncadd.s32 $0xFFFFE000  }
0x24f: {  	[hbm4b:s19+s3] =	stream.linear.scatter [tilespmem:s24], [sflag:$0xE], $0x4000, $0x38;
	[tilespmem:$0x15900] =	vst v63  }
0x250: {  	_ =	swait.ge [sflag:s5], $0x4000  }
0x251: {  	[sflag:s5] =	ssyncset.done $0x0  }
0x252: {  	[sflag:s5] =	ssyncadd.s32 $0xFFFFC000  }
0x253: {  	_ =	swait.ge [sflag:s10], $0x2000  }
0x254: {  	[sflag:s10] =	ssyncset.done $0x0  }
0x255: {  	[sflag:s10] =	ssyncadd.s32 $0xFFFFE000  }
0x256: {  	_ =	swait.ge [sflag:s12], $0x2000  }
0x257: {  	[sflag:s12] =	ssyncset.done $0x0  }
0x258: {  	s20 =	rddreg [dreg:$0xf];
	[sflag:s12] =	ssyncadd.s32 $0xFFFFE000  }
0x259: {  	[hbm4b:s20+s3] =	stream.linear.scatter [tilespmem:s22], [sflag:$0xF], $0x4000, $0x38;
	[tilespmem:$0x15900] =	vst v63  }
0x25a: {  	_ =	swait.ge [sflag:s13], $0x4000  }
0x25b: {  	[sflag:s13] =	ssyncset.done $0x0  }
0x25c: {  	[sflag:s13] =	ssyncadd.s32 $0xFFFFC000  }
0x25d: {  	_ =	swait.ge [sflag:s14], $0x4000  }
0x25e: {  	[sflag:s14] =	ssyncset.done $0x0  }
0x25f: {  	[sflag:s14] =	ssyncadd.s32 $0xFFFFC000  }
0x260: {  	_ =	swait.ge [sflag:s6], $0x4000  }
0x261: {  	s0 =	rddreg [dreg:$0x12]  }
0x262: {  	s21 =	rddreg [dreg:$0x10];
	s0 =	sadd.s32 $0x1, s0  }
0x263: {  	p0 =	sne.s32 s0, s21  }
.Ltmp1:
0x264: {  	s7 =	simm.s32 $0x2100;
	(pc) =	sbr.rel @p0 .LBB2_1-.Ltmp1, $4  }
0x265: {  	s9 =	simm.s32 $0x2900;
	s11 =	simm.s32 $0x3100;
	s18 =	simm.s32 $0x5100  }
0x266: {  	s8 =	simm.s32 $0x1D00;
	s17 =	simm.s32 $0x2500;
	[sflag:s6] =	ssyncset.done $0x0  }
0x267: {  	s19 =	simm.s32 $0x3900;
	s20 =	simm.s32 $0x4100;
	[sflag:s6] =	ssyncadd.s32 $0xFFFFC000  }
0x268: {  	[dreg:$0x12] =	wrdreg s0;
	s21 =	simm.s32 $0x4900;
	s0 =	simm.s32 $0x2D00  }
0x269: {  	_ =	sfence.sel $0x180000  }
0x26a: {  	[bflag:$0x0] =	sbarrier.arrive $0xFFFF  }
0x26b: {  	_ =	strace $0x90000047  }
0x26c: {  	s0 =	stileid.u32;
	[bflag:$0x2] =	sbarrier.arrive $0xFFFF  }
0x26d: {  	p0 =	sne.s32 s0, $0x0;
	s0 =	rddreg [dreg:$0x3]  }
0x26e: {  	s0 =	sadd.s32 @!p0 $0x100000, s0  }
0x26f: {  	[sflag:s0] =	ssyncadd.tile.s32 @!p0 $0x1;
	_ =	shalt  }
.Lfunc_end2:
_tile_overlayer_lowered:
.L_overlay_start_2:
0x270: {  	(tag) =	ssettag $0x2  }
0x271: {  	s0 =	rddreg [dreg:$0x0];
	s2 =	stileid.u32  }
0x272: {  	s1 =	rddreg [dreg:$0x1];
	p0 =	sne.s32 s2, $0x0  }
0x273: {  	s3 =	rddreg [dreg:$0x2];
	[bflag:$0x3] =	sbarrier.arrive $0xFFFF;
	s2 =	simm.s32 @!p0 $0x1C10  }
0x274: {  	[timem:s3], [sflag:s2] =	dma.local @!p0 [hbm:s0], s1  }
0x275: {  	s0 =	simm.s32 @!p0 $0x10  }
0x276: {  	_ =	swait.ge @!p0 [sflag:s0], s1  }
0x277: {  	s1 =	ssub.s32 @!p0 $0x0, s1;
	[sflag:s0] =	ssyncset.done @!p0 $0x0  }
0x278: {  	[sflag:s0] =	ssyncadd.s32 @!p0 s1  }
0x279: {  	[bflag:$0x3] =	sbarrier.arrive $0xFFFF  }
0x27a: {  	_ =	shalt  }

// kernel: sparse-core-data-format-call.cloned.1.call-start
scs
called_computation_lowered:
.L_overlay_start_0:
0x0: {  	s2 =	sld [smem:$0x3FD9]  }
0x1: {  	s3 =	sld [smem:$0x3FFE];
	_ =	sdelay $0x1  }
0x2: {  	s1 =	srdreg.scid  }
0x3: {  	s0 =	sand.u32 $0x1, s1  }
0x4: {  	s18 =	sshll.u32 s0, $0xA;
	s2 =	sadd.s32 s3, s2  }
0x5: {  	s2 =	sadd.s32 s2, s18  }
0x6: {  	[smem:$0x3FC5] =	sst s2  }
0x7: {  	_ = 	snop  }
0x8: {  	s2 =	sld [smem:$0x3FD0];
	(tm) =	ssettm $0x1  }
0x9: {  	s19 =	sld [smem:$0x3FFB];
	_ =	sdelay $0x3  }
0xa: {  	_ =	strace s19  }
0xb: {  	s3 =	sld [smem:$0x3FFC];
	_ =	sdelay $0x3  }
0xc: {  	_ =	strace s3  }
0xd: {  	s3 =	sld [smem:$0x3FFD];
	_ =	sdelay $0x3  }
0xe: {  	_ =	strace s3  }
0xf: {  	_ =	strace $0x8FFFFFFF  }
0x10: {  	s20 =	sld [smem:$0x3FDB];
	_ =	sdelay $0x1  }
0x11: {  	s4 =	simm.s32 $_scs_section_size  }
0x12: {  	s5 =	simm.s32 $_size__tile_overlayer_lowered;
	s6 =	simm.s32 $_tile_overlayer_lowered  }
0x13: {  	s23 =	simm.s32 $0x1BFF;
	s22 =	sshll.u32 s6, $0x1;
	s3 =	sadd.s32 s4, s20  }
0x14: {  	s7 =	simm.s32 $0x0;
	s21 =	sshll.u32 s5, $0x1;
	s5 =	sadd.s32 s22, s3  }
0x15: {  	[timem:s7], [sflag:s23] =	dma.local [hbm:s5], s21  }
0x16: {  	_ =	swait.ge [sflag:s23], s21  }
0x17: {  	s4 =	ssub.s32 $0x0, s21;
	[sflag:s23] =	ssyncset.done $0x0  }
0x18: {  	[sflag:s23] =	ssyncadd.s32 s4;
	_ =	sdelay $0x1  }
0x19: {  	s24 =	simm.s32 $0x1B8B  }
0x1a: {  	_ =	swait.ge [sflag:s24], $0x1  }
0x1b: {  	[sflag:s24] =	ssyncset.done $0x0  }
0x1c: {  	s26 =	simm.s32 $0x1B8E;
	s25 =	sld [smem:$0x3FFE];
	[sflag:s24] =	ssyncadd.s32 $0xFFFFFFFF  }
0x1d: {  	s27 =	simm.s32 $execute0_lowered;
	[smem:$0x3FD2] =	sst s26  }
0x1e: {  	s5 =	sshll.u32 s27, $0x1;
	_ =	strace $0x80000049;
	[dreg:$0x1] =	wrdreg $0xFFFFFFFF  }
0x1f: {  	s28 =	simm.s32 $_size_execute0_lowered;
	s3 =	sadd.s32 s3, s5;
	[dreg:$0x0] =	wrdreg $0x0  }
0x20: {  	s5 =	sshll.u32 s28, $0x1;
	[dreg:$0x2] =	wrdreg s3  }
0x21: {  	[dreg:$0x3] =	wrdreg s5  }
0x22: {  	[dreg:$0x4] =	wrdreg $0xC0  }
0x23: {  	_ =	task [dreg:s7], $0x5FFFF  }
0x24: {  	[dreg:$0x1] =	wrdreg $0xFFFFFFFF  }
0x25: {  	[dreg:$0x0] =	wrdreg $0x60  }
0x26: {  	[dreg:$0x2] =	wrdreg s25  }
0x27: {  	[dreg:$0x3] =	wrdreg s2  }
0x28: {  	[dreg:$0x4] =	wrdreg $0x9  }
0x29: {  	_ =	task.clear_ibuf [dreg:s7], $0x5FFFF;
	_ =	strace $0x90000049  }
0x2a: {  	s29 =	simm.s32 $0x9;
	_ =	strace $0x8000004B  }
0x2b: {  	_ =	swait.ge [sflag:s29], $0x1  }
0x2c: {  	[sflag:s29] =	ssyncadd.s32 $0xFFFFFFFF  }
0x2d: {  	_ =	strace $0x9000004B  }
0x2e: {  	_ =	sfence  }
0x2f: {  	s30 =	sld [smem:$0x0];
	_ =	sdelay $0x2  }
0x30: {  	s31 =	sshll.u32 s1, $0xD;
	s1 =	sshrl.u32 s1, $0x2  }
0x31: {  	s3 =	sand.u32 $0x4000, s31;
	s1 =	sadd.s32 s1, s30  }
0x32: {  	s0 =	sor.u32 s3, s0;
	s1 =	sshll.u32 s1, $0x11  }
0x33: {  	s0 =	sor.u32 s1, s0  }
0x34: {  	s0 =	sadd.s32 $0x8F2B, s0  }
0x35: {  	[sflag:s0] =	ssyncadd.remote.s32 $0x1  }
0x36: {  	_ =	sfence.sel $0xFFFF  }
0x37: {  	[dreg:$0x0] =	wrdreg $0xFFFFFFFF;
	(pc) =	sbr.abs _section_cstart, $3  }
0x38: {  	[dreg:$0x1] =	wrdreg $0xFFFFFFFF  }
0x39: {  	_ =	task.clear_ibuf [dreg:s7], $0x2FFFF;
	_ =	strace $0x9FFFFFFF  }
0x3a: {  	(tm) =	ssettm $0x7FFFFFFF  }
0x3b: {  	_ =	shalt  }
tec
execute0_lowered:
.L_overlay_start_1:
0x0: {  	(tag) =	ssettag $0x1  }
0x1: {  	s4 =	rddreg [dreg:$0x0]  }
0x2: {  	s0 =	stileid.u32;
	s2 =	rddreg [dreg:$0x1]  }
0x3: {  	s1 =	rddreg [dreg:$0x2];
	_ =	strace $0x8000004A;
	s10 =	srdreg.scid  }
0x4: {  	s31 =	simm.s32 $0x2;
	s18 =	simm.s32 $0x0;
	s11 =	simm.s32 $0x2000  }
0x5: {  	s19 =	simm.s32 $0x0;
	s20 =	simm.s32 $0x0;
	s12 =	simm.s32 $0x0  }
0x6: {  	s13 =	simm.s32 $0x0;
	s14 =	simm.s32 $0x0;
	s3 =	sshll.u32 s0, $0x7  }
0x7: {  	s17 =	simm.s32 $0x0;
	s4 =	sadd.s32 $0x6C00, s4;
	s3 =	sand.u32 $0x380, s3  }
0x8: {  	s5 =	sshrl.u32 s0, $0x3;
	s30 =	sshll.u32 s10, $0x7;
	s6 =	ssub.s32 $0x400, s3  }
0x9: {  	s8 =	ssub.s32 $0xC8, s5;
	s7 =	sshrl.u32 s6, $0xA;
	s6 =	sand.u32 $0x380, s6  }
0xa: {  	s9 =	sshrl.u32 s8, $0x1;
	p0 =	sne.s32 s6, $0x0;
	s6 =	simm.s32 $0x1  }
.Ltmp0:
0xb: {  	s8 =	sand.u32 $0x1, s8;
	s6 =	simm.s32 @!p0 $0x0;
	(pc) =	sbr.rel .LBB1_1-.Ltmp0, $4  }
0xc: {  	s15 =	smov.u32 s5;
	s8 =	sadd.s32 s8, s9;
	s7 =	sadd.s32 s6, s7  }
0xd: {  	s16 =	smov.u32 s3;
	s6 =	simm.s32 $0x1;
	s7 =	smul.u32 s8, s7  }
0xe: {  	p0 =	por $0x0, $0x0;
	s8 =	sand.u32 $0x80, s30;
	[sflag:s6] =	ssyncpa.u1 $0x0  }
0xf: {  	[sflag:s31] =	ssyncpa.u1 $0x0;
	s9 =	sshll.u32 s8, $0x3;
	s10 =	sadd.s32 $0x1, s7  }
.LBB1_4:
0x10: {  	s25 =	sshra.s32 s25, $0x2;
	s26 =	sshrl.u32 s14, $0x7;
	p1 =	sgt.s32 s14, $0x380  }
0x11: {  	s27 =	sshra.s32 s14, $0x1F;
	s29 =	smov.u32 s13;
	s31 =	sshra.s32 s13, $0x1F  }
0x12: {  	s24 =	sadd.s32 s25, s24;
	s30 =	sadd.s32 s26, s12;
	s26 =	smov.u32 s14  }
0x13: {  	v5 =	vld [tilespmem:s22+$0xFFFFFFD0];
	[tilespmem:s23+$0x2040 ss:$0x81] =	vst.msk $0xffff, v4;
	s27 =	sand.u32 s27, s14;
	s25 =	sand.u32 $0x3FFFFF, s30;
	s26 =	simm.s32 @!p1 $0x380  }
0x14: {  	v58 =	vld [tilespmem:s22+$0xFFFFFFE0];
	[tilespmem:s23+$0x2850 ss:$0x81] =	vst.msk $0xffff, v3;
	p1 =	sgt.s32 s13, $0xC7;
	s28 =	smulhi.u32 $0x1555556, s25;
	s26 =	ssub.s32 s26, s27  }
0x15: {  	v59 =	vld [tilespmem:s22+$0xFFFFFFF0];
	[tilespmem:s23+$0x3060 ss:$0x81] =	vst.msk $0xffff, v2;
	s29 =	simm.s32 @!p1 $0xC7;
	s27 =	sand.u32 s31, s13;
	p1 =	sgt.s32 s12, $0x40  }
0x16: {  	v60 =	vld [tilespmem:s22+$0x0];
	[tilespmem:s23+$0x0 ss:$0x81] =	vst.msk $0xffff, v1;
	s23 =	ssub.s32 s29, s27;
	s27 =	smov.u32 s12;
	s30 =	sadd.s32 $0xFFFFFC80, s26  }
0x17: {  	v61 =	vld [tilespmem:s22+$0x10];
	[tilespmem:s24+$0x3870 ss:$0x81] =	vst.msk $0xffff, v0;
	s26 =	ssub.s32 $0x400, s26;
	s27 =	simm.s32 @!p1 $0x40;
	p1 =	sgt.s32 s30, $0x7F  }
0x18: {  	v62 =	vld [tilespmem:s22+$0x20];
	s28 =	smul.u32 $0xC0, s28;
	[tilespmem:s24+$0x810 ss:$0x81] =	vst.msk $0xffff, v5;
	s27 =	ssub.s32 $0xC0, s27;
	s26 =	simm.s32 @p1 $0x0  }
0x19: {  	v63 =	vld [tilespmem:s22+$0xFFFFFFC0];
	s29 =	sand.u32 $0x7, s14;
	s31 =	sadd.s32 $0xFFFFFF39, s23;
	[tilespmem:s24+$0x1020 ss:$0x81] =	vst.msk $0xffff, v58;
	s26 =	smul.u32 s27, s26  }
0x1a: {  	s22 =	ssub.s32 $0xC8, s23;
	[tilespmem:s24+$0x1830 ss:$0x81] =	vst.msk $0xffff, v59;
	p1 =	sgt.s32 s31, $0x0;
	s27 =	smul.u32 $0x6000, s13  }
0x1b: {  	[tilespmem:s24+$0x2040 ss:$0x81] =	vst.msk $0xffff, v60;
	s22 =	simm.s32 @p1 $0x0;
	s25 =	ssub.s32 s25, s28;
	s28 =	sshrl.u32 s14, $0x3  }
0x1c: {  	[tilespmem:s24+$0x2850 ss:$0x81] =	vst.msk $0xffff, v61;
	s23 =	sand.u32 $0xF, s28;
	s22 =	smul.u32 s22, s26;
	s26 =	sadd.s32 s2, s27  }
0x1d: {  	[tilespmem:s24+$0x3060 ss:$0x81] =	vst.msk $0xffff, v62;
	s30 =	sshll.u32 s29, $0x12;
	s25 =	sshll.u32 s25, $0x7;
	s23 =	sadd.s32 s23, s26  }
0x1e: {  	[tilespmem:s24+$0x0 ss:$0x81] =	vst.msk $0xffff, v63;
	s31 =	sor.u32 $0x400, s30;
	s22 =	sand.u32 $0x3FFFFFFF, s22;
	s23 =	sadd.s32 s25, s23  }
0x1f: {  	[hbm4b:s23+s31] =	stream.strided.scatter [tilespmem:s21], [sflag:$0x2], s22, s11, s31, $0x20;
	[tilespmem:$0x10100] =	vst v63  }
.LBB1_5:
0x20: {  	p1 =	slt.u32 s17, $0x2;
	s21 =	smov.u32 s19  }
0x21: {  	s22 =	smov.u32 s20;
	p2 =	sgt.s32 @!p1 s19, $0xC7;
	p3 =	sgt.s32 @!p1 s20, $0x380  }
0x22: {  	s23 =	sshra.s32 @!p1 s20, $0x1F;
	p2 =	por !p2, p1;
	p3 =	por !p3, p1  }
0x23: {  	s20 =	sand.u32 @!p1 s23, s20;
	s21 =	simm.s32 @p2 $0xC7;
	s22 =	simm.s32 @p3 $0x380  }
0x24: {  	p2 =	sgt.s32 @!p1 s18, $0x40;
	s20 =	ssub.s32 @!p1 s22, s20;
	s22 =	sshra.s32 @!p1 s19, $0x1F  }
0x25: {  	p2 =	por !p2, p1;
	s19 =	sand.u32 @!p1 s22, s19;
	s22 =	sadd.s32 @!p1 $0xFFFFFC80, s20  }
0x26: {  	s18 =	simm.s32 @p2 $0x40;
	s19 =	ssub.s32 @!p1 s21, s19;
	p2 =	sgt.s32 @!p1 s22, $0x7F  }
0x27: {  	s20 =	ssub.s32 @!p1 $0x400, s20;
	s21 =	sadd.s32 @!p1 $0xFFFFFF39, s19;
	p2 =	por !p2, p1  }
0x28: {  	s18 =	ssub.s32 @!p1 $0xC0, s18;
	s20 =	simm.s32 @!p2 $0x0;
	p2 =	sgt.s32 @!p1 s21, $0x0  }
0x29: {  	s19 =	ssub.s32 @!p1 $0xC8, s19;
	p2 =	por !p2, p1;
	s18 =	smul.u32 @!p1 s18, s20  }
0x2a: {  	s23 =	smov.u32 s16;
	s21 =	sadd.s32 $0x2, s15;
	s19 =	simm.s32 @!p2 $0x0  }
0x2b: {  	p2 =	sgt.s32 s21, $0xC7;
	s18 =	smul.u32 @!p1 s19, s18;
	s19 =	sadd.s32 $0x400, s16  }
0x2c: {  	s25 =	sadd.s32 $0x1, s17;
	s23 =	smov.u32 @p2 s19  }
0x2d: {  	p0 =	por !p0, !p0;
	s21 =	smov.u32 @p2 s5;
	p2 =	sgt.s32 s23, $0x3FF  }
0x2e: {  	s22 =	simm.s32 @!p1 $0x2;
	s23 =	smov.u32 @p2 s3;
	p2 =	sne.s32 s17, s10  }
.Ltmp1:
0x2f: {  	s20 =	smov.u32 s14;
	s14 =	smov.u32 s16;
	(pc) =	sbr.rel @!p2 .LBB1_6-.Ltmp1, $4  }
0x30: {  	s19 =	smov.u32 s13;
	s13 =	smov.u32 s15;
	s18 =	sand.u32 @!p1 $0x3FFFFFFF, s18  }
0x31: {  	s15 =	smov.u32 s21;
	_ =	swait.ge @!p1 [sflag:s22], s18;
	s24 =	ssub.s32 @!p1 $0x0, s18  }
0x32: {  	s18 =	smov.u32 s12;
	s12 =	smov.u32 s8;
	[sflag:s22] =	ssyncset.done @!p1 $0x0  }
0x33: {  	s17 =	smov.u32 s25;
	s16 =	smov.u32 s23;
	[sflag:s22] =	ssyncadd.s32 @!p1 s24  }
.LBB1_1:
0x34: {  	p1 =	sge.u32 s17, s7  }
0x35: {  	s21 =	sshll.u32 @!p1 s15, $0x8  }
0x36: {  	s22 =	sshll.u32 @!p1 s15, $0x7;
	s21 =	sand.u32 @!p1 $0xFFFFF800, s21  }
0x37: {  	s22 =	sand.u32 @!p1 $0x300, s22;
	s21 =	sor.u32 @!p1 s9, s21  }
0x38: {  	s21 =	sor.u32 @!p1 s22, s21  }
0x39: {  	s21 =	sshrl.u32 @!p1 s21, $0x8  }
0x3a: {  	s22 =	smulhi.u32 @!p1 $0x147AE15, s21;
	_ =	sdelay $0x1  }
0x3b: {  	s22 =	smul.u32 @!p1 $0xC8, s22  }
0x3c: {  	s31 =	sadd.s32 $0xFFFFFFFF, s17;
	s23 =	smul.u32 @!p1 $0x1900, s16  }
0x3d: {  	s24 =	sxor.u32 @!p1 $0xFFFFFFFF, s17;
	s21 =	ssub.s32 @!p1 s21, s22;
	s22 =	sshll.u32 @!p1 s15, $0x4  }
0x3e: {  	s24 =	sshll.u32 @!p1 s24, $0xE;
	s23 =	sadd.s32 @!p1 s4, s23;
	s22 =	sand.u32 @!p1 $0x10, s22  }
0x3f: {  	s24 =	sand.u32 @!p1 $0x4000, s24;
	s21 =	sshll.u32 @!p1 s21, $0x5;
	s22 =	sadd.s32 @!p1 s22, s23  }
0x40: {  	s23 =	simm.s32 @!p1 $0xC800;
	s21 =	sadd.s32 @!p1 s21, s22;
	s22 =	simm.s32 @!p1 $0x80  }
0x41: {  	[tilespmem:s24], [sflag:$0x1] =	stream.strided.gather @!p1 [hbm4b:s21+s22], $0x4000, s23, s22, $0x38;
	[tilespmem:$0x10100] =	vst v63  }
0x42: {  	p1 =	sge.u32 s31, s7  }
.Ltmp2:
0x43: {  	_ = 	snop;
	(pc) =	sbr.rel @p1 .LBB1_5-.Ltmp2, $1  }
0x44: {  	_ =	sdelay $0x3  }
0x45: {  	s21 =	simm.s32 $0x1  }
0x46: {  	_ =	swait.ge [sflag:s6], $0x4000;
	s21 =	simm.s32 @!p0 $0x0  }
0x47: {  	[sflag:s6] =	ssyncset.done $0x0;
	s22 =	sshll.u32 s21, $0xE  }
0x48: {  	[sflag:s6] =	ssyncadd.s32 $0xFFFFC000;
	s22 =	sor.u32 $0x40, s22  }
0x49: {  	s21 =	smul.u32 $0x10200, s21;
	v0 =	vld [tilespmem:s22+$0x30]  }
0x4a: {  	v1 =	vld [tilespmem:s22+$0xFFFFFFD0]  }
0x4b: {  	s21 =	sshrl.u32 s21, $0x2;
	v5 =	vld [tilespmem:s22+$0xFFFFFFE0]  }
0x4c: {  	v6 =	vld [tilespmem:s22+$0xFFFFFFF0];
	s24 =	sor.u32 $0x8000, s21  }
0x4d: {  	s31 =	sand.u32 $0x1, s17;
	v4 =	vld [tilespmem:s22+$0x0];
	s23 =	sadd.s32 $0x0, s24  }
0x4e: {  	v3 =	vld [tilespmem:s22+$0x10];
	s21 =	smul.u32 $0x10200, s31;
	[tilespmem:s23+$0x3870 ss:$0x81] =	vst.msk $0xffff, v0  }
0x4f: {  	v2 =	vld [tilespmem:s22+$0x20];
	[tilespmem:s23+$0x810 ss:$0x81] =	vst.msk $0xffff, v1  }
0x50: {  	s21 =	sshrl.u32 s21, $0x2;
	v1 =	vld [tilespmem:s22+$0xFFFFFFC0];
	[tilespmem:s23+$0x1020 ss:$0x81] =	vst.msk $0xffff, v5;
	s22 =	sadd.s32 $0x80, s22  }
0x51: {  	s25 =	simm.s32 $0x4;
	s26 =	simm.s32 $0x8;
	s21 =	sor.u32 $0x8000, s21;
	[tilespmem:s23+$0x1830 ss:$0x81] =	vst.msk $0xffff, v6;
	v0 =	vld [tilespmem:s22+$0x30]  }
.LBB1_3:
0x52: {  	p1 =	sne.s32 s26, $0x1FC;
	v5 =	vld [tilespmem:s22+$0xFFFFFFD0];
	[tilespmem:s23+$0x2040 ss:$0x81] =	vst.msk $0xffff, v4  }
0x53: {  	v6 =	vld [tilespmem:s22+$0xFFFFFFE0];
	[tilespmem:s23+$0x2850 ss:$0x81] =	vst.msk $0xffff, v3  }
0x54: {  	s27 =	sshra.s32 s25, $0x2;
	s25 =	smov.u32 s26;
	v7 =	vld [tilespmem:s22+$0xFFFFFFF0];
	[tilespmem:s23+$0x3060 ss:$0x81] =	vst.msk $0xffff, v2  }
.Ltmp3:
0x55: {  	v4 =	vld [tilespmem:s22+$0x0];
	[tilespmem:s23+$0x0 ss:$0x81] =	vst.msk $0xffff, v1;
	s23 =	sadd.s32 s27, s24;
	(pc) =	sbr.rel @p1 .LBB1_3-.Ltmp3, $4  }
0x56: {  	v3 =	vld [tilespmem:s22+$0x10];
	[tilespmem:s23+$0x3870 ss:$0x81] =	vst.msk $0xffff, v0  }
0x57: {  	[tilespmem:s23+$0x810 ss:$0x81] =	vst.msk $0xffff, v5;
	v2 =	vld [tilespmem:s22+$0x20]  }
0x58: {  	v1 =	vld [tilespmem:s22+$0xFFFFFFC0];
	[tilespmem:s23+$0x1020 ss:$0x81] =	vst.msk $0xffff, v6;
	s22 =	sadd.s32 $0x80, s22  }
0x59: {  	s26 =	sadd.s32 $0x4, s26;
	v0 =	vld [tilespmem:s22+$0x30];
	[tilespmem:s23+$0x1830 ss:$0x81] =	vst.msk $0xffff, v7  }
.Ltmp4:
0x5a: {  	_ = 	snop;
	(pc) =	sbr.rel .LBB1_4-.Ltmp4, $1  }
0x5b: {  	_ =	sdelay $0x3  }
.LBB1_6:
0x5c: {  	_ =	sfence.sel $0x180000  }
0x5d: {  	s2 =	simm.s32 $0x1;
	[bflag:$0x0] =	sbarrier.arrive $0xFFFF  }
0x5e: {  	s31 =	simm.s32 $0x2;
	[sflag:s2] =	ssyncpa.u1 $0x1  }
0x5f: {  	[sflag:s31] =	ssyncpa.u1 $0x1  }
0x60: {  	p0 =	sne.s32 s0, $0x0;
	_ =	strace $0x9000004A  }
0x61: {  	s0 =	sadd.s32 @!p0 $0x100000, s1;
	[bflag:$0x2] =	sbarrier.arrive $0xFFFF  }
0x62: {  	[sflag:s0] =	ssyncadd.tile.s32 @!p0 $0x1;
	_ =	shalt  }
.Lfunc_end1:
_tile_overlayer_lowered:
.L_overlay_start_2:
0x63: {  	(tag) =	ssettag $0x2  }
0x64: {  	s0 =	rddreg [dreg:$0x0];
	s2 =	stileid.u32  }
0x65: {  	s1 =	rddreg [dreg:$0x1];
	p0 =	sne.s32 s2, $0x0  }
0x66: {  	s3 =	rddreg [dreg:$0x2];
	[bflag:$0x3] =	sbarrier.arrive $0xFFFF;
	s2 =	simm.s32 @!p0 $0x1C01  }
0x67: {  	[timem:s3], [sflag:s2] =	dma.local @!p0 [hbm:s0], s1  }
0x68: {  	s0 =	simm.s32 @!p0 $0x1  }
0x69: {  	_ =	swait.ge @!p0 [sflag:s0], s1  }
0x6a: {  	s1 =	ssub.s32 @!p0 $0x0, s1;
	[sflag:s0] =	ssyncset.done @!p0 $0x0  }
0x6b: {  	[sflag:s0] =	ssyncadd.s32 @!p0 s1  }
0x6c: {  	[bflag:$0x3] =	sbarrier.arrive $0xFFFF  }
0x6d: {  	_ =	shalt  }

</sc_bundles>
